<compile_context>
chip_gen: v7x
topology: tpu7x:2x2x1
jax: 0.10.2.dev20260603
libtpu: 0.0.44.dev20260713+nightly
codegen_flags: <defaults>
</compile_context>

<pallas_src>
import math

import jax
import jax.numpy as jnp
from jax import lax
from jax.experimental import pallas as pl
from jax.experimental.pallas import tpu as pltpu
from jax.experimental.pallas import tpu_sc as plsc

VOCAB = 1000000
D = 128
L = 200
B = 4096
N = B * L
NC, NS = 2, 16
NW = NC * NS
PER_W = N // NW
R = 128
S = PER_W // R
NBUF = 4
SQ = math.sqrt(float(D))


def _pe_table():
    pos = jnp.arange(0, L, dtype=jnp.float32)[:, None]
    div = jnp.exp(jnp.arange(0, D, 2, dtype=jnp.float32) * (-math.log(10000.0) / D))
    pe = jnp.zeros((L, D), dtype=jnp.float32)
    pe = pe.at[:, 0::2].set(jnp.sin(pos * div))
    pe = pe.at[:, 1::2].set(jnp.cos(pos * div))
    return pe


def _emb_body(idx_hbm, pe_hbm, table_hbm, out_hbm, idx_v, pe_v, rows, gsems, wsems):
    wid = lax.axis_index("s") * NC + lax.axis_index("c")
    base = wid * PER_W

    pltpu.sync_copy(idx_hbm.at[wid], idx_v)
    pltpu.sync_copy(pe_hbm, pe_v)

    def start_gather(step, b):
        return pltpu.async_copy(table_hbm.at[idx_v.at[step]], rows[b], gsems[b])

    def wait_gather(step, b):
        pltpu.make_async_copy(table_hbm.at[idx_v.at[step]], rows[b], gsems[b]).wait()

    def start_wb(step, b):
        return pltpu.async_copy(
            rows[b], out_hbm.at[pl.ds(base + step * R, R)], wsems[b])

    def wait_wb(step, b):
        pltpu.make_async_copy(
            rows[b], out_hbm.at[pl.ds(base + step * R, R)], wsems[b]).wait()

    def compute(b, s):
        buf = rows[b]
        pe_base = lax.rem(s * R, L)

        @plsc.parallel_loop(0, R, unroll=8)
        def _row(row):
            pr = pe_base + row
            pr = jnp.where(pr >= L, pr - L, pr)
            for c in range(D // 16):
                sl = pl.ds(c * 16, 16)
                buf[row, sl] = buf[row, sl] * SQ + pe_v[pr, sl]

    _SERIAL = False
    if _SERIAL:
        def body_serial(t, carry):
            for b in range(NBUF):
                s = t * NBUF + b
                start_gather(s, b)
                wait_gather(s, b)
                compute(b, s)
                start_wb(s, b)
                wait_wb(s, b)
            return carry
        lax.fori_loop(0, S // NBUF, body_serial, 0)
    else:
        for b in range(NBUF - 1):
            start_gather(b, b)

        def body(t, carry):
            for b in range(NBUF):
                s = t * NBUF + b
                wait_gather(s, b)
                compute(b, s)
                start_wb(s, b)
                g = s + NBUF - 1
                nb = (b + NBUF - 1) % NBUF
                if b == 0:
                    @pl.when(t >= 1)
                    def _():
                        wait_wb(s - 1, nb)
                    start_gather(g, nb)
                else:
                    @pl.when(g < S)
                    def _():
                        wait_wb(s - 1, nb)
                        start_gather(g, nb)
            return carry

        lax.fori_loop(0, S // NBUF, body, 0)

        for b in range(NBUF):
            wait_wb(S - NBUF + b, b)


def _emb_call(idx, pe, table):
    mesh = plsc.VectorSubcoreMesh(
        core_axis_name="c", subcore_axis_name="s", num_cores=NC, num_subcores=NS)
    return pl.kernel(
        _emb_body,
        out_type=jax.ShapeDtypeStruct((N, D), jnp.float32),
        mesh=mesh,
        scratch_types=[
            pltpu.VMEM((S, R), jnp.int32),
            pltpu.VMEM((L, D), jnp.float32),
            [pltpu.VMEM((R, D), jnp.float32) for _ in range(NBUF)],
            [pltpu.SemaphoreType.DMA for _ in range(NBUF)],
            [pltpu.SemaphoreType.DMA for _ in range(NBUF)],
        ],
    )(idx, pe, table)


def kernel(x, table):
    idx = x.reshape(NW, S, R)
    pe = _pe_table()
    out = _emb_call(idx, pe, table)
    return out.reshape(B, L, D)

# --- scband reference (transcript-rebuilt; emitter-appended) ---
"""Pipeline reference for scband-transformer-embedding-31482110280420 (READ-ONLY COPY).

The authoritative reference and input builder live on the scoring server;
editing this copy changes nothing except your own understanding.
"""

import jax, jax.numpy as jnp
import numpy as np
import math

VOCAB = 1000000
D_MODEL = 128
PAD_IDX = 0
MAX_LEN = 5000
B = 4096
L = 200


def _build_pe():
    pos = jnp.arange(0, MAX_LEN, dtype=jnp.float32)[:, None]
    div_term = jnp.exp(jnp.arange(0, D_MODEL, 2, dtype=jnp.float32) * (-math.log(10000.0) / D_MODEL))
    pe = jnp.zeros((MAX_LEN, D_MODEL), dtype=jnp.float32)
    pe = pe.at[:, 0::2].set(jnp.sin(pos * div_term))
    pe = pe.at[:, 1::2].set(jnp.cos(pos * div_term))
    return pe


def setup_inputs(seed: int = 0) -> dict:
    key = jax.random.key(seed)
    k1, k2 = jax.random.split(key)
    x = jax.random.randint(k1, (B, L), 0, VOCAB, dtype=jnp.int32)
    table = jax.random.normal(k2, (VOCAB, D_MODEL), dtype=jnp.float32)
    # nn.Embedding with padding_idx zeros out that row
    table = table.at[PAD_IDX].set(0.0)
    return {"x": x, "table": table}


def reference(x, table):
    # TransformerEmbedding.forward (eval mode: dropout = identity)
    length = x.shape[1]
    # enforce padding_idx row is zero (faithful to nn.Embedding padding_idx)
    table_eff = table.at[PAD_IDX].set(0.0)
    emb = jnp.take(table_eff, x, axis=0) * math.sqrt(D_MODEL)
    pe = _build_pe()
    emb = emb + pe[None, :length, :]
    return emb

if __name__ == "__main__":
    import jax
    _d = setup_inputs()
    print(jax.jit(kernel)(*tuple(_d.values())))

</pallas_src>

<mosaic_0001>
#map = affine_map<(d0, d1) -> (0, 0, 0)>
#map1 = affine_map<(d0, d1) -> (0, 0)>
module attributes {stable_mosaic.version = 14 : i64} {
  func.func @_emb_body(%arg0: i32, %arg1: i32, %arg2: memref<32x200x128xi32, #tpu.memory_space<hbm>>, %arg3: memref<200x128xf32, #tpu.memory_space<hbm>>, %arg4: memref<1000000x128xf32, #tpu.memory_space<hbm>>, %arg5: memref<819200x128xf32, #tpu.memory_space<hbm>>, %arg6: memref<200x128xi32, #tpu.memory_space<vmem>>, %arg7: memref<200x128xf32, #tpu.memory_space<vmem>>, %arg8: memref<128x128xf32, #tpu.memory_space<vmem>>, %arg9: memref<128x128xf32, #tpu.memory_space<vmem>>, %arg10: memref<128x128xf32, #tpu.memory_space<vmem>>, %arg11: memref<128x128xf32, #tpu.memory_space<vmem>>, %arg12: memref<!tpu.dma_semaphore, #tpu.memory_space<semaphore_mem>>, %arg13: memref<!tpu.dma_semaphore, #tpu.memory_space<semaphore_mem>>, %arg14: memref<!tpu.dma_semaphore, #tpu.memory_space<semaphore_mem>>, %arg15: memref<!tpu.dma_semaphore, #tpu.memory_space<semaphore_mem>>, %arg16: memref<!tpu.dma_semaphore, #tpu.memory_space<semaphore_mem>>, %arg17: memref<!tpu.dma_semaphore, #tpu.memory_space<semaphore_mem>>, %arg18: memref<!tpu.dma_semaphore, #tpu.memory_space<semaphore_mem>>, %arg19: memref<!tpu.dma_semaphore, #tpu.memory_space<semaphore_mem>>) attributes {dimension_semantics = [#tpu.dimension_semantics<core_parallel>, #tpu.dimension_semantics<subcore_parallel>], iteration_bounds = array<i64: 2, 16>, scalar_prefetch = 0 : i64, scratch_operands = 14 : i64, tpu.core_type = #tpu.core_type<sc_vector_subcore>, window_params = [{transform_indices = #map}, {transform_indices = #map1}, {transform_indices = #map1}, {transform_indices = #map1}]} {
    %mul3A = arith.constant 2 : i32
    %mul3A_0 = arith.muli %arg1, %mul3A : i32
    %add3A = arith.addi %mul3A_0, %arg0 : i32
    %mul3A_1 = arith.constant 25600 : i32
    %mul3A_2 = arith.muli %add3A, %mul3A_1 : i32
    "tpu.region"() ({
      %run_scoped3A = tpu.sem_alloc : memref<!tpu.dma_semaphore, #tpu.memory_space<semaphore_mem>>
      %dma_start3A_51 = arith.constant 0 : i32
      %dma_start3A_52 = arith.constant 0 : i32
      %dma_start3A_53 = tpu.memref_slice %arg2[%add3A, %dma_start3A_51, %dma_start3A_52] : memref<32x200x128xi32, #tpu.memory_space<hbm>> -> memref<1x200x128xi32, #tpu.memory_space<hbm>>
      %dma_start3A_54 = tpu.memref_squeeze %dma_start3A_53 : memref<1x200x128xi32, #tpu.memory_space<hbm>> -> memref<200x128xi32, #tpu.memory_space<hbm>>
      %dma_start3A_55 = arith.constant 0 : i32
      %dma_start3A_56 = arith.constant 0 : i32
      %dma_start3A_57 = tpu.memref_slice %arg2[%add3A, %dma_start3A_55, %dma_start3A_56] : memref<32x200x128xi32, #tpu.memory_space<hbm>> -> memref<1x200x128xi32, #tpu.memory_space<hbm>>
      %dma_start3A_58 = tpu.memref_squeeze %dma_start3A_57 : memref<1x200x128xi32, #tpu.memory_space<hbm>> -> memref<200x128xi32, #tpu.memory_space<hbm>>
      tpu.enqueue_dma source(%dma_start3A_58 : memref<200x128xi32, #tpu.memory_space<hbm>>) target(%arg6 : memref<200x128xi32, #tpu.memory_space<vmem>>) target_semaphore(%run_scoped3A : memref<!tpu.dma_semaphore, #tpu.memory_space<semaphore_mem>>)
      %dma_wait3A_59 = arith.constant 0 : i32
      %dma_wait3A_60 = arith.constant 0 : i32
      %dma_wait3A_61 = tpu.memref_slice %arg2[%add3A, %dma_wait3A_59, %dma_wait3A_60] : memref<32x200x128xi32, #tpu.memory_space<hbm>> -> memref<1x200x128xi32, #tpu.memory_space<hbm>>
      %dma_wait3A_62 = tpu.memref_squeeze %dma_wait3A_61 : memref<1x200x128xi32, #tpu.memory_space<hbm>> -> memref<200x128xi32, #tpu.memory_space<hbm>>
      %dma_wait3A_63 = arith.constant 0 : i32
      %dma_wait3A_64 = arith.constant 0 : i32
      %dma_wait3A_65 = tpu.memref_slice %arg2[%add3A, %dma_wait3A_63, %dma_wait3A_64] : memref<32x200x128xi32, #tpu.memory_space<hbm>> -> memref<1x200x128xi32, #tpu.memory_space<hbm>>
      %dma_wait3A_66 = tpu.memref_squeeze %dma_wait3A_65 : memref<1x200x128xi32, #tpu.memory_space<hbm>> -> memref<200x128xi32, #tpu.memory_space<hbm>>
      tpu.wait_dma2 semaphore(%run_scoped3A : memref<!tpu.dma_semaphore, #tpu.memory_space<semaphore_mem>>) src(%dma_wait3A_66 : memref<200x128xi32, #tpu.memory_space<hbm>>) dst(%arg6 : memref<200x128xi32, #tpu.memory_space<vmem>>)
      tpu.yield
    }) : () -> ()
    "tpu.region"() ({
      %run_scoped3A = tpu.sem_alloc : memref<!tpu.dma_semaphore, #tpu.memory_space<semaphore_mem>>
      tpu.enqueue_dma source(%arg3 : memref<200x128xf32, #tpu.memory_space<hbm>>) target(%arg7 : memref<200x128xf32, #tpu.memory_space<vmem>>) target_semaphore(%run_scoped3A : memref<!tpu.dma_semaphore, #tpu.memory_space<semaphore_mem>>)
      tpu.wait_dma2 semaphore(%run_scoped3A : memref<!tpu.dma_semaphore, #tpu.memory_space<semaphore_mem>>) src(%arg3 : memref<200x128xf32, #tpu.memory_space<hbm>>) dst(%arg7 : memref<200x128xf32, #tpu.memory_space<vmem>>)
      tpu.yield
    }) : () -> ()
    %dma_start3A = arith.constant 0 : i32
    %dma_start3A_3 = arith.constant 0 : i32
    %dma_start3A_4 = tpu.memref_slice %arg6[%dma_start3A, %dma_start3A_3] : memref<200x128xi32, #tpu.memory_space<vmem>> -> memref<1x128xi32, #tpu.memory_space<vmem>>
    %dma_start3A_5 = tpu.memref_squeeze %dma_start3A_4 : memref<1x128xi32, #tpu.memory_space<vmem>> -> memref<128xi32, #tpu.memory_space<vmem>>
    %dma_start3A_6 = arith.constant 0 : i32
    %dma_start3A_7 = arith.constant 0 : i32
    %dma_start3A_8 = tpu.memref_slice %arg4[%dma_start3A_6, %dma_start3A_7] : memref<1000000x128xf32, #tpu.memory_space<hbm>> -> memref<1000000x128xf32, #tpu.memory_space<hbm>>
    tpu.enqueue_indirect_dma source(%dma_start3A_8 : memref<1000000x128xf32, #tpu.memory_space<hbm>>) target(%arg8 : memref<128x128xf32, #tpu.memory_space<vmem>>) offsets(%dma_start3A_5 : memref<128xi32, #tpu.memory_space<vmem>>) semaphore(%arg12 : memref<!tpu.dma_semaphore, #tpu.memory_space<semaphore_mem>>)
    %dma_start3A_9 = arith.constant 1 : i32
    %dma_start3A_10 = arith.constant 0 : i32
    %dma_start3A_11 = tpu.memref_slice %arg6[%dma_start3A_9, %dma_start3A_10] : memref<200x128xi32, #tpu.memory_space<vmem>> -> memref<1x128xi32, #tpu.memory_space<vmem>>
    %dma_start3A_12 = tpu.memref_squeeze %dma_start3A_11 : memref<1x128xi32, #tpu.memory_space<vmem>> -> memref<128xi32, #tpu.memory_space<vmem>>
    %dma_start3A_13 = arith.constant 0 : i32
    %dma_start3A_14 = arith.constant 0 : i32
    %dma_start3A_15 = tpu.memref_slice %arg4[%dma_start3A_13, %dma_start3A_14] : memref<1000000x128xf32, #tpu.memory_space<hbm>> -> memref<1000000x128xf32, #tpu.memory_space<hbm>>
    tpu.enqueue_indirect_dma source(%dma_start3A_15 : memref<1000000x128xf32, #tpu.memory_space<hbm>>) target(%arg9 : memref<128x128xf32, #tpu.memory_space<vmem>>) offsets(%dma_start3A_12 : memref<128xi32, #tpu.memory_space<vmem>>) semaphore(%arg13 : memref<!tpu.dma_semaphore, #tpu.memory_space<semaphore_mem>>)
    %dma_start3A_16 = arith.constant 2 : i32
    %dma_start3A_17 = arith.constant 0 : i32
    %dma_start3A_18 = tpu.memref_slice %arg6[%dma_start3A_16, %dma_start3A_17] : memref<200x128xi32, #tpu.memory_space<vmem>> -> memref<1x128xi32, #tpu.memory_space<vmem>>
    %dma_start3A_19 = tpu.memref_squeeze %dma_start3A_18 : memref<1x128xi32, #tpu.memory_space<vmem>> -> memref<128xi32, #tpu.memory_space<vmem>>
    %dma_start3A_20 = arith.constant 0 : i32
    %dma_start3A_21 = arith.constant 0 : i32
    %dma_start3A_22 = tpu.memref_slice %arg4[%dma_start3A_20, %dma_start3A_21] : memref<1000000x128xf32, #tpu.memory_space<hbm>> -> memref<1000000x128xf32, #tpu.memory_space<hbm>>
    tpu.enqueue_indirect_dma source(%dma_start3A_22 : memref<1000000x128xf32, #tpu.memory_space<hbm>>) target(%arg10 : memref<128x128xf32, #tpu.memory_space<vmem>>) offsets(%dma_start3A_19 : memref<128xi32, #tpu.memory_space<vmem>>) semaphore(%arg14 : memref<!tpu.dma_semaphore, #tpu.memory_space<semaphore_mem>>)
    %scan3A = arith.constant 0 : i32
    %scan3A_23 = arith.constant 0 : i32
    %scan3A_24 = arith.constant 50 : i32
    %scan3A_25 = arith.addi %scan3A_23, %scan3A_24 : i32
    %scan3A_26 = arith.constant 1 : i32
    scf.for %scan3A_51 = %scan3A_23 to %scan3A_25 step %scan3A_26  : i32 {
      %mul3A_52 = arith.constant 4 : i32
      %mul3A_53 = arith.muli %scan3A_51, %mul3A_52 : i32
      %add3A_54 = arith.constant 0 : i32
      %add3A_55 = arith.addi %mul3A_53, %add3A_54 : i32
      %dma_wait3A_56 = arith.constant 0 : i32
      %dma_wait3A_57 = tpu.memref_slice %arg6[%add3A_55, %dma_wait3A_56] : memref<200x128xi32, #tpu.memory_space<vmem>> -> memref<1x128xi32, #tpu.memory_space<vmem>>
      %dma_wait3A_58 = tpu.memref_squeeze %dma_wait3A_57 : memref<1x128xi32, #tpu.memory_space<vmem>> -> memref<128xi32, #tpu.memory_space<vmem>>
      %dma_wait3A_59 = arith.constant 0 : i32
      %dma_wait3A_60 = arith.constant 0 : i32
      %dma_wait3A_61 = tpu.memref_slice %arg4[%dma_wait3A_59, %dma_wait3A_60] : memref<1000000x128xf32, #tpu.memory_space<hbm>> -> memref<1000000x128xf32, #tpu.memory_space<hbm>>
      tpu.wait_indirect_dma semaphore(%arg12 : memref<!tpu.dma_semaphore, #tpu.memory_space<semaphore_mem>>) src(%dma_wait3A_61 : memref<1000000x128xf32, #tpu.memory_space<hbm>>) dst(%arg8 : memref<128x128xf32, #tpu.memory_space<vmem>>)
      %mul3A_62 = arith.constant 128 : i32
      %mul3A_63 = arith.muli %add3A_55, %mul3A_62 : i32
      %rem3A = arith.constant 200 : i32
      %rem3A_64 = arith.remsi %mul3A_63, %rem3A : i32
      %parallel_loop3A = arith.constant 0 : i32
      %parallel_loop3A_65 = arith.constant 128 : i32
      %parallel_loop3A_66 = arith.constant 1 : i32
      scf.for %parallel_loop3A_183 = %parallel_loop3A to %parallel_loop3A_65 step %parallel_loop3A_66  : i32 {
        %parallel_loop3A_184 = arith.addi %rem3A_64, %parallel_loop3A_183 : i32
        %parallel_loop3A_185 = arith.constant 200 : i32
        %parallel_loop3A_186 = arith.cmpi sge, %parallel_loop3A_184, %parallel_loop3A_185 : i32
        %parallel_loop3A_187 = arith.constant 200 : i32
        %parallel_loop3A_188 = arith.subi %parallel_loop3A_184, %parallel_loop3A_187 : i32
        %parallel_loop3A_189 = arith.select %parallel_loop3A_186, %parallel_loop3A_188, %parallel_loop3A_184 : i32
        %parallel_loop3A_190 = arith.index_cast %parallel_loop3A_183 : i32 to index
        %parallel_loop3A_191 = arith.constant 0 : index
        %parallel_loop3A_192 = tpu.vector_load %arg8[%parallel_loop3A_190, %parallel_loop3A_191] {strides = array<i32>} : memref<128x128xf32, #tpu.memory_space<vmem>>, vector<1x16xf32>,
        %parallel_loop3A_193 = vector.shape_cast %parallel_loop3A_192 : vector<1x16xf32> to vector<16xf32>
        %parallel_loop3A_194 = arith.constant 11.3137083 : f32
        %parallel_loop3A_195 = vector.broadcast %parallel_loop3A_194 : f32 to vector<16xf32>
        %parallel_loop3A_196 = arith.mulf %parallel_loop3A_193, %parallel_loop3A_195 : vector<16xf32>
        %parallel_loop3A_197 = arith.index_cast %parallel_loop3A_189 : i32 to index
        %parallel_loop3A_198 = arith.constant 0 : index
        %parallel_loop3A_199 = tpu.vector_load %arg7[%parallel_loop3A_197, %parallel_loop3A_198] {strides = array<i32>} : memref<200x128xf32, #tpu.memory_space<vmem>>, vector<1x16xf32>,
        %parallel_loop3A_200 = vector.shape_cast %parallel_loop3A_199 : vector<1x16xf32> to vector<16xf32>
        %parallel_loop3A_201 = arith.addf %parallel_loop3A_196, %parallel_loop3A_200 : vector<16xf32>
        %parallel_loop3A_202 = arith.index_cast %parallel_loop3A_183 : i32 to index
        %parallel_loop3A_203 = arith.constant 0 : index
        %parallel_loop3A_204 = tpu.vector_load %arg8[%parallel_loop3A_202, %parallel_loop3A_203] {strides = array<i32>} : memref<128x128xf32, #tpu.memory_space<vmem>>, vector<1x16xf32>,
        %parallel_loop3A_205 = vector.shape_cast %parallel_loop3A_204 : vector<1x16xf32> to vector<16xf32>
        %parallel_loop3A_206 = vector.shape_cast %parallel_loop3A_201 : vector<16xf32> to vector<1x16xf32>
        tpu.vector_store %arg8[%parallel_loop3A_202, %parallel_loop3A_203], %parallel_loop3A_206 {strides = array<i32>} : memref<128x128xf32, #tpu.memory_space<vmem>>, vector<1x16xf32>,
        %parallel_loop3A_207 = arith.index_cast %parallel_loop3A_183 : i32 to index
        %parallel_loop3A_208 = arith.constant 16 : index
        %parallel_loop3A_209 = tpu.vector_load %arg8[%parallel_loop3A_207, %parallel_loop3A_208] {strides = array<i32>} : memref<128x128xf32, #tpu.memory_space<vmem>>, vector<1x16xf32>,
        %parallel_loop3A_210 = vector.shape_cast %parallel_loop3A_209 : vector<1x16xf32> to vector<16xf32>
        %parallel_loop3A_211 = arith.constant 11.3137083 : f32
        %parallel_loop3A_212 = vector.broadcast %parallel_loop3A_211 : f32 to vector<16xf32>
        %parallel_loop3A_213 = arith.mulf %parallel_loop3A_210, %parallel_loop3A_212 : vector<16xf32>
        %parallel_loop3A_214 = arith.index_cast %parallel_loop3A_189 : i32 to index
        %parallel_loop3A_215 = arith.constant 16 : index
        %parallel_loop3A_216 = tpu.vector_load %arg7[%parallel_loop3A_214, %parallel_loop3A_215] {strides = array<i32>} : memref<200x128xf32, #tpu.memory_space<vmem>>, vector<1x16xf32>,
        %parallel_loop3A_217 = vector.shape_cast %parallel_loop3A_216 : vector<1x16xf32> to vector<16xf32>
        %parallel_loop3A_218 = arith.addf %parallel_loop3A_213, %parallel_loop3A_217 : vector<16xf32>
        %parallel_loop3A_219 = arith.index_cast %parallel_loop3A_183 : i32 to index
        %parallel_loop3A_220 = arith.constant 16 : index
        %parallel_loop3A_221 = tpu.vector_load %arg8[%parallel_loop3A_219, %parallel_loop3A_220] {strides = array<i32>} : memref<128x128xf32, #tpu.memory_space<vmem>>, vector<1x16xf32>,
        %parallel_loop3A_222 = vector.shape_cast %parallel_loop3A_221 : vector<1x16xf32> to vector<16xf32>
        %parallel_loop3A_223 = vector.shape_cast %parallel_loop3A_218 : vector<16xf32> to vector<1x16xf32>
        tpu.vector_store %arg8[%parallel_loop3A_219, %parallel_loop3A_220], %parallel_loop3A_223 {strides = array<i32>} : memref<128x128xf32, #tpu.memory_space<vmem>>, vector<1x16xf32>,
        %parallel_loop3A_224 = arith.index_cast %parallel_loop3A_183 : i32 to index
        %parallel_loop3A_225 = arith.constant 32 : index
        %parallel_loop3A_226 = tpu.vector_load %arg8[%parallel_loop3A_224, %parallel_loop3A_225] {strides = array<i32>} : memref<128x128xf32, #tpu.memory_space<vmem>>, vector<1x16xf32>,
        %parallel_loop3A_227 = vector.shape_cast %parallel_loop3A_226 : vector<1x16xf32> to vector<16xf32>
        %parallel_loop3A_228 = arith.constant 11.3137083 : f32
        %parallel_loop3A_229 = vector.broadcast %parallel_loop3A_228 : f32 to vector<16xf32>
        %parallel_loop3A_230 = arith.mulf %parallel_loop3A_227, %parallel_loop3A_229 : vector<16xf32>
        %parallel_loop3A_231 = arith.index_cast %parallel_loop3A_189 : i32 to index
        %parallel_loop3A_232 = arith.constant 32 : index
        %parallel_loop3A_233 = tpu.vector_load %arg7[%parallel_loop3A_231, %parallel_loop3A_232] {strides = array<i32>} : memref<200x128xf32, #tpu.memory_space<vmem>>, vector<1x16xf32>,
        %parallel_loop3A_234 = vector.shape_cast %parallel_loop3A_233 : vector<1x16xf32> to vector<16xf32>
        %parallel_loop3A_235 = arith.addf %parallel_loop3A_230, %parallel_loop3A_234 : vector<16xf32>
        %parallel_loop3A_236 = arith.index_cast %parallel_loop3A_183 : i32 to index
        %parallel_loop3A_237 = arith.constant 32 : index
        %parallel_loop3A_238 = tpu.vector_load %arg8[%parallel_loop3A_236, %parallel_loop3A_237] {strides = array<i32>} : memref<128x128xf32, #tpu.memory_space<vmem>>, vector<1x16xf32>,
        %parallel_loop3A_239 = vector.shape_cast %parallel_loop3A_238 : vector<1x16xf32> to vector<16xf32>
        %parallel_loop3A_240 = vector.shape_cast %parallel_loop3A_235 : vector<16xf32> to vector<1x16xf32>
        tpu.vector_store %arg8[%parallel_loop3A_236, %parallel_loop3A_237], %parallel_loop3A_240 {strides = array<i32>} : memref<128x128xf32, #tpu.memory_space<vmem>>, vector<1x16xf32>,
        %parallel_loop3A_241 = arith.index_cast %parallel_loop3A_183 : i32 to index
        %parallel_loop3A_242 = arith.constant 48 : index
        %parallel_loop3A_243 = tpu.vector_load %arg8[%parallel_loop3A_241, %parallel_loop3A_242] {strides = array<i32>} : memref<128x128xf32, #tpu.memory_space<vmem>>, vector<1x16xf32>,
        %parallel_loop3A_244 = vector.shape_cast %parallel_loop3A_243 : vector<1x16xf32> to vector<16xf32>
        %parallel_loop3A_245 = arith.constant 11.3137083 : f32
        %parallel_loop3A_246 = vector.broadcast %parallel_loop3A_245 : f32 to vector<16xf32>
        %parallel_loop3A_247 = arith.mulf %parallel_loop3A_244, %parallel_loop3A_246 : vector<16xf32>
        %parallel_loop3A_248 = arith.index_cast %parallel_loop3A_189 : i32 to index
        %parallel_loop3A_249 = arith.constant 48 : index
        %parallel_loop3A_250 = tpu.vector_load %arg7[%parallel_loop3A_248, %parallel_loop3A_249] {strides = array<i32>} : memref<200x128xf32, #tpu.memory_space<vmem>>, vector<1x16xf32>,
        %parallel_loop3A_251 = vector.shape_cast %parallel_loop3A_250 : vector<1x16xf32> to vector<16xf32>
        %parallel_loop3A_252 = arith.addf %parallel_loop3A_247, %parallel_loop3A_251 : vector<16xf32>
        %parallel_loop3A_253 = arith.index_cast %parallel_loop3A_183 : i32 to index
        %parallel_loop3A_254 = arith.constant 48 : index
        %parallel_loop3A_255 = tpu.vector_load %arg8[%parallel_loop3A_253, %parallel_loop3A_254] {strides = array<i32>} : memref<128x128xf32, #tpu.memory_space<vmem>>, vector<1x16xf32>,
        %parallel_loop3A_256 = vector.shape_cast %parallel_loop3A_255 : vector<1x16xf32> to vector<16xf32>
        %parallel_loop3A_257 = vector.shape_cast %parallel_loop3A_252 : vector<16xf32> to vector<1x16xf32>
        tpu.vector_store %arg8[%parallel_loop3A_253, %parallel_loop3A_254], %parallel_loop3A_257 {strides = array<i32>} : memref<128x128xf32, #tpu.memory_space<vmem>>, vector<1x16xf32>,
        %parallel_loop3A_258 = arith.index_cast %parallel_loop3A_183 : i32 to index
        %parallel_loop3A_259 = arith.constant 64 : index
        %parallel_loop3A_260 = tpu.vector_load %arg8[%parallel_loop3A_258, %parallel_loop3A_259] {strides = array<i32>} : memref<128x128xf32, #tpu.memory_space<vmem>>, vector<1x16xf32>,
        %parallel_loop3A_261 = vector.shape_cast %parallel_loop3A_260 : vector<1x16xf32> to vector<16xf32>
        %parallel_loop3A_262 = arith.constant 11.3137083 : f32
        %parallel_loop3A_263 = vector.broadcast %parallel_loop3A_262 : f32 to vector<16xf32>
        %parallel_loop3A_264 = arith.mulf %parallel_loop3A_261, %parallel_loop3A_263 : vector<16xf32>
        %parallel_loop3A_265 = arith.index_cast %parallel_loop3A_189 : i32 to index
        %parallel_loop3A_266 = arith.constant 64 : index
        %parallel_loop3A_267 = tpu.vector_load %arg7[%parallel_loop3A_265, %parallel_loop3A_266] {strides = array<i32>} : memref<200x128xf32, #tpu.memory_space<vmem>>, vector<1x16xf32>,
        %parallel_loop3A_268 = vector.shape_cast %parallel_loop3A_267 : vector<1x16xf32> to vector<16xf32>
        %parallel_loop3A_269 = arith.addf %parallel_loop3A_264, %parallel_loop3A_268 : vector<16xf32>
        %parallel_loop3A_270 = arith.index_cast %parallel_loop3A_183 : i32 to index
        %parallel_loop3A_271 = arith.constant 64 : index
        %parallel_loop3A_272 = tpu.vector_load %arg8[%parallel_loop3A_270, %parallel_loop3A_271] {strides = array<i32>} : memref<128x128xf32, #tpu.memory_space<vmem>>, vector<1x16xf32>,
        %parallel_loop3A_273 = vector.shape_cast %parallel_loop3A_272 : vector<1x16xf32> to vector<16xf32>
        %parallel_loop3A_274 = vector.shape_cast %parallel_loop3A_269 : vector<16xf32> to vector<1x16xf32>
        tpu.vector_store %arg8[%parallel_loop3A_270, %parallel_loop3A_271], %parallel_loop3A_274 {strides = array<i32>} : memref<128x128xf32, #tpu.memory_space<vmem>>, vector<1x16xf32>,
        %parallel_loop3A_275 = arith.index_cast %parallel_loop3A_183 : i32 to index
        %parallel_loop3A_276 = arith.constant 80 : index
        %parallel_loop3A_277 = tpu.vector_load %arg8[%parallel_loop3A_275, %parallel_loop3A_276] {strides = array<i32>} : memref<128x128xf32, #tpu.memory_space<vmem>>, vector<1x16xf32>,
        %parallel_loop3A_278 = vector.shape_cast %parallel_loop3A_277 : vector<1x16xf32> to vector<16xf32>
        %parallel_loop3A_279 = arith.constant 11.3137083 : f32
        %parallel_loop3A_280 = vector.broadcast %parallel_loop3A_279 : f32 to vector<16xf32>
        %parallel_loop3A_281 = arith.mulf %parallel_loop3A_278, %parallel_loop3A_280 : vector<16xf32>
        %parallel_loop3A_282 = arith.index_cast %parallel_loop3A_189 : i32 to index
        %parallel_loop3A_283 = arith.constant 80 : index
        %parallel_loop3A_284 = tpu.vector_load %arg7[%parallel_loop3A_282, %parallel_loop3A_283] {strides = array<i32>} : memref<200x128xf32, #tpu.memory_space<vmem>>, vector<1x16xf32>,
        %parallel_loop3A_285 = vector.shape_cast %parallel_loop3A_284 : vector<1x16xf32> to vector<16xf32>
        %parallel_loop3A_286 = arith.addf %parallel_loop3A_281, %parallel_loop3A_285 : vector<16xf32>
        %parallel_loop3A_287 = arith.index_cast %parallel_loop3A_183 : i32 to index
        %parallel_loop3A_288 = arith.constant 80 : index
        %parallel_loop3A_289 = tpu.vector_load %arg8[%parallel_loop3A_287, %parallel_loop3A_288] {strides = array<i32>} : memref<128x128xf32, #tpu.memory_space<vmem>>, vector<1x16xf32>,
        %parallel_loop3A_290 = vector.shape_cast %parallel_loop3A_289 : vector<1x16xf32> to vector<16xf32>
        %parallel_loop3A_291 = vector.shape_cast %parallel_loop3A_286 : vector<16xf32> to vector<1x16xf32>
        tpu.vector_store %arg8[%parallel_loop3A_287, %parallel_loop3A_288], %parallel_loop3A_291 {strides = array<i32>} : memref<128x128xf32, #tpu.memory_space<vmem>>, vector<1x16xf32>,
        %parallel_loop3A_292 = arith.index_cast %parallel_loop3A_183 : i32 to index
        %parallel_loop3A_293 = arith.constant 96 : index
        %parallel_loop3A_294 = tpu.vector_load %arg8[%parallel_loop3A_292, %parallel_loop3A_293] {strides = array<i32>} : memref<128x128xf32, #tpu.memory_space<vmem>>, vector<1x16xf32>,
        %parallel_loop3A_295 = vector.shape_cast %parallel_loop3A_294 : vector<1x16xf32> to vector<16xf32>
        %parallel_loop3A_296 = arith.constant 11.3137083 : f32
        %parallel_loop3A_297 = vector.broadcast %parallel_loop3A_296 : f32 to vector<16xf32>
        %parallel_loop3A_298 = arith.mulf %parallel_loop3A_295, %parallel_loop3A_297 : vector<16xf32>
        %parallel_loop3A_299 = arith.index_cast %parallel_loop3A_189 : i32 to index
        %parallel_loop3A_300 = arith.constant 96 : index
        %parallel_loop3A_301 = tpu.vector_load %arg7[%parallel_loop3A_299, %parallel_loop3A_300] {strides = array<i32>} : memref<200x128xf32, #tpu.memory_space<vmem>>, vector<1x16xf32>,
        %parallel_loop3A_302 = vector.shape_cast %parallel_loop3A_301 : vector<1x16xf32> to vector<16xf32>
        %parallel_loop3A_303 = arith.addf %parallel_loop3A_298, %parallel_loop3A_302 : vector<16xf32>
        %parallel_loop3A_304 = arith.index_cast %parallel_loop3A_183 : i32 to index
        %parallel_loop3A_305 = arith.constant 96 : index
        %parallel_loop3A_306 = tpu.vector_load %arg8[%parallel_loop3A_304, %parallel_loop3A_305] {strides = array<i32>} : memref<128x128xf32, #tpu.memory_space<vmem>>, vector<1x16xf32>,
        %parallel_loop3A_307 = vector.shape_cast %parallel_loop3A_306 : vector<1x16xf32> to vector<16xf32>
        %parallel_loop3A_308 = vector.shape_cast %parallel_loop3A_303 : vector<16xf32> to vector<1x16xf32>
        tpu.vector_store %arg8[%parallel_loop3A_304, %parallel_loop3A_305], %parallel_loop3A_308 {strides = array<i32>} : memref<128x128xf32, #tpu.memory_space<vmem>>, vector<1x16xf32>,
        %parallel_loop3A_309 = arith.index_cast %parallel_loop3A_183 : i32 to index
        %parallel_loop3A_310 = arith.constant 112 : index
        %parallel_loop3A_311 = tpu.vector_load %arg8[%parallel_loop3A_309, %parallel_loop3A_310] {strides = array<i32>} : memref<128x128xf32, #tpu.memory_space<vmem>>, vector<1x16xf32>,
        %parallel_loop3A_312 = vector.shape_cast %parallel_loop3A_311 : vector<1x16xf32> to vector<16xf32>
        %parallel_loop3A_313 = arith.constant 11.3137083 : f32
        %parallel_loop3A_314 = vector.broadcast %parallel_loop3A_313 : f32 to vector<16xf32>
        %parallel_loop3A_315 = arith.mulf %parallel_loop3A_312, %parallel_loop3A_314 : vector<16xf32>
        %parallel_loop3A_316 = arith.index_cast %parallel_loop3A_189 : i32 to index
        %parallel_loop3A_317 = arith.constant 112 : index
        %parallel_loop3A_318 = tpu.vector_load %arg7[%parallel_loop3A_316, %parallel_loop3A_317] {strides = array<i32>} : memref<200x128xf32, #tpu.memory_space<vmem>>, vector<1x16xf32>,
        %parallel_loop3A_319 = vector.shape_cast %parallel_loop3A_318 : vector<1x16xf32> to vector<16xf32>
        %parallel_loop3A_320 = arith.addf %parallel_loop3A_315, %parallel_loop3A_319 : vector<16xf32>
        %parallel_loop3A_321 = arith.index_cast %parallel_loop3A_183 : i32 to index
        %parallel_loop3A_322 = arith.constant 112 : index
        %parallel_loop3A_323 = tpu.vector_load %arg8[%parallel_loop3A_321, %parallel_loop3A_322] {strides = array<i32>} : memref<128x128xf32, #tpu.memory_space<vmem>>, vector<1x16xf32>,
        %parallel_loop3A_324 = vector.shape_cast %parallel_loop3A_323 : vector<1x16xf32> to vector<16xf32>
        %parallel_loop3A_325 = vector.shape_cast %parallel_loop3A_320 : vector<16xf32> to vector<1x16xf32>
        tpu.vector_store %arg8[%parallel_loop3A_321, %parallel_loop3A_322], %parallel_loop3A_325 {strides = array<i32>} : memref<128x128xf32, #tpu.memory_space<vmem>>, vector<1x16xf32>,
      } {sc.loop_unroll_factor = 8 : i64, sc.parallel_access}
      %mul3A_67 = arith.constant 128 : i32
      %mul3A_68 = arith.muli %add3A_55, %mul3A_67 : i32
      %add3A_69 = arith.addi %mul3A_2, %mul3A_68 : i32
      %dma_start3A_70 = arith.constant 0 : i32
      %dma_start3A_71 = tpu.memref_slice %arg5[%add3A_69, %dma_start3A_70] : memref<819200x128xf32, #tpu.memory_space<hbm>> -> memref<128x128xf32, #tpu.memory_space<hbm>>
      %dma_start3A_72 = arith.constant 0 : i32
      %dma_start3A_73 = tpu.memref_slice %arg5[%add3A_69, %dma_start3A_72] : memref<819200x128xf32, #tpu.memory_space<hbm>> -> memref<128x128xf32, #tpu.memory_space<hbm>>
      tpu.enqueue_dma source(%arg8 : memref<128x128xf32, #tpu.memory_space<vmem>>) target(%dma_start3A_73 : memref<128x128xf32, #tpu.memory_space<hbm>>) target_semaphore(%arg16 : memref<!tpu.dma_semaphore, #tpu.memory_space<semaphore_mem>>)
      %add3A_74 = arith.constant 4 : i32
      %add3A_75 = arith.addi %add3A_55, %add3A_74 : i32
      %sub3A = arith.constant 1 : i32
      %sub3A_76 = arith.subi %add3A_75, %sub3A : i32
      %ge3A = arith.constant 1 : i32
      %ge3A_77 = arith.cmpi sge, %scan3A_51, %ge3A : i32
      %convert_element_type3A = arith.extui %ge3A_77 : i1 to i32
      %cond3A = arith.constant 0 : i32
      %cond3A_78 = arith.cmpi ne, %convert_element_type3A, %cond3A : i32
      scf.if %cond3A_78 {
        %sub3A_183 = arith.constant 1 : i32
        %sub3A_184 = arith.subi %add3A_55, %sub3A_183 : i32
        %mul3A_185 = arith.constant 128 : i32
        %mul3A_186 = arith.muli %sub3A_184, %mul3A_185 : i32
        %add3A_187 = arith.addi %mul3A_2, %mul3A_186 : i32
        %dma_wait3A_188 = arith.constant 0 : i32
        %dma_wait3A_189 = tpu.memref_slice %arg5[%add3A_187, %dma_wait3A_188] : memref<819200x128xf32, #tpu.memory_space<hbm>> -> memref<128x128xf32, #tpu.memory_space<hbm>>
        %dma_wait3A_190 = arith.constant 0 : i32
        %dma_wait3A_191 = tpu.memref_slice %arg5[%add3A_187, %dma_wait3A_190] : memref<819200x128xf32, #tpu.memory_space<hbm>> -> memref<128x128xf32, #tpu.memory_space<hbm>>
        tpu.wait_dma2 semaphore(%arg19 : memref<!tpu.dma_semaphore, #tpu.memory_space<semaphore_mem>>) src(%arg11 : memref<128x128xf32, #tpu.memory_space<vmem>>) dst(%dma_wait3A_191 : memref<128x128xf32, #tpu.memory_space<hbm>>)
      } else {
      }
      %dma_start3A_79 = arith.constant 0 : i32
      %dma_start3A_80 = tpu.memref_slice %arg6[%sub3A_76, %dma_start3A_79] : memref<200x128xi32, #tpu.memory_space<vmem>> -> memref<1x128xi32, #tpu.memory_space<vmem>>
      %dma_start3A_81 = tpu.memref_squeeze %dma_start3A_80 : memref<1x128xi32, #tpu.memory_space<vmem>> -> memref<128xi32, #tpu.memory_space<vmem>>
      %dma_start3A_82 = arith.constant 0 : i32
      %dma_start3A_83 = arith.constant 0 : i32
      %dma_start3A_84 = tpu.memref_slice %arg4[%dma_start3A_82, %dma_start3A_83] : memref<1000000x128xf32, #tpu.memory_space<hbm>> -> memref<1000000x128xf32, #tpu.memory_space<hbm>>
      tpu.enqueue_indirect_dma source(%dma_start3A_84 : memref<1000000x128xf32, #tpu.memory_space<hbm>>) target(%arg11 : memref<128x128xf32, #tpu.memory_space<vmem>>) offsets(%dma_start3A_81 : memref<128xi32, #tpu.memory_space<vmem>>) semaphore(%arg15 : memref<!tpu.dma_semaphore, #tpu.memory_space<semaphore_mem>>)
      %mul3A_85 = arith.constant 4 : i32
      %mul3A_86 = arith.muli %scan3A_51, %mul3A_85 : i32
      %add3A_87 = arith.constant 1 : i32
      %add3A_88 = arith.addi %mul3A_86, %add3A_87 : i32
      %dma_wait3A_89 = arith.constant 0 : i32
      %dma_wait3A_90 = tpu.memref_slice %arg6[%add3A_88, %dma_wait3A_89] : memref<200x128xi32, #tpu.memory_space<vmem>> -> memref<1x128xi32, #tpu.memory_space<vmem>>
      %dma_wait3A_91 = tpu.memref_squeeze %dma_wait3A_90 : memref<1x128xi32, #tpu.memory_space<vmem>> -> memref<128xi32, #tpu.memory_space<vmem>>
      %dma_wait3A_92 = arith.constant 0 : i32
      %dma_wait3A_93 = arith.constant 0 : i32
      %dma_wait3A_94 = tpu.memref_slice %arg4[%dma_wait3A_92, %dma_wait3A_93] : memref<1000000x128xf32, #tpu.memory_space<hbm>> -> memref<1000000x128xf32, #tpu.memory_space<hbm>>
      tpu.wait_indirect_dma semaphore(%arg13 : memref<!tpu.dma_semaphore, #tpu.memory_space<semaphore_mem>>) src(%dma_wait3A_94 : memref<1000000x128xf32, #tpu.memory_space<hbm>>) dst(%arg9 : memref<128x128xf32, #tpu.memory_space<vmem>>)
      %mul3A_95 = arith.constant 128 : i32
      %mul3A_96 = arith.muli %add3A_88, %mul3A_95 : i32
      %rem3A_97 = arith.constant 200 : i32
      %rem3A_98 = arith.remsi %mul3A_96, %rem3A_97 : i32
      %parallel_loop3A_99 = arith.constant 0 : i32
      %parallel_loop3A_100 = arith.constant 128 : i32
      %parallel_loop3A_101 = arith.constant 1 : i32
      scf.for %parallel_loop3A_183 = %parallel_loop3A_99 to %parallel_loop3A_100 step %parallel_loop3A_101  : i32 {
        %parallel_loop3A_184 = arith.addi %rem3A_98, %parallel_loop3A_183 : i32
        %parallel_loop3A_185 = arith.constant 200 : i32
        %parallel_loop3A_186 = arith.cmpi sge, %parallel_loop3A_184, %parallel_loop3A_185 : i32
        %parallel_loop3A_187 = arith.constant 200 : i32
        %parallel_loop3A_188 = arith.subi %parallel_loop3A_184, %parallel_loop3A_187 : i32
        %parallel_loop3A_189 = arith.select %parallel_loop3A_186, %parallel_loop3A_188, %parallel_loop3A_184 : i32
        %parallel_loop3A_190 = arith.index_cast %parallel_loop3A_183 : i32 to index
        %parallel_loop3A_191 = arith.constant 0 : index
        %parallel_loop3A_192 = tpu.vector_load %arg9[%parallel_loop3A_190, %parallel_loop3A_191] {strides = array<i32>} : memref<128x128xf32, #tpu.memory_space<vmem>>, vector<1x16xf32>,
        %parallel_loop3A_193 = vector.shape_cast %parallel_loop3A_192 : vector<1x16xf32> to vector<16xf32>
        %parallel_loop3A_194 = arith.constant 11.3137083 : f32
        %parallel_loop3A_195 = vector.broadcast %parallel_loop3A_194 : f32 to vector<16xf32>
        %parallel_loop3A_196 = arith.mulf %parallel_loop3A_193, %parallel_loop3A_195 : vector<16xf32>
        %parallel_loop3A_197 = arith.index_cast %parallel_loop3A_189 : i32 to index
        %parallel_loop3A_198 = arith.constant 0 : index
        %parallel_loop3A_199 = tpu.vector_load %arg7[%parallel_loop3A_197, %parallel_loop3A_198] {strides = array<i32>} : memref<200x128xf32, #tpu.memory_space<vmem>>, vector<1x16xf32>,
        %parallel_loop3A_200 = vector.shape_cast %parallel_loop3A_199 : vector<1x16xf32> to vector<16xf32>
        %parallel_loop3A_201 = arith.addf %parallel_loop3A_196, %parallel_loop3A_200 : vector<16xf32>
        %parallel_loop3A_202 = arith.index_cast %parallel_loop3A_183 : i32 to index
        %parallel_loop3A_203 = arith.constant 0 : index
        %parallel_loop3A_204 = tpu.vector_load %arg9[%parallel_loop3A_202, %parallel_loop3A_203] {strides = array<i32>} : memref<128x128xf32, #tpu.memory_space<vmem>>, vector<1x16xf32>,
        %parallel_loop3A_205 = vector.shape_cast %parallel_loop3A_204 : vector<1x16xf32> to vector<16xf32>
        %parallel_loop3A_206 = vector.shape_cast %parallel_loop3A_201 : vector<16xf32> to vector<1x16xf32>
        tpu.vector_store %arg9[%parallel_loop3A_202, %parallel_loop3A_203], %parallel_loop3A_206 {strides = array<i32>} : memref<128x128xf32, #tpu.memory_space<vmem>>, vector<1x16xf32>,
        %parallel_loop3A_207 = arith.index_cast %parallel_loop3A_183 : i32 to index
        %parallel_loop3A_208 = arith.constant 16 : index
        %parallel_loop3A_209 = tpu.vector_load %arg9[%parallel_loop3A_207, %parallel_loop3A_208] {strides = array<i32>} : memref<128x128xf32, #tpu.memory_space<vmem>>, vector<1x16xf32>,
        %parallel_loop3A_210 = vector.shape_cast %parallel_loop3A_209 : vector<1x16xf32> to vector<16xf32>
        %parallel_loop3A_211 = arith.constant 11.3137083 : f32
        %parallel_loop3A_212 = vector.broadcast %parallel_loop3A_211 : f32 to vector<16xf32>
        %parallel_loop3A_213 = arith.mulf %parallel_loop3A_210, %parallel_loop3A_212 : vector<16xf32>
        %parallel_loop3A_214 = arith.index_cast %parallel_loop3A_189 : i32 to index
        %parallel_loop3A_215 = arith.constant 16 : index
        %parallel_loop3A_216 = tpu.vector_load %arg7[%parallel_loop3A_214, %parallel_loop3A_215] {strides = array<i32>} : memref<200x128xf32, #tpu.memory_space<vmem>>, vector<1x16xf32>,
        %parallel_loop3A_217 = vector.shape_cast %parallel_loop3A_216 : vector<1x16xf32> to vector<16xf32>
        %parallel_loop3A_218 = arith.addf %parallel_loop3A_213, %parallel_loop3A_217 : vector<16xf32>
        %parallel_loop3A_219 = arith.index_cast %parallel_loop3A_183 : i32 to index
        %parallel_loop3A_220 = arith.constant 16 : index
        %parallel_loop3A_221 = tpu.vector_load %arg9[%parallel_loop3A_219, %parallel_loop3A_220] {strides = array<i32>} : memref<128x128xf32, #tpu.memory_space<vmem>>, vector<1x16xf32>,
        %parallel_loop3A_222 = vector.shape_cast %parallel_loop3A_221 : vector<1x16xf32> to vector<16xf32>
        %parallel_loop3A_223 = vector.shape_cast %parallel_loop3A_218 : vector<16xf32> to vector<1x16xf32>
        tpu.vector_store %arg9[%parallel_loop3A_219, %parallel_loop3A_220], %parallel_loop3A_223 {strides = array<i32>} : memref<128x128xf32, #tpu.memory_space<vmem>>, vector<1x16xf32>,
        %parallel_loop3A_224 = arith.index_cast %parallel_loop3A_183 : i32 to index
        %parallel_loop3A_225 = arith.constant 32 : index
        %parallel_loop3A_226 = tpu.vector_load %arg9[%parallel_loop3A_224, %parallel_loop3A_225] {strides = array<i32>} : memref<128x128xf32, #tpu.memory_space<vmem>>, vector<1x16xf32>,
        %parallel_loop3A_227 = vector.shape_cast %parallel_loop3A_226 : vector<1x16xf32> to vector<16xf32>
        %parallel_loop3A_228 = arith.constant 11.3137083 : f32
        %parallel_loop3A_229 = vector.broadcast %parallel_loop3A_228 : f32 to vector<16xf32>
        %parallel_loop3A_230 = arith.mulf %parallel_loop3A_227, %parallel_loop3A_229 : vector<16xf32>
        %parallel_loop3A_231 = arith.index_cast %parallel_loop3A_189 : i32 to index
        %parallel_loop3A_232 = arith.constant 32 : index
        %parallel_loop3A_233 = tpu.vector_load %arg7[%parallel_loop3A_231, %parallel_loop3A_232] {strides = array<i32>} : memref<200x128xf32, #tpu.memory_space<vmem>>, vector<1x16xf32>,
        %parallel_loop3A_234 = vector.shape_cast %parallel_loop3A_233 : vector<1x16xf32> to vector<16xf32>
        %parallel_loop3A_235 = arith.addf %parallel_loop3A_230, %parallel_loop3A_234 : vector<16xf32>
        %parallel_loop3A_236 = arith.index_cast %parallel_loop3A_183 : i32 to index
        %parallel_loop3A_237 = arith.constant 32 : index
        %parallel_loop3A_238 = tpu.vector_load %arg9[%parallel_loop3A_236, %parallel_loop3A_237] {strides = array<i32>} : memref<128x128xf32, #tpu.memory_space<vmem>>, vector<1x16xf32>,
        %parallel_loop3A_239 = vector.shape_cast %parallel_loop3A_238 : vector<1x16xf32> to vector<16xf32>
        %parallel_loop3A_240 = vector.shape_cast %parallel_loop3A_235 : vector<16xf32> to vector<1x16xf32>
        tpu.vector_store %arg9[%parallel_loop3A_236, %parallel_loop3A_237], %parallel_loop3A_240 {strides = array<i32>} : memref<128x128xf32, #tpu.memory_space<vmem>>, vector<1x16xf32>,
        %parallel_loop3A_241 = arith.index_cast %parallel_loop3A_183 : i32 to index
        %parallel_loop3A_242 = arith.constant 48 : index
        %parallel_loop3A_243 = tpu.vector_load %arg9[%parallel_loop3A_241, %parallel_loop3A_242] {strides = array<i32>} : memref<128x128xf32, #tpu.memory_space<vmem>>, vector<1x16xf32>,
        %parallel_loop3A_244 = vector.shape_cast %parallel_loop3A_243 : vector<1x16xf32> to vector<16xf32>
        %parallel_loop3A_245 = arith.constant 11.3137083 : f32
        %parallel_loop3A_246 = vector.broadcast %parallel_loop3A_245 : f32 to vector<16xf32>
        %parallel_loop3A_247 = arith.mulf %parallel_loop3A_244, %parallel_loop3A_246 : vector<16xf32>
        %parallel_loop3A_248 = arith.index_cast %parallel_loop3A_189 : i32 to index
        %parallel_loop3A_249 = arith.constant 48 : index
        %parallel_loop3A_250 = tpu.vector_load %arg7[%parallel_loop3A_248, %parallel_loop3A_249] {strides = array<i32>} : memref<200x128xf32, #tpu.memory_space<vmem>>, vector<1x16xf32>,
        %parallel_loop3A_251 = vector.shape_cast %parallel_loop3A_250 : vector<1x16xf32> to vector<16xf32>
        %parallel_loop3A_252 = arith.addf %parallel_loop3A_247, %parallel_loop3A_251 : vector<16xf32>
        %parallel_loop3A_253 = arith.index_cast %parallel_loop3A_183 : i32 to index
        %parallel_loop3A_254 = arith.constant 48 : index
        %parallel_loop3A_255 = tpu.vector_load %arg9[%parallel_loop3A_253, %parallel_loop3A_254] {strides = array<i32>} : memref<128x128xf32, #tpu.memory_space<vmem>>, vector<1x16xf32>,
        %parallel_loop3A_256 = vector.shape_cast %parallel_loop3A_255 : vector<1x16xf32> to vector<16xf32>
        %parallel_loop3A_257 = vector.shape_cast %parallel_loop3A_252 : vector<16xf32> to vector<1x16xf32>
        tpu.vector_store %arg9[%parallel_loop3A_253, %parallel_loop3A_254], %parallel_loop3A_257 {strides = array<i32>} : memref<128x128xf32, #tpu.memory_space<vmem>>, vector<1x16xf32>,
        %parallel_loop3A_258 = arith.index_cast %parallel_loop3A_183 : i32 to index
        %parallel_loop3A_259 = arith.constant 64 : index
        %parallel_loop3A_260 = tpu.vector_load %arg9[%parallel_loop3A_258, %parallel_loop3A_259] {strides = array<i32>} : memref<128x128xf32, #tpu.memory_space<vmem>>, vector<1x16xf32>,
        %parallel_loop3A_261 = vector.shape_cast %parallel_loop3A_260 : vector<1x16xf32> to vector<16xf32>
        %parallel_loop3A_262 = arith.constant 11.3137083 : f32
        %parallel_loop3A_263 = vector.broadcast %parallel_loop3A_262 : f32 to vector<16xf32>
        %parallel_loop3A_264 = arith.mulf %parallel_loop3A_261, %parallel_loop3A_263 : vector<16xf32>
        %parallel_loop3A_265 = arith.index_cast %parallel_loop3A_189 : i32 to index
        %parallel_loop3A_266 = arith.constant 64 : index
        %parallel_loop3A_267 = tpu.vector_load %arg7[%parallel_loop3A_265, %parallel_loop3A_266] {strides = array<i32>} : memref<200x128xf32, #tpu.memory_space<vmem>>, vector<1x16xf32>,
        %parallel_loop3A_268 = vector.shape_cast %parallel_loop3A_267 : vector<1x16xf32> to vector<16xf32>
        %parallel_loop3A_269 = arith.addf %parallel_loop3A_264, %parallel_loop3A_268 : vector<16xf32>
        %parallel_loop3A_270 = arith.index_cast %parallel_loop3A_183 : i32 to index
        %parallel_loop3A_271 = arith.constant 64 : index
        %parallel_loop3A_272 = tpu.vector_load %arg9[%parallel_loop3A_270, %parallel_loop3A_271] {strides = array<i32>} : memref<128x128xf32, #tpu.memory_space<vmem>>, vector<1x16xf32>,
        %parallel_loop3A_273 = vector.shape_cast %parallel_loop3A_272 : vector<1x16xf32> to vector<16xf32>
        %parallel_loop3A_274 = vector.shape_cast %parallel_loop3A_269 : vector<16xf32> to vector<1x16xf32>
        tpu.vector_store %arg9[%parallel_loop3A_270, %parallel_loop3A_271], %parallel_loop3A_274 {strides = array<i32>} : memref<128x128xf32, #tpu.memory_space<vmem>>, vector<1x16xf32>,
        %parallel_loop3A_275 = arith.index_cast %parallel_loop3A_183 : i32 to index
        %parallel_loop3A_276 = arith.constant 80 : index
        %parallel_loop3A_277 = tpu.vector_load %arg9[%parallel_loop3A_275, %parallel_loop3A_276] {strides = array<i32>} : memref<128x128xf32, #tpu.memory_space<vmem>>, vector<1x16xf32>,
        %parallel_loop3A_278 = vector.shape_cast %parallel_loop3A_277 : vector<1x16xf32> to vector<16xf32>
        %parallel_loop3A_279 = arith.constant 11.3137083 : f32
        %parallel_loop3A_280 = vector.broadcast %parallel_loop3A_279 : f32 to vector<16xf32>
        %parallel_loop3A_281 = arith.mulf %parallel_loop3A_278, %parallel_loop3A_280 : vector<16xf32>
        %parallel_loop3A_282 = arith.index_cast %parallel_loop3A_189 : i32 to index
        %parallel_loop3A_283 = arith.constant 80 : index
        %parallel_loop3A_284 = tpu.vector_load %arg7[%parallel_loop3A_282, %parallel_loop3A_283] {strides = array<i32>} : memref<200x128xf32, #tpu.memory_space<vmem>>, vector<1x16xf32>,
        %parallel_loop3A_285 = vector.shape_cast %parallel_loop3A_284 : vector<1x16xf32> to vector<16xf32>
        %parallel_loop3A_286 = arith.addf %parallel_loop3A_281, %parallel_loop3A_285 : vector<16xf32>
        %parallel_loop3A_287 = arith.index_cast %parallel_loop3A_183 : i32 to index
        %parallel_loop3A_288 = arith.constant 80 : index
        %parallel_loop3A_289 = tpu.vector_load %arg9[%parallel_loop3A_287, %parallel_loop3A_288] {strides = array<i32>} : memref<128x128xf32, #tpu.memory_space<vmem>>, vector<1x16xf32>,
        %parallel_loop3A_290 = vector.shape_cast %parallel_loop3A_289 : vector<1x16xf32> to vector<16xf32>
        %parallel_loop3A_291 = vector.shape_cast %parallel_loop3A_286 : vector<16xf32> to vector<1x16xf32>
        tpu.vector_store %arg9[%parallel_loop3A_287, %parallel_loop3A_288], %parallel_loop3A_291 {strides = array<i32>} : memref<128x128xf32, #tpu.memory_space<vmem>>, vector<1x16xf32>,
        %parallel_loop3A_292 = arith.index_cast %parallel_loop3A_183 : i32 to index
        %parallel_loop3A_293 = arith.constant 96 : index
        %parallel_loop3A_294 = tpu.vector_load %arg9[%parallel_loop3A_292, %parallel_loop3A_293] {strides = array<i32>} : memref<128x128xf32, #tpu.memory_space<vmem>>, vector<1x16xf32>,
        %parallel_loop3A_295 = vector.shape_cast %parallel_loop3A_294 : vector<1x16xf32> to vector<16xf32>
        %parallel_loop3A_296 = arith.constant 11.3137083 : f32
        %parallel_loop3A_297 = vector.broadcast %parallel_loop3A_296 : f32 to vector<16xf32>
        %parallel_loop3A_298 = arith.mulf %parallel_loop3A_295, %parallel_loop3A_297 : vector<16xf32>
        %parallel_loop3A_299 = arith.index_cast %parallel_loop3A_189 : i32 to index
        %parallel_loop3A_300 = arith.constant 96 : index
        %parallel_loop3A_301 = tpu.vector_load %arg7[%parallel_loop3A_299, %parallel_loop3A_300] {strides = array<i32>} : memref<200x128xf32, #tpu.memory_space<vmem>>, vector<1x16xf32>,
        %parallel_loop3A_302 = vector.shape_cast %parallel_loop3A_301 : vector<1x16xf32> to vector<16xf32>
        %parallel_loop3A_303 = arith.addf %parallel_loop3A_298, %parallel_loop3A_302 : vector<16xf32>
        %parallel_loop3A_304 = arith.index_cast %parallel_loop3A_183 : i32 to index
        %parallel_loop3A_305 = arith.constant 96 : index
        %parallel_loop3A_306 = tpu.vector_load %arg9[%parallel_loop3A_304, %parallel_loop3A_305] {strides = array<i32>} : memref<128x128xf32, #tpu.memory_space<vmem>>, vector<1x16xf32>,
        %parallel_loop3A_307 = vector.shape_cast %parallel_loop3A_306 : vector<1x16xf32> to vector<16xf32>
        %parallel_loop3A_308 = vector.shape_cast %parallel_loop3A_303 : vector<16xf32> to vector<1x16xf32>
        tpu.vector_store %arg9[%parallel_loop3A_304, %parallel_loop3A_305], %parallel_loop3A_308 {strides = array<i32>} : memref<128x128xf32, #tpu.memory_space<vmem>>, vector<1x16xf32>,
        %parallel_loop3A_309 = arith.index_cast %parallel_loop3A_183 : i32 to index
        %parallel_loop3A_310 = arith.constant 112 : index
        %parallel_loop3A_311 = tpu.vector_load %arg9[%parallel_loop3A_309, %parallel_loop3A_310] {strides = array<i32>} : memref<128x128xf32, #tpu.memory_space<vmem>>, vector<1x16xf32>,
        %parallel_loop3A_312 = vector.shape_cast %parallel_loop3A_311 : vector<1x16xf32> to vector<16xf32>
        %parallel_loop3A_313 = arith.constant 11.3137083 : f32
        %parallel_loop3A_314 = vector.broadcast %parallel_loop3A_313 : f32 to vector<16xf32>
        %parallel_loop3A_315 = arith.mulf %parallel_loop3A_312, %parallel_loop3A_314 : vector<16xf32>
        %parallel_loop3A_316 = arith.index_cast %parallel_loop3A_189 : i32 to index
        %parallel_loop3A_317 = arith.constant 112 : index
        %parallel_loop3A_318 = tpu.vector_load %arg7[%parallel_loop3A_316, %parallel_loop3A_317] {strides = array<i32>} : memref<200x128xf32, #tpu.memory_space<vmem>>, vector<1x16xf32>,
        %parallel_loop3A_319 = vector.shape_cast %parallel_loop3A_318 : vector<1x16xf32> to vector<16xf32>
        %parallel_loop3A_320 = arith.addf %parallel_loop3A_315, %parallel_loop3A_319 : vector<16xf32>
        %parallel_loop3A_321 = arith.index_cast %parallel_loop3A_183 : i32 to index
        %parallel_loop3A_322 = arith.constant 112 : index
        %parallel_loop3A_323 = tpu.vector_load %arg9[%parallel_loop3A_321, %parallel_loop3A_322] {strides = array<i32>} : memref<128x128xf32, #tpu.memory_space<vmem>>, vector<1x16xf32>,
        %parallel_loop3A_324 = vector.shape_cast %parallel_loop3A_323 : vector<1x16xf32> to vector<16xf32>
        %parallel_loop3A_325 = vector.shape_cast %parallel_loop3A_320 : vector<16xf32> to vector<1x16xf32>
        tpu.vector_store %arg9[%parallel_loop3A_321, %parallel_loop3A_322], %parallel_loop3A_325 {strides = array<i32>} : memref<128x128xf32, #tpu.memory_space<vmem>>, vector<1x16xf32>,
      } {sc.loop_unroll_factor = 8 : i64, sc.parallel_access}
      %mul3A_102 = arith.constant 128 : i32
      %mul3A_103 = arith.muli %add3A_88, %mul3A_102 : i32
      %add3A_104 = arith.addi %mul3A_2, %mul3A_103 : i32
      %dma_start3A_105 = arith.constant 0 : i32
      %dma_start3A_106 = tpu.memref_slice %arg5[%add3A_104, %dma_start3A_105] : memref<819200x128xf32, #tpu.memory_space<hbm>> -> memref<128x128xf32, #tpu.memory_space<hbm>>
      %dma_start3A_107 = arith.constant 0 : i32
      %dma_start3A_108 = tpu.memref_slice %arg5[%add3A_104, %dma_start3A_107] : memref<819200x128xf32, #tpu.memory_space<hbm>> -> memref<128x128xf32, #tpu.memory_space<hbm>>
      tpu.enqueue_dma source(%arg9 : memref<128x128xf32, #tpu.memory_space<vmem>>) target(%dma_start3A_108 : memref<128x128xf32, #tpu.memory_space<hbm>>) target_semaphore(%arg17 : memref<!tpu.dma_semaphore, #tpu.memory_space<semaphore_mem>>)
      %add3A_109 = arith.constant 4 : i32
      %add3A_110 = arith.addi %add3A_88, %add3A_109 : i32
      %sub3A_111 = arith.constant 1 : i32
      %sub3A_112 = arith.subi %add3A_110, %sub3A_111 : i32
      %lt3A = arith.constant 200 : i32
      %lt3A_113 = arith.cmpi slt, %sub3A_112, %lt3A : i32
      %convert_element_type3A_114 = arith.extui %lt3A_113 : i1 to i32
      %cond3A_115 = arith.constant 0 : i32
      %cond3A_116 = arith.cmpi ne, %convert_element_type3A_114, %cond3A_115 : i32
      scf.if %cond3A_116 {
        %sub3A_183 = arith.constant 1 : i32
        %sub3A_184 = arith.subi %add3A_88, %sub3A_183 : i32
        %mul3A_185 = arith.constant 128 : i32
        %mul3A_186 = arith.muli %sub3A_184, %mul3A_185 : i32
        %add3A_187 = arith.addi %mul3A_2, %mul3A_186 : i32
        %dma_wait3A_188 = arith.constant 0 : i32
        %dma_wait3A_189 = tpu.memref_slice %arg5[%add3A_187, %dma_wait3A_188] : memref<819200x128xf32, #tpu.memory_space<hbm>> -> memref<128x128xf32, #tpu.memory_space<hbm>>
        %dma_wait3A_190 = arith.constant 0 : i32
        %dma_wait3A_191 = tpu.memref_slice %arg5[%add3A_187, %dma_wait3A_190] : memref<819200x128xf32, #tpu.memory_space<hbm>> -> memref<128x128xf32, #tpu.memory_space<hbm>>
        tpu.wait_dma2 semaphore(%arg16 : memref<!tpu.dma_semaphore, #tpu.memory_space<semaphore_mem>>) src(%arg8 : memref<128x128xf32, #tpu.memory_space<vmem>>) dst(%dma_wait3A_191 : memref<128x128xf32, #tpu.memory_space<hbm>>)
        %dma_start3A_192 = arith.constant 0 : i32
        %dma_start3A_193 = tpu.memref_slice %arg6[%sub3A_112, %dma_start3A_192] : memref<200x128xi32, #tpu.memory_space<vmem>> -> memref<1x128xi32, #tpu.memory_space<vmem>>
        %dma_start3A_194 = tpu.memref_squeeze %dma_start3A_193 : memref<1x128xi32, #tpu.memory_space<vmem>> -> memref<128xi32, #tpu.memory_space<vmem>>
        %dma_start3A_195 = arith.constant 0 : i32
        %dma_start3A_196 = arith.constant 0 : i32
        %dma_start3A_197 = tpu.memref_slice %arg4[%dma_start3A_195, %dma_start3A_196] : memref<1000000x128xf32, #tpu.memory_space<hbm>> -> memref<1000000x128xf32, #tpu.memory_space<hbm>>
        tpu.enqueue_indirect_dma source(%dma_start3A_197 : memref<1000000x128xf32, #tpu.memory_space<hbm>>) target(%arg8 : memref<128x128xf32, #tpu.memory_space<vmem>>) offsets(%dma_start3A_194 : memref<128xi32, #tpu.memory_space<vmem>>) semaphore(%arg12 : memref<!tpu.dma_semaphore, #tpu.memory_space<semaphore_mem>>)
      } else {
      }
      %mul3A_117 = arith.constant 4 : i32
      %mul3A_118 = arith.muli %scan3A_51, %mul3A_117 : i32
      %add3A_119 = arith.constant 2 : i32
      %add3A_120 = arith.addi %mul3A_118, %add3A_119 : i32
      %dma_wait3A_121 = arith.constant 0 : i32
      %dma_wait3A_122 = tpu.memref_slice %arg6[%add3A_120, %dma_wait3A_121] : memref<200x128xi32, #tpu.memory_space<vmem>> -> memref<1x128xi32, #tpu.memory_space<vmem>>
      %dma_wait3A_123 = tpu.memref_squeeze %dma_wait3A_122 : memref<1x128xi32, #tpu.memory_space<vmem>> -> memref<128xi32, #tpu.memory_space<vmem>>
      %dma_wait3A_124 = arith.constant 0 : i32
      %dma_wait3A_125 = arith.constant 0 : i32
      %dma_wait3A_126 = tpu.memref_slice %arg4[%dma_wait3A_124, %dma_wait3A_125] : memref<1000000x128xf32, #tpu.memory_space<hbm>> -> memref<1000000x128xf32, #tpu.memory_space<hbm>>
      tpu.wait_indirect_dma semaphore(%arg14 : memref<!tpu.dma_semaphore, #tpu.memory_space<semaphore_mem>>) src(%dma_wait3A_126 : memref<1000000x128xf32, #tpu.memory_space<hbm>>) dst(%arg10 : memref<128x128xf32, #tpu.memory_space<vmem>>)
      %mul3A_127 = arith.constant 128 : i32
      %mul3A_128 = arith.muli %add3A_120, %mul3A_127 : i32
      %rem3A_129 = arith.constant 200 : i32
      %rem3A_130 = arith.remsi %mul3A_128, %rem3A_129 : i32
      %parallel_loop3A_131 = arith.constant 0 : i32
      %parallel_loop3A_132 = arith.constant 128 : i32
      %parallel_loop3A_133 = arith.constant 1 : i32
      scf.for %parallel_loop3A_183 = %parallel_loop3A_131 to %parallel_loop3A_132 step %parallel_loop3A_133  : i32 {
        %parallel_loop3A_184 = arith.addi %rem3A_130, %parallel_loop3A_183 : i32
        %parallel_loop3A_185 = arith.constant 200 : i32
        %parallel_loop3A_186 = arith.cmpi sge, %parallel_loop3A_184, %parallel_loop3A_185 : i32
        %parallel_loop3A_187 = arith.constant 200 : i32
        %parallel_loop3A_188 = arith.subi %parallel_loop3A_184, %parallel_loop3A_187 : i32
        %parallel_loop3A_189 = arith.select %parallel_loop3A_186, %parallel_loop3A_188, %parallel_loop3A_184 : i32
        %parallel_loop3A_190 = arith.index_cast %parallel_loop3A_183 : i32 to index
        %parallel_loop3A_191 = arith.constant 0 : index
        %parallel_loop3A_192 = tpu.vector_load %arg10[%parallel_loop3A_190, %parallel_loop3A_191] {strides = array<i32>} : memref<128x128xf32, #tpu.memory_space<vmem>>, vector<1x16xf32>,
        %parallel_loop3A_193 = vector.shape_cast %parallel_loop3A_192 : vector<1x16xf32> to vector<16xf32>
        %parallel_loop3A_194 = arith.constant 11.3137083 : f32
        %parallel_loop3A_195 = vector.broadcast %parallel_loop3A_194 : f32 to vector<16xf32>
        %parallel_loop3A_196 = arith.mulf %parallel_loop3A_193, %parallel_loop3A_195 : vector<16xf32>
        %parallel_loop3A_197 = arith.index_cast %parallel_loop3A_189 : i32 to index
        %parallel_loop3A_198 = arith.constant 0 : index
        %parallel_loop3A_199 = tpu.vector_load %arg7[%parallel_loop3A_197, %parallel_loop3A_198] {strides = array<i32>} : memref<200x128xf32, #tpu.memory_space<vmem>>, vector<1x16xf32>,
        %parallel_loop3A_200 = vector.shape_cast %parallel_loop3A_199 : vector<1x16xf32> to vector<16xf32>
        %parallel_loop3A_201 = arith.addf %parallel_loop3A_196, %parallel_loop3A_200 : vector<16xf32>
        %parallel_loop3A_202 = arith.index_cast %parallel_loop3A_183 : i32 to index
        %parallel_loop3A_203 = arith.constant 0 : index
        %parallel_loop3A_204 = tpu.vector_load %arg10[%parallel_loop3A_202, %parallel_loop3A_203] {strides = array<i32>} : memref<128x128xf32, #tpu.memory_space<vmem>>, vector<1x16xf32>,
        %parallel_loop3A_205 = vector.shape_cast %parallel_loop3A_204 : vector<1x16xf32> to vector<16xf32>
        %parallel_loop3A_206 = vector.shape_cast %parallel_loop3A_201 : vector<16xf32> to vector<1x16xf32>
        tpu.vector_store %arg10[%parallel_loop3A_202, %parallel_loop3A_203], %parallel_loop3A_206 {strides = array<i32>} : memref<128x128xf32, #tpu.memory_space<vmem>>, vector<1x16xf32>,
        %parallel_loop3A_207 = arith.index_cast %parallel_loop3A_183 : i32 to index
        %parallel_loop3A_208 = arith.constant 16 : index
        %parallel_loop3A_209 = tpu.vector_load %arg10[%parallel_loop3A_207, %parallel_loop3A_208] {strides = array<i32>} : memref<128x128xf32, #tpu.memory_space<vmem>>, vector<1x16xf32>,
        %parallel_loop3A_210 = vector.shape_cast %parallel_loop3A_209 : vector<1x16xf32> to vector<16xf32>
        %parallel_loop3A_211 = arith.constant 11.3137083 : f32
        %parallel_loop3A_212 = vector.broadcast %parallel_loop3A_211 : f32 to vector<16xf32>
        %parallel_loop3A_213 = arith.mulf %parallel_loop3A_210, %parallel_loop3A_212 : vector<16xf32>
        %parallel_loop3A_214 = arith.index_cast %parallel_loop3A_189 : i32 to index
        %parallel_loop3A_215 = arith.constant 16 : index
        %parallel_loop3A_216 = tpu.vector_load %arg7[%parallel_loop3A_214, %parallel_loop3A_215] {strides = array<i32>} : memref<200x128xf32, #tpu.memory_space<vmem>>, vector<1x16xf32>,
        %parallel_loop3A_217 = vector.shape_cast %parallel_loop3A_216 : vector<1x16xf32> to vector<16xf32>
        %parallel_loop3A_218 = arith.addf %parallel_loop3A_213, %parallel_loop3A_217 : vector<16xf32>
        %parallel_loop3A_219 = arith.index_cast %parallel_loop3A_183 : i32 to index
        %parallel_loop3A_220 = arith.constant 16 : index
        %parallel_loop3A_221 = tpu.vector_load %arg10[%parallel_loop3A_219, %parallel_loop3A_220] {strides = array<i32>} : memref<128x128xf32, #tpu.memory_space<vmem>>, vector<1x16xf32>,
        %parallel_loop3A_222 = vector.shape_cast %parallel_loop3A_221 : vector<1x16xf32> to vector<16xf32>
        %parallel_loop3A_223 = vector.shape_cast %parallel_loop3A_218 : vector<16xf32> to vector<1x16xf32>
        tpu.vector_store %arg10[%parallel_loop3A_219, %parallel_loop3A_220], %parallel_loop3A_223 {strides = array<i32>} : memref<128x128xf32, #tpu.memory_space<vmem>>, vector<1x16xf32>,
        %parallel_loop3A_224 = arith.index_cast %parallel_loop3A_183 : i32 to index
        %parallel_loop3A_225 = arith.constant 32 : index
        %parallel_loop3A_226 = tpu.vector_load %arg10[%parallel_loop3A_224, %parallel_loop3A_225] {strides = array<i32>} : memref<128x128xf32, #tpu.memory_space<vmem>>, vector<1x16xf32>,
        %parallel_loop3A_227 = vector.shape_cast %parallel_loop3A_226 : vector<1x16xf32> to vector<16xf32>
        %parallel_loop3A_228 = arith.constant 11.3137083 : f32
        %parallel_loop3A_229 = vector.broadcast %parallel_loop3A_228 : f32 to vector<16xf32>
        %parallel_loop3A_230 = arith.mulf %parallel_loop3A_227, %parallel_loop3A_229 : vector<16xf32>
        %parallel_loop3A_231 = arith.index_cast %parallel_loop3A_189 : i32 to index
        %parallel_loop3A_232 = arith.constant 32 : index
        %parallel_loop3A_233 = tpu.vector_load %arg7[%parallel_loop3A_231, %parallel_loop3A_232] {strides = array<i32>} : memref<200x128xf32, #tpu.memory_space<vmem>>, vector<1x16xf32>,
        %parallel_loop3A_234 = vector.shape_cast %parallel_loop3A_233 : vector<1x16xf32> to vector<16xf32>
        %parallel_loop3A_235 = arith.addf %parallel_loop3A_230, %parallel_loop3A_234 : vector<16xf32>
        %parallel_loop3A_236 = arith.index_cast %parallel_loop3A_183 : i32 to index
        %parallel_loop3A_237 = arith.constant 32 : index
        %parallel_loop3A_238 = tpu.vector_load %arg10[%parallel_loop3A_236, %parallel_loop3A_237] {strides = array<i32>} : memref<128x128xf32, #tpu.memory_space<vmem>>, vector<1x16xf32>,
        %parallel_loop3A_239 = vector.shape_cast %parallel_loop3A_238 : vector<1x16xf32> to vector<16xf32>
        %parallel_loop3A_240 = vector.shape_cast %parallel_loop3A_235 : vector<16xf32> to vector<1x16xf32>
        tpu.vector_store %arg10[%parallel_loop3A_236, %parallel_loop3A_237], %parallel_loop3A_240 {strides = array<i32>} : memref<128x128xf32, #tpu.memory_space<vmem>>, vector<1x16xf32>,
        %parallel_loop3A_241 = arith.index_cast %parallel_loop3A_183 : i32 to index
        %parallel_loop3A_242 = arith.constant 48 : index
        %parallel_loop3A_243 = tpu.vector_load %arg10[%parallel_loop3A_241, %parallel_loop3A_242] {strides = array<i32>} : memref<128x128xf32, #tpu.memory_space<vmem>>, vector<1x16xf32>,
        %parallel_loop3A_244 = vector.shape_cast %parallel_loop3A_243 : vector<1x16xf32> to vector<16xf32>
        %parallel_loop3A_245 = arith.constant 11.3137083 : f32
        %parallel_loop3A_246 = vector.broadcast %parallel_loop3A_245 : f32 to vector<16xf32>
        %parallel_loop3A_247 = arith.mulf %parallel_loop3A_244, %parallel_loop3A_246 : vector<16xf32>
        %parallel_loop3A_248 = arith.index_cast %parallel_loop3A_189 : i32 to index
        %parallel_loop3A_249 = arith.constant 48 : index
        %parallel_loop3A_250 = tpu.vector_load %arg7[%parallel_loop3A_248, %parallel_loop3A_249] {strides = array<i32>} : memref<200x128xf32, #tpu.memory_space<vmem>>, vector<1x16xf32>,
        %parallel_loop3A_251 = vector.shape_cast %parallel_loop3A_250 : vector<1x16xf32> to vector<16xf32>
        %parallel_loop3A_252 = arith.addf %parallel_loop3A_247, %parallel_loop3A_251 : vector<16xf32>
        %parallel_loop3A_253 = arith.index_cast %parallel_loop3A_183 : i32 to index
        %parallel_loop3A_254 = arith.constant 48 : index
        %parallel_loop3A_255 = tpu.vector_load %arg10[%parallel_loop3A_253, %parallel_loop3A_254] {strides = array<i32>} : memref<128x128xf32, #tpu.memory_space<vmem>>, vector<1x16xf32>,
        %parallel_loop3A_256 = vector.shape_cast %parallel_loop3A_255 : vector<1x16xf32> to vector<16xf32>
        %parallel_loop3A_257 = vector.shape_cast %parallel_loop3A_252 : vector<16xf32> to vector<1x16xf32>
        tpu.vector_store %arg10[%parallel_loop3A_253, %parallel_loop3A_254], %parallel_loop3A_257 {strides = array<i32>} : memref<128x128xf32, #tpu.memory_space<vmem>>, vector<1x16xf32>,
        %parallel_loop3A_258 = arith.index_cast %parallel_loop3A_183 : i32 to index
        %parallel_loop3A_259 = arith.constant 64 : index
        %parallel_loop3A_260 = tpu.vector_load %arg10[%parallel_loop3A_258, %parallel_loop3A_259] {strides = array<i32>} : memref<128x128xf32, #tpu.memory_space<vmem>>, vector<1x16xf32>,
        %parallel_loop3A_261 = vector.shape_cast %parallel_loop3A_260 : vector<1x16xf32> to vector<16xf32>
        %parallel_loop3A_262 = arith.constant 11.3137083 : f32
        %parallel_loop3A_263 = vector.broadcast %parallel_loop3A_262 : f32 to vector<16xf32>
        %parallel_loop3A_264 = arith.mulf %parallel_loop3A_261, %parallel_loop3A_263 : vector<16xf32>
        %parallel_loop3A_265 = arith.index_cast %parallel_loop3A_189 : i32 to index
        %parallel_loop3A_266 = arith.constant 64 : index
        %parallel_loop3A_267 = tpu.vector_load %arg7[%parallel_loop3A_265, %parallel_loop3A_266] {strides = array<i32>} : memref<200x128xf32, #tpu.memory_space<vmem>>, vector<1x16xf32>,
        %parallel_loop3A_268 = vector.shape_cast %parallel_loop3A_267 : vector<1x16xf32> to vector<16xf32>
        %parallel_loop3A_269 = arith.addf %parallel_loop3A_264, %parallel_loop3A_268 : vector<16xf32>
        %parallel_loop3A_270 = arith.index_cast %parallel_loop3A_183 : i32 to index
        %parallel_loop3A_271 = arith.constant 64 : index
        %parallel_loop3A_272 = tpu.vector_load %arg10[%parallel_loop3A_270, %parallel_loop3A_271] {strides = array<i32>} : memref<128x128xf32, #tpu.memory_space<vmem>>, vector<1x16xf32>,
        %parallel_loop3A_273 = vector.shape_cast %parallel_loop3A_272 : vector<1x16xf32> to vector<16xf32>
        %parallel_loop3A_274 = vector.shape_cast %parallel_loop3A_269 : vector<16xf32> to vector<1x16xf32>
        tpu.vector_store %arg10[%parallel_loop3A_270, %parallel_loop3A_271], %parallel_loop3A_274 {strides = array<i32>} : memref<128x128xf32, #tpu.memory_space<vmem>>, vector<1x16xf32>,
        %parallel_loop3A_275 = arith.index_cast %parallel_loop3A_183 : i32 to index
        %parallel_loop3A_276 = arith.constant 80 : index
        %parallel_loop3A_277 = tpu.vector_load %arg10[%parallel_loop3A_275, %parallel_loop3A_276] {strides = array<i32>} : memref<128x128xf32, #tpu.memory_space<vmem>>, vector<1x16xf32>,
        %parallel_loop3A_278 = vector.shape_cast %parallel_loop3A_277 : vector<1x16xf32> to vector<16xf32>
        %parallel_loop3A_279 = arith.constant 11.3137083 : f32
        %parallel_loop3A_280 = vector.broadcast %parallel_loop3A_279 : f32 to vector<16xf32>
        %parallel_loop3A_281 = arith.mulf %parallel_loop3A_278, %parallel_loop3A_280 : vector<16xf32>
        %parallel_loop3A_282 = arith.index_cast %parallel_loop3A_189 : i32 to index
        %parallel_loop3A_283 = arith.constant 80 : index
        %parallel_loop3A_284 = tpu.vector_load %arg7[%parallel_loop3A_282, %parallel_loop3A_283] {strides = array<i32>} : memref<200x128xf32, #tpu.memory_space<vmem>>, vector<1x16xf32>,
        %parallel_loop3A_285 = vector.shape_cast %parallel_loop3A_284 : vector<1x16xf32> to vector<16xf32>
        %parallel_loop3A_286 = arith.addf %parallel_loop3A_281, %parallel_loop3A_285 : vector<16xf32>
        %parallel_loop3A_287 = arith.index_cast %parallel_loop3A_183 : i32 to index
        %parallel_loop3A_288 = arith.constant 80 : index
        %parallel_loop3A_289 = tpu.vector_load %arg10[%parallel_loop3A_287, %parallel_loop3A_288] {strides = array<i32>} : memref<128x128xf32, #tpu.memory_space<vmem>>, vector<1x16xf32>,
        %parallel_loop3A_290 = vector.shape_cast %parallel_loop3A_289 : vector<1x16xf32> to vector<16xf32>
        %parallel_loop3A_291 = vector.shape_cast %parallel_loop3A_286 : vector<16xf32> to vector<1x16xf32>
        tpu.vector_store %arg10[%parallel_loop3A_287, %parallel_loop3A_288], %parallel_loop3A_291 {strides = array<i32>} : memref<128x128xf32, #tpu.memory_space<vmem>>, vector<1x16xf32>,
        %parallel_loop3A_292 = arith.index_cast %parallel_loop3A_183 : i32 to index
        %parallel_loop3A_293 = arith.constant 96 : index
        %parallel_loop3A_294 = tpu.vector_load %arg10[%parallel_loop3A_292, %parallel_loop3A_293] {strides = array<i32>} : memref<128x128xf32, #tpu.memory_space<vmem>>, vector<1x16xf32>,
        %parallel_loop3A_295 = vector.shape_cast %parallel_loop3A_294 : vector<1x16xf32> to vector<16xf32>
        %parallel_loop3A_296 = arith.constant 11.3137083 : f32
        %parallel_loop3A_297 = vector.broadcast %parallel_loop3A_296 : f32 to vector<16xf32>
        %parallel_loop3A_298 = arith.mulf %parallel_loop3A_295, %parallel_loop3A_297 : vector<16xf32>
        %parallel_loop3A_299 = arith.index_cast %parallel_loop3A_189 : i32 to index
        %parallel_loop3A_300 = arith.constant 96 : index
        %parallel_loop3A_301 = tpu.vector_load %arg7[%parallel_loop3A_299, %parallel_loop3A_300] {strides = array<i32>} : memref<200x128xf32, #tpu.memory_space<vmem>>, vector<1x16xf32>,
        %parallel_loop3A_302 = vector.shape_cast %parallel_loop3A_301 : vector<1x16xf32> to vector<16xf32>
        %parallel_loop3A_303 = arith.addf %parallel_loop3A_298, %parallel_loop3A_302 : vector<16xf32>
        %parallel_loop3A_304 = arith.index_cast %parallel_loop3A_183 : i32 to index
        %parallel_loop3A_305 = arith.constant 96 : index
        %parallel_loop3A_306 = tpu.vector_load %arg10[%parallel_loop3A_304, %parallel_loop3A_305] {strides = array<i32>} : memref<128x128xf32, #tpu.memory_space<vmem>>, vector<1x16xf32>,
        %parallel_loop3A_307 = vector.shape_cast %parallel_loop3A_306 : vector<1x16xf32> to vector<16xf32>
        %parallel_loop3A_308 = vector.shape_cast %parallel_loop3A_303 : vector<16xf32> to vector<1x16xf32>
        tpu.vector_store %arg10[%parallel_loop3A_304, %parallel_loop3A_305], %parallel_loop3A_308 {strides = array<i32>} : memref<128x128xf32, #tpu.memory_space<vmem>>, vector<1x16xf32>,
        %parallel_loop3A_309 = arith.index_cast %parallel_loop3A_183 : i32 to index
        %parallel_loop3A_310 = arith.constant 112 : index
        %parallel_loop3A_311 = tpu.vector_load %arg10[%parallel_loop3A_309, %parallel_loop3A_310] {strides = array<i32>} : memref<128x128xf32, #tpu.memory_space<vmem>>, vector<1x16xf32>,
        %parallel_loop3A_312 = vector.shape_cast %parallel_loop3A_311 : vector<1x16xf32> to vector<16xf32>
        %parallel_loop3A_313 = arith.constant 11.3137083 : f32
        %parallel_loop3A_314 = vector.broadcast %parallel_loop3A_313 : f32 to vector<16xf32>
        %parallel_loop3A_315 = arith.mulf %parallel_loop3A_312, %parallel_loop3A_314 : vector<16xf32>
        %parallel_loop3A_316 = arith.index_cast %parallel_loop3A_189 : i32 to index
        %parallel_loop3A_317 = arith.constant 112 : index
        %parallel_loop3A_318 = tpu.vector_load %arg7[%parallel_loop3A_316, %parallel_loop3A_317] {strides = array<i32>} : memref<200x128xf32, #tpu.memory_space<vmem>>, vector<1x16xf32>,
        %parallel_loop3A_319 = vector.shape_cast %parallel_loop3A_318 : vector<1x16xf32> to vector<16xf32>
        %parallel_loop3A_320 = arith.addf %parallel_loop3A_315, %parallel_loop3A_319 : vector<16xf32>
        %parallel_loop3A_321 = arith.index_cast %parallel_loop3A_183 : i32 to index
        %parallel_loop3A_322 = arith.constant 112 : index
        %parallel_loop3A_323 = tpu.vector_load %arg10[%parallel_loop3A_321, %parallel_loop3A_322] {strides = array<i32>} : memref<128x128xf32, #tpu.memory_space<vmem>>, vector<1x16xf32>,
        %parallel_loop3A_324 = vector.shape_cast %parallel_loop3A_323 : vector<1x16xf32> to vector<16xf32>
        %parallel_loop3A_325 = vector.shape_cast %parallel_loop3A_320 : vector<16xf32> to vector<1x16xf32>
        tpu.vector_store %arg10[%parallel_loop3A_321, %parallel_loop3A_322], %parallel_loop3A_325 {strides = array<i32>} : memref<128x128xf32, #tpu.memory_space<vmem>>, vector<1x16xf32>,
      } {sc.loop_unroll_factor = 8 : i64, sc.parallel_access}
      %mul3A_134 = arith.constant 128 : i32
      %mul3A_135 = arith.muli %add3A_120, %mul3A_134 : i32
      %add3A_136 = arith.addi %mul3A_2, %mul3A_135 : i32
      %dma_start3A_137 = arith.constant 0 : i32
      %dma_start3A_138 = tpu.memref_slice %arg5[%add3A_136, %dma_start3A_137] : memref<819200x128xf32, #tpu.memory_space<hbm>> -> memref<128x128xf32, #tpu.memory_space<hbm>>
      %dma_start3A_139 = arith.constant 0 : i32
      %dma_start3A_140 = tpu.memref_slice %arg5[%add3A_136, %dma_start3A_139] : memref<819200x128xf32, #tpu.memory_space<hbm>> -> memref<128x128xf32, #tpu.memory_space<hbm>>
      tpu.enqueue_dma source(%arg10 : memref<128x128xf32, #tpu.memory_space<vmem>>) target(%dma_start3A_140 : memref<128x128xf32, #tpu.memory_space<hbm>>) target_semaphore(%arg18 : memref<!tpu.dma_semaphore, #tpu.memory_space<semaphore_mem>>)
      %add3A_141 = arith.constant 4 : i32
      %add3A_142 = arith.addi %add3A_120, %add3A_141 : i32
      %sub3A_143 = arith.constant 1 : i32
      %sub3A_144 = arith.subi %add3A_142, %sub3A_143 : i32
      %lt3A_145 = arith.constant 200 : i32
      %lt3A_146 = arith.cmpi slt, %sub3A_144, %lt3A_145 : i32
      %convert_element_type3A_147 = arith.extui %lt3A_146 : i1 to i32
      %cond3A_148 = arith.constant 0 : i32
      %cond3A_149 = arith.cmpi ne, %convert_element_type3A_147, %cond3A_148 : i32
      scf.if %cond3A_149 {
        %sub3A_183 = arith.constant 1 : i32
        %sub3A_184 = arith.subi %add3A_120, %sub3A_183 : i32
        %mul3A_185 = arith.constant 128 : i32
        %mul3A_186 = arith.muli %sub3A_184, %mul3A_185 : i32
        %add3A_187 = arith.addi %mul3A_2, %mul3A_186 : i32
        %dma_wait3A_188 = arith.constant 0 : i32
        %dma_wait3A_189 = tpu.memref_slice %arg5[%add3A_187, %dma_wait3A_188] : memref<819200x128xf32, #tpu.memory_space<hbm>> -> memref<128x128xf32, #tpu.memory_space<hbm>>
        %dma_wait3A_190 = arith.constant 0 : i32
        %dma_wait3A_191 = tpu.memref_slice %arg5[%add3A_187, %dma_wait3A_190] : memref<819200x128xf32, #tpu.memory_space<hbm>> -> memref<128x128xf32, #tpu.memory_space<hbm>>
        tpu.wait_dma2 semaphore(%arg17 : memref<!tpu.dma_semaphore, #tpu.memory_space<semaphore_mem>>) src(%arg9 : memref<128x128xf32, #tpu.memory_space<vmem>>) dst(%dma_wait3A_191 : memref<128x128xf32, #tpu.memory_space<hbm>>)
        %dma_start3A_192 = arith.constant 0 : i32
        %dma_start3A_193 = tpu.memref_slice %arg6[%sub3A_144, %dma_start3A_192] : memref<200x128xi32, #tpu.memory_space<vmem>> -> memref<1x128xi32, #tpu.memory_space<vmem>>
        %dma_start3A_194 = tpu.memref_squeeze %dma_start3A_193 : memref<1x128xi32, #tpu.memory_space<vmem>> -> memref<128xi32, #tpu.memory_space<vmem>>
        %dma_start3A_195 = arith.constant 0 : i32
        %dma_start3A_196 = arith.constant 0 : i32
        %dma_start3A_197 = tpu.memref_slice %arg4[%dma_start3A_195, %dma_start3A_196] : memref<1000000x128xf32, #tpu.memory_space<hbm>> -> memref<1000000x128xf32, #tpu.memory_space<hbm>>
        tpu.enqueue_indirect_dma source(%dma_start3A_197 : memref<1000000x128xf32, #tpu.memory_space<hbm>>) target(%arg9 : memref<128x128xf32, #tpu.memory_space<vmem>>) offsets(%dma_start3A_194 : memref<128xi32, #tpu.memory_space<vmem>>) semaphore(%arg13 : memref<!tpu.dma_semaphore, #tpu.memory_space<semaphore_mem>>)
      } else {
      }
      %mul3A_150 = arith.constant 4 : i32
      %mul3A_151 = arith.muli %scan3A_51, %mul3A_150 : i32
      %add3A_152 = arith.constant 3 : i32
      %add3A_153 = arith.addi %mul3A_151, %add3A_152 : i32
      %dma_wait3A_154 = arith.constant 0 : i32
      %dma_wait3A_155 = tpu.memref_slice %arg6[%add3A_153, %dma_wait3A_154] : memref<200x128xi32, #tpu.memory_space<vmem>> -> memref<1x128xi32, #tpu.memory_space<vmem>>
      %dma_wait3A_156 = tpu.memref_squeeze %dma_wait3A_155 : memref<1x128xi32, #tpu.memory_space<vmem>> -> memref<128xi32, #tpu.memory_space<vmem>>
      %dma_wait3A_157 = arith.constant 0 : i32
      %dma_wait3A_158 = arith.constant 0 : i32
      %dma_wait3A_159 = tpu.memref_slice %arg4[%dma_wait3A_157, %dma_wait3A_158] : memref<1000000x128xf32, #tpu.memory_space<hbm>> -> memref<1000000x128xf32, #tpu.memory_space<hbm>>
      tpu.wait_indirect_dma semaphore(%arg15 : memref<!tpu.dma_semaphore, #tpu.memory_space<semaphore_mem>>) src(%dma_wait3A_159 : memref<1000000x128xf32, #tpu.memory_space<hbm>>) dst(%arg11 : memref<128x128xf32, #tpu.memory_space<vmem>>)
      %mul3A_160 = arith.constant 128 : i32
      %mul3A_161 = arith.muli %add3A_153, %mul3A_160 : i32
      %rem3A_162 = arith.constant 200 : i32
      %rem3A_163 = arith.remsi %mul3A_161, %rem3A_162 : i32
      %parallel_loop3A_164 = arith.constant 0 : i32
      %parallel_loop3A_165 = arith.constant 128 : i32
      %parallel_loop3A_166 = arith.constant 1 : i32
      scf.for %parallel_loop3A_183 = %parallel_loop3A_164 to %parallel_loop3A_165 step %parallel_loop3A_166  : i32 {
        %parallel_loop3A_184 = arith.addi %rem3A_163, %parallel_loop3A_183 : i32
        %parallel_loop3A_185 = arith.constant 200 : i32
        %parallel_loop3A_186 = arith.cmpi sge, %parallel_loop3A_184, %parallel_loop3A_185 : i32
        %parallel_loop3A_187 = arith.constant 200 : i32
        %parallel_loop3A_188 = arith.subi %parallel_loop3A_184, %parallel_loop3A_187 : i32
        %parallel_loop3A_189 = arith.select %parallel_loop3A_186, %parallel_loop3A_188, %parallel_loop3A_184 : i32
        %parallel_loop3A_190 = arith.index_cast %parallel_loop3A_183 : i32 to index
        %parallel_loop3A_191 = arith.constant 0 : index
        %parallel_loop3A_192 = tpu.vector_load %arg11[%parallel_loop3A_190, %parallel_loop3A_191] {strides = array<i32>} : memref<128x128xf32, #tpu.memory_space<vmem>>, vector<1x16xf32>,
        %parallel_loop3A_193 = vector.shape_cast %parallel_loop3A_192 : vector<1x16xf32> to vector<16xf32>
        %parallel_loop3A_194 = arith.constant 11.3137083 : f32
        %parallel_loop3A_195 = vector.broadcast %parallel_loop3A_194 : f32 to vector<16xf32>
        %parallel_loop3A_196 = arith.mulf %parallel_loop3A_193, %parallel_loop3A_195 : vector<16xf32>
        %parallel_loop3A_197 = arith.index_cast %parallel_loop3A_189 : i32 to index
        %parallel_loop3A_198 = arith.constant 0 : index
        %parallel_loop3A_199 = tpu.vector_load %arg7[%parallel_loop3A_197, %parallel_loop3A_198] {strides = array<i32>} : memref<200x128xf32, #tpu.memory_space<vmem>>, vector<1x16xf32>,
        %parallel_loop3A_200 = vector.shape_cast %parallel_loop3A_199 : vector<1x16xf32> to vector<16xf32>
        %parallel_loop3A_201 = arith.addf %parallel_loop3A_196, %parallel_loop3A_200 : vector<16xf32>
        %parallel_loop3A_202 = arith.index_cast %parallel_loop3A_183 : i32 to index
        %parallel_loop3A_203 = arith.constant 0 : index
        %parallel_loop3A_204 = tpu.vector_load %arg11[%parallel_loop3A_202, %parallel_loop3A_203] {strides = array<i32>} : memref<128x128xf32, #tpu.memory_space<vmem>>, vector<1x16xf32>,
        %parallel_loop3A_205 = vector.shape_cast %parallel_loop3A_204 : vector<1x16xf32> to vector<16xf32>
        %parallel_loop3A_206 = vector.shape_cast %parallel_loop3A_201 : vector<16xf32> to vector<1x16xf32>
        tpu.vector_store %arg11[%parallel_loop3A_202, %parallel_loop3A_203], %parallel_loop3A_206 {strides = array<i32>} : memref<128x128xf32, #tpu.memory_space<vmem>>, vector<1x16xf32>,
        %parallel_loop3A_207 = arith.index_cast %parallel_loop3A_183 : i32 to index
        %parallel_loop3A_208 = arith.constant 16 : index
        %parallel_loop3A_209 = tpu.vector_load %arg11[%parallel_loop3A_207, %parallel_loop3A_208] {strides = array<i32>} : memref<128x128xf32, #tpu.memory_space<vmem>>, vector<1x16xf32>,
        %parallel_loop3A_210 = vector.shape_cast %parallel_loop3A_209 : vector<1x16xf32> to vector<16xf32>
        %parallel_loop3A_211 = arith.constant 11.3137083 : f32
        %parallel_loop3A_212 = vector.broadcast %parallel_loop3A_211 : f32 to vector<16xf32>
        %parallel_loop3A_213 = arith.mulf %parallel_loop3A_210, %parallel_loop3A_212 : vector<16xf32>
        %parallel_loop3A_214 = arith.index_cast %parallel_loop3A_189 : i32 to index
        %parallel_loop3A_215 = arith.constant 16 : index
        %parallel_loop3A_216 = tpu.vector_load %arg7[%parallel_loop3A_214, %parallel_loop3A_215] {strides = array<i32>} : memref<200x128xf32, #tpu.memory_space<vmem>>, vector<1x16xf32>,
        %parallel_loop3A_217 = vector.shape_cast %parallel_loop3A_216 : vector<1x16xf32> to vector<16xf32>
        %parallel_loop3A_218 = arith.addf %parallel_loop3A_213, %parallel_loop3A_217 : vector<16xf32>
        %parallel_loop3A_219 = arith.index_cast %parallel_loop3A_183 : i32 to index
        %parallel_loop3A_220 = arith.constant 16 : index
        %parallel_loop3A_221 = tpu.vector_load %arg11[%parallel_loop3A_219, %parallel_loop3A_220] {strides = array<i32>} : memref<128x128xf32, #tpu.memory_space<vmem>>, vector<1x16xf32>,
        %parallel_loop3A_222 = vector.shape_cast %parallel_loop3A_221 : vector<1x16xf32> to vector<16xf32>
        %parallel_loop3A_223 = vector.shape_cast %parallel_loop3A_218 : vector<16xf32> to vector<1x16xf32>
        tpu.vector_store %arg11[%parallel_loop3A_219, %parallel_loop3A_220], %parallel_loop3A_223 {strides = array<i32>} : memref<128x128xf32, #tpu.memory_space<vmem>>, vector<1x16xf32>,
        %parallel_loop3A_224 = arith.index_cast %parallel_loop3A_183 : i32 to index
        %parallel_loop3A_225 = arith.constant 32 : index
        %parallel_loop3A_226 = tpu.vector_load %arg11[%parallel_loop3A_224, %parallel_loop3A_225] {strides = array<i32>} : memref<128x128xf32, #tpu.memory_space<vmem>>, vector<1x16xf32>,
        %parallel_loop3A_227 = vector.shape_cast %parallel_loop3A_226 : vector<1x16xf32> to vector<16xf32>
        %parallel_loop3A_228 = arith.constant 11.3137083 : f32
        %parallel_loop3A_229 = vector.broadcast %parallel_loop3A_228 : f32 to vector<16xf32>
        %parallel_loop3A_230 = arith.mulf %parallel_loop3A_227, %parallel_loop3A_229 : vector<16xf32>
        %parallel_loop3A_231 = arith.index_cast %parallel_loop3A_189 : i32 to index
        %parallel_loop3A_232 = arith.constant 32 : index
        %parallel_loop3A_233 = tpu.vector_load %arg7[%parallel_loop3A_231, %parallel_loop3A_232] {strides = array<i32>} : memref<200x128xf32, #tpu.memory_space<vmem>>, vector<1x16xf32>,
        %parallel_loop3A_234 = vector.shape_cast %parallel_loop3A_233 : vector<1x16xf32> to vector<16xf32>
        %parallel_loop3A_235 = arith.addf %parallel_loop3A_230, %parallel_loop3A_234 : vector<16xf32>
        %parallel_loop3A_236 = arith.index_cast %parallel_loop3A_183 : i32 to index
        %parallel_loop3A_237 = arith.constant 32 : index
        %parallel_loop3A_238 = tpu.vector_load %arg11[%parallel_loop3A_236, %parallel_loop3A_237] {strides = array<i32>} : memref<128x128xf32, #tpu.memory_space<vmem>>, vector<1x16xf32>,
        %parallel_loop3A_239 = vector.shape_cast %parallel_loop3A_238 : vector<1x16xf32> to vector<16xf32>
        %parallel_loop3A_240 = vector.shape_cast %parallel_loop3A_235 : vector<16xf32> to vector<1x16xf32>
        tpu.vector_store %arg11[%parallel_loop3A_236, %parallel_loop3A_237], %parallel_loop3A_240 {strides = array<i32>} : memref<128x128xf32, #tpu.memory_space<vmem>>, vector<1x16xf32>,
        %parallel_loop3A_241 = arith.index_cast %parallel_loop3A_183 : i32 to index
        %parallel_loop3A_242 = arith.constant 48 : index
        %parallel_loop3A_243 = tpu.vector_load %arg11[%parallel_loop3A_241, %parallel_loop3A_242] {strides = array<i32>} : memref<128x128xf32, #tpu.memory_space<vmem>>, vector<1x16xf32>,
        %parallel_loop3A_244 = vector.shape_cast %parallel_loop3A_243 : vector<1x16xf32> to vector<16xf32>
        %parallel_loop3A_245 = arith.constant 11.3137083 : f32
        %parallel_loop3A_246 = vector.broadcast %parallel_loop3A_245 : f32 to vector<16xf32>
        %parallel_loop3A_247 = arith.mulf %parallel_loop3A_244, %parallel_loop3A_246 : vector<16xf32>
        %parallel_loop3A_248 = arith.index_cast %parallel_loop3A_189 : i32 to index
        %parallel_loop3A_249 = arith.constant 48 : index
        %parallel_loop3A_250 = tpu.vector_load %arg7[%parallel_loop3A_248, %parallel_loop3A_249] {strides = array<i32>} : memref<200x128xf32, #tpu.memory_space<vmem>>, vector<1x16xf32>,
        %parallel_loop3A_251 = vector.shape_cast %parallel_loop3A_250 : vector<1x16xf32> to vector<16xf32>
        %parallel_loop3A_252 = arith.addf %parallel_loop3A_247, %parallel_loop3A_251 : vector<16xf32>
        %parallel_loop3A_253 = arith.index_cast %parallel_loop3A_183 : i32 to index
        %parallel_loop3A_254 = arith.constant 48 : index
        %parallel_loop3A_255 = tpu.vector_load %arg11[%parallel_loop3A_253, %parallel_loop3A_254] {strides = array<i32>} : memref<128x128xf32, #tpu.memory_space<vmem>>, vector<1x16xf32>,
        %parallel_loop3A_256 = vector.shape_cast %parallel_loop3A_255 : vector<1x16xf32> to vector<16xf32>
        %parallel_loop3A_257 = vector.shape_cast %parallel_loop3A_252 : vector<16xf32> to vector<1x16xf32>
        tpu.vector_store %arg11[%parallel_loop3A_253, %parallel_loop3A_254], %parallel_loop3A_257 {strides = array<i32>} : memref<128x128xf32, #tpu.memory_space<vmem>>, vector<1x16xf32>,
        %parallel_loop3A_258 = arith.index_cast %parallel_loop3A_183 : i32 to index
        %parallel_loop3A_259 = arith.constant 64 : index
        %parallel_loop3A_260 = tpu.vector_load %arg11[%parallel_loop3A_258, %parallel_loop3A_259] {strides = array<i32>} : memref<128x128xf32, #tpu.memory_space<vmem>>, vector<1x16xf32>,
        %parallel_loop3A_261 = vector.shape_cast %parallel_loop3A_260 : vector<1x16xf32> to vector<16xf32>
        %parallel_loop3A_262 = arith.constant 11.3137083 : f32
        %parallel_loop3A_263 = vector.broadcast %parallel_loop3A_262 : f32 to vector<16xf32>
        %parallel_loop3A_264 = arith.mulf %parallel_loop3A_261, %parallel_loop3A_263 : vector<16xf32>
        %parallel_loop3A_265 = arith.index_cast %parallel_loop3A_189 : i32 to index
        %parallel_loop3A_266 = arith.constant 64 : index
        %parallel_loop3A_267 = tpu.vector_load %arg7[%parallel_loop3A_265, %parallel_loop3A_266] {strides = array<i32>} : memref<200x128xf32, #tpu.memory_space<vmem>>, vector<1x16xf32>,
        %parallel_loop3A_268 = vector.shape_cast %parallel_loop3A_267 : vector<1x16xf32> to vector<16xf32>
        %parallel_loop3A_269 = arith.addf %parallel_loop3A_264, %parallel_loop3A_268 : vector<16xf32>
        %parallel_loop3A_270 = arith.index_cast %parallel_loop3A_183 : i32 to index
        %parallel_loop3A_271 = arith.constant 64 : index
        %parallel_loop3A_272 = tpu.vector_load %arg11[%parallel_loop3A_270, %parallel_loop3A_271] {strides = array<i32>} : memref<128x128xf32, #tpu.memory_space<vmem>>, vector<1x16xf32>,
        %parallel_loop3A_273 = vector.shape_cast %parallel_loop3A_272 : vector<1x16xf32> to vector<16xf32>
        %parallel_loop3A_274 = vector.shape_cast %parallel_loop3A_269 : vector<16xf32> to vector<1x16xf32>
        tpu.vector_store %arg11[%parallel_loop3A_270, %parallel_loop3A_271], %parallel_loop3A_274 {strides = array<i32>} : memref<128x128xf32, #tpu.memory_space<vmem>>, vector<1x16xf32>,
        %parallel_loop3A_275 = arith.index_cast %parallel_loop3A_183 : i32 to index
        %parallel_loop3A_276 = arith.constant 80 : index
        %parallel_loop3A_277 = tpu.vector_load %arg11[%parallel_loop3A_275, %parallel_loop3A_276] {strides = array<i32>} : memref<128x128xf32, #tpu.memory_space<vmem>>, vector<1x16xf32>,
        %parallel_loop3A_278 = vector.shape_cast %parallel_loop3A_277 : vector<1x16xf32> to vector<16xf32>
        %parallel_loop3A_279 = arith.constant 11.3137083 : f32
        %parallel_loop3A_280 = vector.broadcast %parallel_loop3A_279 : f32 to vector<16xf32>
        %parallel_loop3A_281 = arith.mulf %parallel_loop3A_278, %parallel_loop3A_280 : vector<16xf32>
        %parallel_loop3A_282 = arith.index_cast %parallel_loop3A_189 : i32 to index
        %parallel_loop3A_283 = arith.constant 80 : index
        %parallel_loop3A_284 = tpu.vector_load %arg7[%parallel_loop3A_282, %parallel_loop3A_283] {strides = array<i32>} : memref<200x128xf32, #tpu.memory_space<vmem>>, vector<1x16xf32>,
        %parallel_loop3A_285 = vector.shape_cast %parallel_loop3A_284 : vector<1x16xf32> to vector<16xf32>
        %parallel_loop3A_286 = arith.addf %parallel_loop3A_281, %parallel_loop3A_285 : vector<16xf32>
        %parallel_loop3A_287 = arith.index_cast %parallel_loop3A_183 : i32 to index
        %parallel_loop3A_288 = arith.constant 80 : index
        %parallel_loop3A_289 = tpu.vector_load %arg11[%parallel_loop3A_287, %parallel_loop3A_288] {strides = array<i32>} : memref<128x128xf32, #tpu.memory_space<vmem>>, vector<1x16xf32>,
        %parallel_loop3A_290 = vector.shape_cast %parallel_loop3A_289 : vector<1x16xf32> to vector<16xf32>
        %parallel_loop3A_291 = vector.shape_cast %parallel_loop3A_286 : vector<16xf32> to vector<1x16xf32>
        tpu.vector_store %arg11[%parallel_loop3A_287, %parallel_loop3A_288], %parallel_loop3A_291 {strides = array<i32>} : memref<128x128xf32, #tpu.memory_space<vmem>>, vector<1x16xf32>,
        %parallel_loop3A_292 = arith.index_cast %parallel_loop3A_183 : i32 to index
        %parallel_loop3A_293 = arith.constant 96 : index
        %parallel_loop3A_294 = tpu.vector_load %arg11[%parallel_loop3A_292, %parallel_loop3A_293] {strides = array<i32>} : memref<128x128xf32, #tpu.memory_space<vmem>>, vector<1x16xf32>,
        %parallel_loop3A_295 = vector.shape_cast %parallel_loop3A_294 : vector<1x16xf32> to vector<16xf32>
        %parallel_loop3A_296 = arith.constant 11.3137083 : f32
        %parallel_loop3A_297 = vector.broadcast %parallel_loop3A_296 : f32 to vector<16xf32>
        %parallel_loop3A_298 = arith.mulf %parallel_loop3A_295, %parallel_loop3A_297 : vector<16xf32>
        %parallel_loop3A_299 = arith.index_cast %parallel_loop3A_189 : i32 to index
        %parallel_loop3A_300 = arith.constant 96 : index
        %parallel_loop3A_301 = tpu.vector_load %arg7[%parallel_loop3A_299, %parallel_loop3A_300] {strides = array<i32>} : memref<200x128xf32, #tpu.memory_space<vmem>>, vector<1x16xf32>,
        %parallel_loop3A_302 = vector.shape_cast %parallel_loop3A_301 : vector<1x16xf32> to vector<16xf32>
        %parallel_loop3A_303 = arith.addf %parallel_loop3A_298, %parallel_loop3A_302 : vector<16xf32>
        %parallel_loop3A_304 = arith.index_cast %parallel_loop3A_183 : i32 to index
        %parallel_loop3A_305 = arith.constant 96 : index
        %parallel_loop3A_306 = tpu.vector_load %arg11[%parallel_loop3A_304, %parallel_loop3A_305] {strides = array<i32>} : memref<128x128xf32, #tpu.memory_space<vmem>>, vector<1x16xf32>,
        %parallel_loop3A_307 = vector.shape_cast %parallel_loop3A_306 : vector<1x16xf32> to vector<16xf32>
        %parallel_loop3A_308 = vector.shape_cast %parallel_loop3A_303 : vector<16xf32> to vector<1x16xf32>
        tpu.vector_store %arg11[%parallel_loop3A_304, %parallel_loop3A_305], %parallel_loop3A_308 {strides = array<i32>} : memref<128x128xf32, #tpu.memory_space<vmem>>, vector<1x16xf32>,
        %parallel_loop3A_309 = arith.index_cast %parallel_loop3A_183 : i32 to index
        %parallel_loop3A_310 = arith.constant 112 : index
        %parallel_loop3A_311 = tpu.vector_load %arg11[%parallel_loop3A_309, %parallel_loop3A_310] {strides = array<i32>} : memref<128x128xf32, #tpu.memory_space<vmem>>, vector<1x16xf32>,
        %parallel_loop3A_312 = vector.shape_cast %parallel_loop3A_311 : vector<1x16xf32> to vector<16xf32>
        %parallel_loop3A_313 = arith.constant 11.3137083 : f32
        %parallel_loop3A_314 = vector.broadcast %parallel_loop3A_313 : f32 to vector<16xf32>
        %parallel_loop3A_315 = arith.mulf %parallel_loop3A_312, %parallel_loop3A_314 : vector<16xf32>
        %parallel_loop3A_316 = arith.index_cast %parallel_loop3A_189 : i32 to index
        %parallel_loop3A_317 = arith.constant 112 : index
        %parallel_loop3A_318 = tpu.vector_load %arg7[%parallel_loop3A_316, %parallel_loop3A_317] {strides = array<i32>} : memref<200x128xf32, #tpu.memory_space<vmem>>, vector<1x16xf32>,
        %parallel_loop3A_319 = vector.shape_cast %parallel_loop3A_318 : vector<1x16xf32> to vector<16xf32>
        %parallel_loop3A_320 = arith.addf %parallel_loop3A_315, %parallel_loop3A_319 : vector<16xf32>
        %parallel_loop3A_321 = arith.index_cast %parallel_loop3A_183 : i32 to index
        %parallel_loop3A_322 = arith.constant 112 : index
        %parallel_loop3A_323 = tpu.vector_load %arg11[%parallel_loop3A_321, %parallel_loop3A_322] {strides = array<i32>} : memref<128x128xf32, #tpu.memory_space<vmem>>, vector<1x16xf32>,
        %parallel_loop3A_324 = vector.shape_cast %parallel_loop3A_323 : vector<1x16xf32> to vector<16xf32>
        %parallel_loop3A_325 = vector.shape_cast %parallel_loop3A_320 : vector<16xf32> to vector<1x16xf32>
        tpu.vector_store %arg11[%parallel_loop3A_321, %parallel_loop3A_322], %parallel_loop3A_325 {strides = array<i32>} : memref<128x128xf32, #tpu.memory_space<vmem>>, vector<1x16xf32>,
      } {sc.loop_unroll_factor = 8 : i64, sc.parallel_access}
      %mul3A_167 = arith.constant 128 : i32
      %mul3A_168 = arith.muli %add3A_153, %mul3A_167 : i32
      %add3A_169 = arith.addi %mul3A_2, %mul3A_168 : i32
      %dma_start3A_170 = arith.constant 0 : i32
      %dma_start3A_171 = tpu.memref_slice %arg5[%add3A_169, %dma_start3A_170] : memref<819200x128xf32, #tpu.memory_space<hbm>> -> memref<128x128xf32, #tpu.memory_space<hbm>>
      %dma_start3A_172 = arith.constant 0 : i32
      %dma_start3A_173 = tpu.memref_slice %arg5[%add3A_169, %dma_start3A_172] : memref<819200x128xf32, #tpu.memory_space<hbm>> -> memref<128x128xf32, #tpu.memory_space<hbm>>
      tpu.enqueue_dma source(%arg11 : memref<128x128xf32, #tpu.memory_space<vmem>>) target(%dma_start3A_173 : memref<128x128xf32, #tpu.memory_space<hbm>>) target_semaphore(%arg19 : memref<!tpu.dma_semaphore, #tpu.memory_space<semaphore_mem>>)
      %add3A_174 = arith.constant 4 : i32
      %add3A_175 = arith.addi %add3A_153, %add3A_174 : i32
      %sub3A_176 = arith.constant 1 : i32
      %sub3A_177 = arith.subi %add3A_175, %sub3A_176 : i32
      %lt3A_178 = arith.constant 200 : i32
      %lt3A_179 = arith.cmpi slt, %sub3A_177, %lt3A_178 : i32
      %convert_element_type3A_180 = arith.extui %lt3A_179 : i1 to i32
      %cond3A_181 = arith.constant 0 : i32
      %cond3A_182 = arith.cmpi ne, %convert_element_type3A_180, %cond3A_181 : i32
      scf.if %cond3A_182 {
        %sub3A_183 = arith.constant 1 : i32
        %sub3A_184 = arith.subi %add3A_153, %sub3A_183 : i32
        %mul3A_185 = arith.constant 128 : i32
        %mul3A_186 = arith.muli %sub3A_184, %mul3A_185 : i32
        %add3A_187 = arith.addi %mul3A_2, %mul3A_186 : i32
        %dma_wait3A_188 = arith.constant 0 : i32
        %dma_wait3A_189 = tpu.memref_slice %arg5[%add3A_187, %dma_wait3A_188] : memref<819200x128xf32, #tpu.memory_space<hbm>> -> memref<128x128xf32, #tpu.memory_space<hbm>>
        %dma_wait3A_190 = arith.constant 0 : i32
        %dma_wait3A_191 = tpu.memref_slice %arg5[%add3A_187, %dma_wait3A_190] : memref<819200x128xf32, #tpu.memory_space<hbm>> -> memref<128x128xf32, #tpu.memory_space<hbm>>
        tpu.wait_dma2 semaphore(%arg18 : memref<!tpu.dma_semaphore, #tpu.memory_space<semaphore_mem>>) src(%arg10 : memref<128x128xf32, #tpu.memory_space<vmem>>) dst(%dma_wait3A_191 : memref<128x128xf32, #tpu.memory_space<hbm>>)
        %dma_start3A_192 = arith.constant 0 : i32
        %dma_start3A_193 = tpu.memref_slice %arg6[%sub3A_177, %dma_start3A_192] : memref<200x128xi32, #tpu.memory_space<vmem>> -> memref<1x128xi32, #tpu.memory_space<vmem>>
        %dma_start3A_194 = tpu.memref_squeeze %dma_start3A_193 : memref<1x128xi32, #tpu.memory_space<vmem>> -> memref<128xi32, #tpu.memory_space<vmem>>
        %dma_start3A_195 = arith.constant 0 : i32
        %dma_start3A_196 = arith.constant 0 : i32
        %dma_start3A_197 = tpu.memref_slice %arg4[%dma_start3A_195, %dma_start3A_196] : memref<1000000x128xf32, #tpu.memory_space<hbm>> -> memref<1000000x128xf32, #tpu.memory_space<hbm>>
        tpu.enqueue_indirect_dma source(%dma_start3A_197 : memref<1000000x128xf32, #tpu.memory_space<hbm>>) target(%arg10 : memref<128x128xf32, #tpu.memory_space<vmem>>) offsets(%dma_start3A_194 : memref<128xi32, #tpu.memory_space<vmem>>) semaphore(%arg14 : memref<!tpu.dma_semaphore, #tpu.memory_space<semaphore_mem>>)
      } else {
      }
    }
    %scan3A_27 = arith.constant 50 : i32
    %add3A_28 = arith.constant 25088 : i32
    %add3A_29 = arith.addi %mul3A_2, %add3A_28 : i32
    %dma_wait3A = arith.constant 0 : i32
    %dma_wait3A_30 = tpu.memref_slice %arg5[%add3A_29, %dma_wait3A] : memref<819200x128xf32, #tpu.memory_space<hbm>> -> memref<128x128xf32, #tpu.memory_space<hbm>>
    %dma_wait3A_31 = arith.constant 0 : i32
    %dma_wait3A_32 = tpu.memref_slice %arg5[%add3A_29, %dma_wait3A_31] : memref<819200x128xf32, #tpu.memory_space<hbm>> -> memref<128x128xf32, #tpu.memory_space<hbm>>
    tpu.wait_dma2 semaphore(%arg16 : memref<!tpu.dma_semaphore, #tpu.memory_space<semaphore_mem>>) src(%arg8 : memref<128x128xf32, #tpu.memory_space<vmem>>) dst(%dma_wait3A_32 : memref<128x128xf32, #tpu.memory_space<hbm>>)
    %add3A_33 = arith.constant 25216 : i32
    %add3A_34 = arith.addi %mul3A_2, %add3A_33 : i32
    %dma_wait3A_35 = arith.constant 0 : i32
    %dma_wait3A_36 = tpu.memref_slice %arg5[%add3A_34, %dma_wait3A_35] : memref<819200x128xf32, #tpu.memory_space<hbm>> -> memref<128x128xf32, #tpu.memory_space<hbm>>
    %dma_wait3A_37 = arith.constant 0 : i32
    %dma_wait3A_38 = tpu.memref_slice %arg5[%add3A_34, %dma_wait3A_37] : memref<819200x128xf32, #tpu.memory_space<hbm>> -> memref<128x128xf32, #tpu.memory_space<hbm>>
    tpu.wait_dma2 semaphore(%arg17 : memref<!tpu.dma_semaphore, #tpu.memory_space<semaphore_mem>>) src(%arg9 : memref<128x128xf32, #tpu.memory_space<vmem>>) dst(%dma_wait3A_38 : memref<128x128xf32, #tpu.memory_space<hbm>>)
    %add3A_39 = arith.constant 25344 : i32
    %add3A_40 = arith.addi %mul3A_2, %add3A_39 : i32
    %dma_wait3A_41 = arith.constant 0 : i32
    %dma_wait3A_42 = tpu.memref_slice %arg5[%add3A_40, %dma_wait3A_41] : memref<819200x128xf32, #tpu.memory_space<hbm>> -> memref<128x128xf32, #tpu.memory_space<hbm>>
    %dma_wait3A_43 = arith.constant 0 : i32
    %dma_wait3A_44 = tpu.memref_slice %arg5[%add3A_40, %dma_wait3A_43] : memref<819200x128xf32, #tpu.memory_space<hbm>> -> memref<128x128xf32, #tpu.memory_space<hbm>>
    tpu.wait_dma2 semaphore(%arg18 : memref<!tpu.dma_semaphore, #tpu.memory_space<semaphore_mem>>) src(%arg10 : memref<128x128xf32, #tpu.memory_space<vmem>>) dst(%dma_wait3A_44 : memref<128x128xf32, #tpu.memory_space<hbm>>)
    %add3A_45 = arith.constant 25472 : i32
    %add3A_46 = arith.addi %mul3A_2, %add3A_45 : i32
    %dma_wait3A_47 = arith.constant 0 : i32
    %dma_wait3A_48 = tpu.memref_slice %arg5[%add3A_46, %dma_wait3A_47] : memref<819200x128xf32, #tpu.memory_space<hbm>> -> memref<128x128xf32, #tpu.memory_space<hbm>>
    %dma_wait3A_49 = arith.constant 0 : i32
    %dma_wait3A_50 = tpu.memref_slice %arg5[%add3A_46, %dma_wait3A_49] : memref<819200x128xf32, #tpu.memory_space<hbm>> -> memref<128x128xf32, #tpu.memory_space<hbm>>
    tpu.wait_dma2 semaphore(%arg19 : memref<!tpu.dma_semaphore, #tpu.memory_space<semaphore_mem>>) src(%arg11 : memref<128x128xf32, #tpu.memory_space<vmem>>) dst(%dma_wait3A_50 : memref<128x128xf32, #tpu.memory_space<hbm>>)
    return
  }
}

</mosaic_0001>

<sc_bundles>
// kernel: kernel.3.cloned.1.call-start
scs
__scs_entry_jumppad:
0x0: {  	(pc) =	sbr.rel $0x88, $3  }
0x1: {  	(tag) =	ssettag $0x0;
	lr =	simm.s32 $0x1  }
0x2: {  	[smem:$0x3F9F] =	sst lr;
	_ =	strace $0xD0000000  }
0x3: {  	_ = 	snop  }
0x4: {  	_ = 	snop  }
0x5: {  	_ = 	snop  }
0x6: {  	_ = 	snop  }
0x7: {  	_ = 	snop  }
__scs_overlays_trampoline_lowered:
0x8: {  	[smem:$0x3FAE] =	sst s0  }
0x9: {  	[smem:$0x3FAF] =	sst s1  }
0xa: {  	[smem:$0x3FB0] =	sst s2  }
0xb: {  	[smem:$0x3FB1] =	sst s3  }
0xc: {  	[smem:$0x3FB2] =	sst s4  }
0xd: {  	[smem:$0x3FB3] =	sst s5  }
0xe: {  	[smem:$0x3FB4] =	sst s6  }
0xf: {  	[smem:$0x3FB5] =	sst s7  }
0x10: {  	[smem:$0x3FB6] =	sst s8  }
0x11: {  	[smem:$0x3FB7] =	sst s9;
	s0 =	simm.s32 @!p0 $0x0  }
0x12: {  	s1 =	sld [smem:$0x3F9D];
	s0 =	simm.s32 @p0 $0x1  }
0x13: {  	[smem:$0x3FB8] =	sst s0;
	s0 =	simm.s32 @!p1 $0x0  }
0x14: {  	s2 =	sld [smem:$0x3F9C];
	s0 =	simm.s32 @p1 $0x1  }
0x15: {  	[smem:$0x3FB9] =	sst s0;
	s0 =	simm.s32 @!p2 $0x0  }
0x16: {  	s3 =	sld [smem:$0x3FDB];
	s0 =	simm.s32 @p2 $0x1  }
0x17: {  	s4 =	simm.s32 $0x1BF5;
	[smem:$0x3FBB] =	sst s0  }
0x18: {  	s0 =	sld [smem:$0x3F9E];
	_ =	swait.ge [sflag:s4], $0x0  }
0x19: {  	s7 =	sld [smem:$0x3F9F]  }
0x1a: {  	s8 =	sadd.s32 $0xFFFFE003, lr  }
0x1b: {  	s9 =	sadd.s32 $0xFFFFFEF7, lr;
	s5 =	simm.s32 $0xFFFFFFFF;
	p2 =	slt.u32 s8, $0xFFFFF086  }
0x1c: {  	p1 =	slt.u32 s9, $0xF7A;
	s5 =	simm.s32 @!p2 $0x0  }
0x1d: {  	s5 =	simm.s32 @p1 $0x1;
	p0 =	seq.s32 s7, s2  }
0x1e: {  	s7 =	smul.u32 @!p0 $0xF7A, s2;
	p2 =	seq.s32 @!p0 s5, $0x0  }
0x1f: {  	s9 =	smul.u32 $0xF7A, s1;
	s8 =	simm.s32 @!p0 $0x1BF5;
	p2 =	por !p2, p0  }
0x20: {  	[sflag:s8] =	ssyncset.s32 @!p0 $0xFFFFF086;
	s6 =	sadd.s32 @!p0 s3, s7;
	s7 =	simm.s32 @!p0 $0x108  }
0x21: {  	s3 =	sadd.s32 s3, s9;
	s6 =	sadd.s32 @!p0 $0x88, s6;
	s7 =	simm.s32 @p2 $0x1082  }
0x22: {  	[simem:s7], [sflag:s8] =	dma.local @!p0 [hbm:s6], $0xF7A  }
0x23: {  	s9 =	sor.u32 $0xD0000000, s2;
	s6 =	simm.s32 $0x108;
	_ =	swait.ge @!p0 [sflag:s8], $0x0  }
0x24: {  	s3 =	sadd.s32 $0x88, s3;
	s6 =	simm.s32 @!p1 $0x1082;
	[sflag:s4] =	ssyncset.s32 $0xFFFFF086  }
0x25: {  	[simem:s6], [sflag:s4] =	dma.local [hbm:s3], $0xF7A  }
0x26: {  	[smem:$0x3F9F] =	sst s1;
	(tag) =	ssettag s2;
	_ =	strace s9  }
0x27: {  	s1 =	sld [smem:$0x3FAF]  }
0x28: {  	s2 =	sld [smem:$0x3FB0]  }
0x29: {  	s4 =	sld [smem:$0x3FB2]  }
0x2a: {  	p0 =	seq.s32 s5, $0x0;
	s5 =	sld [smem:$0x3FB3]  }
0x2b: {  	s6 =	sld [smem:$0x3FB4]  }
0x2c: {  	s7 =	sld [smem:$0x3FB5]  }
0x2d: {  	s3 =	simm.s32 $0x108;
	s8 =	sld [smem:$0x3FB6]  }
0x2e: {  	s3 =	simm.s32 @!p0 $0x1082;
	s9 =	sld [smem:$0x3FB7]  }
0x2f: {  	lr =	sadd.s32 s0, s3;
	s0 =	sld [smem:$0x3FAE]  }
0x30: {  	s3 =	sld [smem:$0x3FB1]  }
0x31: {  	[smem:$0x3FBA] =	sst s10  }
0x32: {  	s10 =	sld [smem:$0x3FB8];
	_ =	sdelay $0x3  }
0x33: {  	p0 =	seq.s32 s10, $0x1;
	s10 =	sld [smem:$0x3FBA];
	_ =	sdelay $0x3  }
0x34: {  	[smem:$0x3FBA] =	sst s10  }
0x35: {  	s10 =	sld [smem:$0x3FB9];
	_ =	sdelay $0x3  }
0x36: {  	p1 =	seq.s32 s10, $0x1;
	s10 =	sld [smem:$0x3FBA];
	_ =	sdelay $0x3  }
0x37: {  	[smem:$0x3FBA] =	sst s10  }
0x38: {  	s10 =	sld [smem:$0x3FBB]  }
0x39: {  	_ = 	snop;
	(pc) =	sbr.ind lr, $3  }
0x3a: {  	_ = 	snop  }
0x3b: {  	_ = 	snop  }
0x3c: {  	p2 =	seq.s32 s10, $0x1;
	s10 =	sld [smem:$0x3FBA]  }
0x3d: {  	_ =	shalt  }
0x3e: {  	_ =	shalt  }
0x3f: {  	_ =	shalt  }
0x40: {  	_ =	shalt  }
0x41: {  	_ =	shalt  }
0x42: {  	_ =	shalt  }
0x43: {  	_ =	shalt  }
0x44: {  	_ =	shalt  }
0x45: {  	_ =	shalt  }
0x46: {  	_ =	shalt  }
0x47: {  	_ =	shalt  }
0x48: {  	_ =	shalt  }
0x49: {  	_ =	shalt  }
0x4a: {  	_ =	shalt  }
0x4b: {  	_ =	shalt  }
0x4c: {  	_ =	shalt  }
0x4d: {  	_ =	shalt  }
0x4e: {  	_ =	shalt  }
0x4f: {  	_ =	shalt  }
0x50: {  	_ =	shalt  }
0x51: {  	_ =	shalt  }
0x52: {  	_ =	shalt  }
0x53: {  	_ =	shalt  }
0x54: {  	_ =	shalt  }
0x55: {  	_ =	shalt  }
0x56: {  	_ =	shalt  }
0x57: {  	_ =	shalt  }
0x58: {  	_ =	shalt  }
0x59: {  	_ =	shalt  }
0x5a: {  	_ =	shalt  }
0x5b: {  	_ =	shalt  }
0x5c: {  	_ =	shalt  }
0x5d: {  	_ =	shalt  }
0x5e: {  	_ =	shalt  }
0x5f: {  	_ =	shalt  }
0x60: {  	_ =	shalt  }
0x61: {  	_ =	shalt  }
0x62: {  	_ =	shalt  }
0x63: {  	_ =	shalt  }
0x64: {  	_ =	shalt  }
0x65: {  	_ =	shalt  }
0x66: {  	_ =	shalt  }
0x67: {  	_ =	shalt  }
0x68: {  	_ =	shalt  }
0x69: {  	_ =	shalt  }
0x6a: {  	_ =	shalt  }
0x6b: {  	_ =	shalt  }
0x6c: {  	_ =	shalt  }
0x6d: {  	_ =	shalt  }
0x6e: {  	_ =	shalt  }
0x6f: {  	_ =	shalt  }
0x70: {  	_ =	shalt  }
0x71: {  	_ =	shalt  }
0x72: {  	_ =	shalt  }
0x73: {  	_ =	shalt  }
0x74: {  	_ =	shalt  }
0x75: {  	_ =	shalt  }
0x76: {  	_ =	shalt  }
0x77: {  	_ =	shalt  }
0x78: {  	_ =	shalt  }
0x79: {  	_ =	shalt  }
0x7a: {  	_ =	shalt  }
0x7b: {  	_ =	shalt  }
0x7c: {  	_ =	shalt  }
0x7d: {  	_ =	shalt  }
0x7e: {  	_ =	shalt  }
0x7f: {  	_ =	shalt  }
0x80: {  	_ =	shalt  }
0x81: {  	_ =	shalt  }
0x82: {  	_ =	shalt  }
0x83: {  	_ =	shalt  }
0x84: {  	_ =	shalt  }
0x85: {  	_ =	shalt  }
0x86: {  	_ =	shalt  }
0x87: {  	_ =	shalt  }
.Lfunc_end0:
.L_simem_size_0:
called_computation_lowered:
.L_overlay_start_0:
0x88: {  	s2 =	sld [smem:$0x3FD9]  }
0x89: {  	s3 =	sld [smem:$0x3FFE];
	_ =	sdelay $0x1  }
0x8a: {  	s1 =	srdreg.scid  }
0x8b: {  	s0 =	sand.u32 $0x1, s1  }
0x8c: {  	s17 =	sshll.u32 s0, $0xA;
	s2 =	sadd.s32 s3, s2  }
0x8d: {  	s2 =	sadd.s32 s2, s17  }
0x8e: {  	[smem:$0x3FC6] =	sst s2  }
0x8f: {  	_ = 	snop  }
0x90: {  	s2 =	sld [smem:$0x3FC8]  }
0x91: {  	s18 =	sld [smem:$0x3FD0];
	(tm) =	ssettm $0x1  }
0x92: {  	s4 =	sld [smem:$0x3FFB];
	_ =	sdelay $0x3  }
0x93: {  	_ =	strace s4  }
0x94: {  	s4 =	sld [smem:$0x3FFC];
	_ =	sdelay $0x3  }
0x95: {  	_ =	strace s4  }
0x96: {  	s4 =	sld [smem:$0x3FFD];
	_ =	sdelay $0x3  }
0x97: {  	_ =	strace s4  }
0x98: {  	_ =	strace $0x8FFFFFFF  }
0x99: {  	s19 =	sld [smem:$0x3FDB];
	_ =	sdelay $0x1  }
0x9a: {  	s5 =	simm.s32 $_scs_section_size  }
0x9b: {  	s6 =	simm.s32 $_size__tile_overlayer_lowered;
	s7 =	simm.s32 $_tile_overlayer_lowered  }
0x9c: {  	s22 =	simm.s32 $0x1BFF;
	s21 =	sshll.u32 s7, $0x1;
	s4 =	sadd.s32 s5, s19  }
0x9d: {  	s8 =	simm.s32 $0x0;
	s20 =	sshll.u32 s6, $0x1;
	s6 =	sadd.s32 s21, s4  }
0x9e: {  	[timem:s8], [sflag:s22] =	dma.local [hbm:s6], s20  }
0x9f: {  	_ =	swait.ge [sflag:s22], s20  }
0xa0: {  	s5 =	ssub.s32 $0x0, s20;
	[sflag:s22] =	ssyncset.done $0x0  }
0xa1: {  	[sflag:s22] =	ssyncadd.s32 s5;
	_ =	sdelay $0x1  }
0xa2: {  	s23 =	simm.s32 $0x1B8B  }
0xa3: {  	_ =	swait.ge [sflag:s23], $0x1  }
0xa4: {  	[sflag:s23] =	ssyncset.done $0x0  }
0xa5: {  	s25 =	simm.s32 $0x1B8E;
	s24 =	sld [smem:$0x3FFE];
	[sflag:s23] =	ssyncadd.s32 $0xFFFFFFFF  }
0xa6: {  	s26 =	simm.s32 $execute0_lowered;
	[smem:$0x3FD2] =	sst s25  }
0xa7: {  	s6 =	sshll.u32 s26, $0x1;
	_ =	strace $0x80000046;
	[dreg:$0x1] =	wrdreg $0xFFFFFFFF  }
0xa8: {  	s28 =	simm.s32 $_size_execute0_lowered;
	s4 =	sadd.s32 s4, s6;
	[dreg:$0x0] =	wrdreg $0x0  }
0xa9: {  	s6 =	sshll.u32 s28, $0x1;
	[dreg:$0x2] =	wrdreg s4  }
0xaa: {  	[dreg:$0x3] =	wrdreg s6  }
0xab: {  	[dreg:$0x4] =	wrdreg $0xC0  }
0xac: {  	_ =	task [dreg:s8], $0x5FFFF  }
0xad: {  	[dreg:$0x1] =	wrdreg $0xFFFFFFFF  }
0xae: {  	[dreg:$0x0] =	wrdreg $0x60  }
0xaf: {  	[dreg:$0x2] =	wrdreg s24  }
0xb0: {  	[dreg:$0x3] =	wrdreg s2  }
0xb1: {  	[dreg:$0x4] =	wrdreg s18  }
0xb2: {  	[dreg:$0x5] =	wrdreg $0x9  }
0xb3: {  	_ =	task.clear_ibuf [dreg:s8], $0x6FFFF;
	_ =	strace $0x90000046  }
0xb4: {  	s29 =	simm.s32 $0x9;
	_ =	strace $0x80000048  }
0xb5: {  	_ =	swait.ge [sflag:s29], $0x1  }
0xb6: {  	[sflag:s29] =	ssyncadd.s32 $0xFFFFFFFF  }
0xb7: {  	_ =	strace $0x90000048  }
0xb8: {  	_ =	sfence  }
0xb9: {  	s30 =	sld [smem:$0x0];
	_ =	sdelay $0x2  }
0xba: {  	s31 =	sshll.u32 s1, $0xD;
	s1 =	sshrl.u32 s1, $0x2  }
0xbb: {  	s3 =	sand.u32 $0x4000, s31;
	s1 =	sadd.s32 s1, s30  }
0xbc: {  	s0 =	sor.u32 s3, s0;
	s1 =	sshll.u32 s1, $0x11  }
0xbd: {  	s0 =	sor.u32 s1, s0  }
0xbe: {  	s0 =	sadd.s32 $0x8F2B, s0  }
0xbf: {  	[sflag:s0] =	ssyncadd.remote.s32 $0x1  }
0xc0: {  	_ =	sfence.sel $0xFFFF  }
0xc1: {  	[dreg:$0x0] =	wrdreg $0xFFFFFFFF;
	(pc) =	sbr.abs _section_cstart, $3  }
0xc2: {  	[dreg:$0x1] =	wrdreg $0xFFFFFFFF  }
0xc3: {  	_ =	task.clear_ibuf [dreg:s8], $0x2FFFF;
	_ =	strace $0x9FFFFFFF  }
0xc4: {  	(tm) =	ssettm $0x7FFFFFFF  }
0xc5: {  	_ =	shalt  }
tec
execute0_lowered:
.L_overlay_start_1:
0x0: {  	(tag) =	ssettag $0x1  }
0x1: {  	s2 =	rddreg [dreg:$0x0]  }
0x2: {  	s0 =	srdreg.scid;
	s3 =	rddreg [dreg:$0x1]  }
0x3: {  	s1 =	stileid.u32;
	s22 =	rddreg [dreg:$0x2]  }
0x4: {  	s4 =	simm.s32 $0x0;
	s0 =	sand.u32 $0x1, s0;
	s1 =	sshll.u32 s1, $0x1  }
0x5: {  	s30 =	simm.s32 $0xFFFF9C80;
	s31 =	simm.s32 $0xFFFF9D00;
	s1 =	sor.u32 s0, s1  }
0x6: {  	[smem:$0x7FF] =	sst s4;
	s0 =	ssub.s32 $0x2, s0;
	s5 =	smul.u32 $0x6400, s1  }
.Ltmp0:
0x7: {  	_ =	strace $0x80000047;
	s29 =	sshrl.u32 s0, $0x1;
	(pc) =	sbr.rel .LBB2_1-.Ltmp0, $4  }
0x8: {  	[dreg:$0x5] =	wrdreg s30;
	s0 =	ssub.s32 s0, s29;
	s1 =	sshrl.u32 s5, $0x3  }
0x9: {  	[dreg:$0x6] =	wrdreg s31;
	s0 =	smax.u32 s0, $0x1;
	s1 =	sadd.s32 s1, s2  }
0xa: {  	s6 =	simm.s32 $0x14800;
	[dreg:$0xe] =	wrdreg s0;
	s1 =	sadd.s32 $0xE00, s1  }
0xb: {  	s19 =	simm.s32 $0x80;
	s2 =	simm.s32 $0x0;
	[dreg:$0xd] =	wrdreg s1  }
.LBB2_12:
0xc: {  	s0 =	simm.s32 $0x5  }
0xd: {  	_ =	swait.ge [sflag:s0], $0x4000  }
0xe: {  	[sflag:s0] =	ssyncset.done $0x0  }
0xf: {  	s29 =	simm.s32 $0x6;
	[sflag:s0] =	ssyncadd.s32 $0xFFFFC000  }
0x10: {  	_ =	swait.ge [sflag:s29], $0x4000  }
0x11: {  	[sflag:s29] =	ssyncset.done $0x0  }
0x12: {  	s30 =	simm.s32 $0x7;
	[sflag:s29] =	ssyncadd.s32 $0xFFFFC000  }
0x13: {  	_ =	swait.ge [sflag:s30], $0x4000  }
0x14: {  	[sflag:s30] =	ssyncset.done $0x0  }
0x15: {  	s1 =	simm.s32 $0x8;
	[sflag:s30] =	ssyncadd.s32 $0xFFFFC000  }
0x16: {  	_ =	swait.ge [sflag:s1], $0x4000  }
0x17: {  	s2 =	rddreg [dreg:$0xf]  }
0x18: {  	s31 =	rddreg [dreg:$0xe];
	s2 =	sadd.s32 $0x1, s2  }
0x19: {  	p0 =	sne.s32 s2, s31  }
.Ltmp1:
0x1a: {  	_ = 	snop;
	(pc) =	sbr.rel @!p0 .LBB2_13-.Ltmp1, $3  }
0x1b: {  	_ =	sdelay $0x1  }
0x1c: {  	[sflag:s1] =	ssyncset.done $0x0  }
0x1d: {  	s19 =	simm.s32 $0x80;
	[sflag:s1] =	ssyncadd.s32 $0xFFFFC000  }
.LBB2_1:
0x1e: {  	[dreg:$0xf] =	wrdreg s2  }
0x1f: {  	s1 =	simm.s32 $0x0;
	s0 =	rddreg [dreg:$0xd];
	s23 =	simm.s32 $0x9  }
0x20: {  	[tilespmem:s1], [sflag:$0x9] =	stream.linear.gather [hbm4b:s0+s1], $0x6400, $0x38;
	[tilespmem:$0x1C800] =	vst v63  }
0x21: {  	_ =	swait.ge [sflag:s23], $0x6400  }
0x22: {  	[sflag:s23] =	ssyncset.done $0x0  }
0x23: {  	[sflag:s23] =	ssyncadd.s32 $0xFFFF9C00  }
0x24: {  	s4 =	simm.s32 $0x6400;
	s24 =	rddreg [dreg:$0x0]  }
0x25: {  	[tilespmem:s4], [sflag:$0x9] =	stream.linear.gather [hbm4b:s24+s1], $0x6400, $0x38;
	[tilespmem:$0x1C800] =	vst v63  }
0x26: {  	s25 =	simm.s32 $0xC800;
	_ =	swait.ge [sflag:s23], $0x6400  }
0x27: {  	s26 =	simm.s32 $0x10800;
	s14 =	simm.s32 $0x4380;
	[sflag:s23] =	ssyncset.done $0x0  }
0x28: {  	s28 =	simm.s32 $0x8380;
	s29 =	simm.s32 $0x180;
	[sflag:s23] =	ssyncadd.s32 $0xFFFF9C00  }
0x29: {  	[tilespmem:s25], [sflag:$0x1] =	stream.indirect.gather [hbm4b:s3+s19], $0x80, s1, s19, $0xb8;
	[tilespmem:$0x1C800] =	vst v63  }
0x2a: {  	s30 =	simm.s32 $0xC380;
	s31 =	simm.s32 $0x80;
	s2 =	simm.s32 $0x0  }
0x2b: {  	[tilespmem:s26], [sflag:$0x2] =	stream.indirect.gather [hbm4b:s3+s19], $0x80, s19, s19, $0xb8;
	[tilespmem:$0x1C800] =	vst v63  }
0x2c: {  	s10 =	simm.s32 $0x0;
	s0 =	simm.s32 $0x0;
	s25 =	simm.s32 $0x100  }
0x2d: {  	[tilespmem:s6], [sflag:$0x3] =	stream.indirect.gather [hbm4b:s3+s19], $0x80, s25, s19, $0xb8;
	[tilespmem:$0x1C800] =	vst v63  }
.LBB2_2:
0x2e: {  	s1 =	smulhi.u32 $0x51EB851F, s29  }
0x2f: {  	s7 =	smulhi.u32 $0x51EB851F, s25  }
0x30: {  	s11 =	smulhi.u32 $0x51EB851F, s31  }
0x31: {  	s20 =	smulhi.u32 $0x51EB851F, s0;
	s1 =	sshrl.u32 s1, $0x6  }
0x32: {  	s8 =	smul.u32 $0xC8, s1  }
0x33: {  	s7 =	sshrl.u32 s7, $0x6;
	s1 =	smul.u32 $0xFFFF9C00, s1  }
0x34: {  	s9 =	smul.u32 $0xC8, s7  }
0x35: {  	s18 =	sshrl.u32 s11, $0x6;
	s7 =	smul.u32 $0xFFFF9C00, s7  }
0x36: {  	s24 =	smul.u32 $0xFFFF9C00, s18;
	[dreg:$0xc] =	wrdreg s1  }
0x37: {  	s26 =	sshrl.u32 s20, $0x6;
	[dreg:$0xa] =	wrdreg s7  }
0x38: {  	s23 =	smul.u32 $0xC8, s18;
	s8 =	ssub.s32 s0, s8;
	[dreg:$0x8] =	wrdreg s24  }
0x39: {  	s4 =	smul.u32 $0xC8, s26;
	s21 =	ssub.s32 s0, s9;
	[dreg:$0xb] =	wrdreg s8  }
0x3a: {  	s6 =	smov.u32 s3;
	s3 =	ssub.s32 s0, s23;
	[dreg:$0x9] =	wrdreg s21  }
0x3b: {  	s11 =	ssub.s32 s0, s4;
	[dreg:$0x7] =	wrdreg s3  }
0x3c: {  	s12 =	simm.s32 $0x1;
	[dreg:$0x4] =	wrdreg s11  }
0x3d: {  	_ =	swait.ge [sflag:s12], $0x4000  }
0x3e: {  	[sflag:s12] =	ssyncset.done $0x0  }
0x3f: {  	s1 =	simm.s32 $0xCA00;
	[sflag:s12] =	ssyncadd.s32 $0xFFFFC000  }
0x40: {  	v0 =	vld [tilespmem:s1+$0x180]  }
0x41: {  	v1 =	vld [tilespmem:s1+$0xFFFFFE00]  }
0x42: {  	v3 =	vld [tilespmem:s1+$0xFFFFFE80]  }
0x43: {  	s15 =	rddreg [dreg:$0x4];
	v4 =	vld [tilespmem:s1+$0xFFFFFF00]  }
0x44: {  	s13 =	sadd.s32 $0xFFFFFFF8, s15;
	v5 =	vld [tilespmem:s1+$0xFFFFFF80]  }
0x45: {  	s16 =	smul.u32 $0x6400, s26;
	s17 =	sadd.s32 $0xF, s13;
	v6 =	vld [tilespmem:s1+$0x0]  }
0x46: {  	s8 =	simm.s32 $0xFFFF9F80;
	v7 =	vld [tilespmem:s1+$0x80];
	p0 =	sgt.u32 s17, $0xC7  }
0x47: {  	s7 =	ssub.s32 s2, s16;
	v8 =	vld [tilespmem:s1+$0x100];
	s8 =	simm.s32 @!p0 $0x380  }
0x48: {  	v23 =	vld [tilespmem:s1+$0xFFFFFF90];
	s8 =	sadd.s32 s8, s7  }
0x49: {  	v2 =	vld [tilespmem:s8+$0x6400]  }
0x4a: {  	v30 =	vld [tilespmem:s1+$0xFFFFFE20]  }
0x4b: {  	v31 =	vld [tilespmem:s1+$0xFFFFFF20]  }
0x4c: {  	s23 =	smov.u32 s7;
	s9 =	rddreg [dreg:$0x5];
	v36 =	vld [tilespmem:s1+$0xFFFFFE30];
	v0 =	vmul.f32 $1.131370830e+01, v0  }
0x4d: {  	s11 =	rddreg [dreg:$0x6];
	s12 =	sadd.s32 $0x9, s13;
	s15 =	sadd.s32 $0xA, s13;
	v44 =	vld [tilespmem:s1+$0xFFFFFE40]  }
0x4e: {  	s16 =	sadd.s32 $0xB, s13;
	s18 =	sadd.s32 $0xD, s13;
	s26 =	sadd.s32 $0xE, s13;
	v49 =	vld [tilespmem:s1+$0xFFFFFE50];
	v0 =	vadd.f32 v2, v0  }
0x4f: {  	s17 =	sadd.s32 $0xC, s13;
	p1 =	sgt.u32 s12, $0xC7;
	p2 =	sgt.u32 s15, $0xC7;
	v2 =	vld [tilespmem:s1+$0x190]  }
0x50: {  	v55 =	vld [tilespmem:s1+$0xFFFFFE60];
	p3 =	sgt.u32 s16, $0xC7;
	s15 =	simm.s32 $0xFFFF9D80;
	s16 =	simm.s32 $0xFFFF9E00;
	[tilespmem:s1+$0x180] =	vst v0  }
0x51: {  	s13 =	sadd.s32 $0x8, s13;
	p4 =	sgt.u32 s17, $0xC7;
	s9 =	simm.s32 @!p1 $0x80;
	v0 =	vld [tilespmem:s8+$0x6410]  }
0x52: {  	v62 =	vld [tilespmem:s1+$0xFFFFFEF0];
	p0 =	sgt.u32 s18, $0xC7;
	s11 =	simm.s32 @!p2 $0x100;
	s18 =	sadd.s32 s9, s7  }
0x53: {  	s15 =	simm.s32 @!p3 $0x180;
	s9 =	sadd.s32 s11, s7;
	s16 =	simm.s32 @!p4 $0x200;
	v9 =	vld [tilespmem:s18+$0x6400]  }
0x54: {  	s11 =	simm.s32 $0xFFFF9E80;
	s20 =	sadd.s32 s15, s7;
	s15 =	simm.s32 $0xFFFF9F00;
	v10 =	vld [tilespmem:s9+$0x6400];
	v2 =	vmul.f32 $1.131370830e+01, v2  }
0x55: {  	s11 =	simm.s32 @!p0 $0x280;
	s24 =	sadd.s32 s16, s7;
	v11 =	vld [tilespmem:s20+$0x6400];
	p0 =	sgt.u32 s26, $0xC7  }
0x56: {  	v12 =	vld [tilespmem:s24+$0x6400];
	s15 =	simm.s32 @!p0 $0x300;
	p0 =	sgt.u32 s13, $0xC7;
	s13 =	sadd.s32 $0xFFFF9C00, s7;
	v0 =	vadd.f32 v0, v2  }
0x57: {  	s23 =	smov.u32 @p0 s13;
	v2 =	vmul.f32 $1.131370830e+01, v3;
	v3 =	vld [tilespmem:s1+$0x1A0]  }
0x58: {  	v4 =	vmul.f32 $1.131370830e+01, v4;
	v22 =	vld [tilespmem:s23+$0x6400];
	[tilespmem:s1+$0x190] =	vst v0  }
0x59: {  	s11 =	sadd.s32 s11, s7;
	v6 =	vmul.f32 $1.131370830e+01, v6;
	v0 =	vmul.f32 $1.131370830e+01, v5;
	v5 =	vld [tilespmem:s8+$0x6420]  }
0x5a: {  	v13 =	vld [tilespmem:s11+$0x6400];
	s21 =	sadd.s32 s15, s7;
	v4 =	vadd.f32 v10, v4  }
0x5b: {  	v1 =	vmul.f32 $1.131370830e+01, v1;
	v14 =	vld [tilespmem:s21+$0x6400];
	v6 =	vadd.f32 v12, v6  }
0x5c: {  	[tilespmem:s1+$0xFFFFFF00] =	vst v4;
	v4 =	vld [tilespmem:s1+$0xFFFFFE90];
	v3 =	vmul.f32 $1.131370830e+01, v3  }
0x5d: {  	[tilespmem:s1+$0x0] =	vst v6;
	v6 =	vld [tilespmem:s1+$0x1B0];
	v1 =	vadd.f32 v22, v1  }
0x5e: {  	v25 =	vld [tilespmem:s9+$0x6410];
	v3 =	vadd.f32 v5, v3  }
0x5f: {  	v27 =	vld [tilespmem:s24+$0x6410];
	[tilespmem:s1+$0xFFFFFE00] =	vst v1  }
0x60: {  	v29 =	vld [tilespmem:s23+$0x6410];
	v2 =	vadd.f32 v9, v2;
	[tilespmem:s1+$0x1A0] =	vst v3  }
0x61: {  	v3 =	vld [tilespmem:s8+$0x6430]  }
0x62: {  	[tilespmem:s1+$0xFFFFFE80] =	vst v2;
	v0 =	vadd.f32 v11, v0;
	v2 =	vld [tilespmem:s1+$0xFFFFFE10]  }
0x63: {  	v7 =	vmul.f32 $1.131370830e+01, v7;
	v24 =	vld [tilespmem:s18+$0x6410]  }
0x64: {  	v8 =	vmul.f32 $1.131370830e+01, v8;
	v6 =	vmul.f32 $1.131370830e+01, v6;
	[tilespmem:s1+$0xFFFFFF80] =	vst v0;
	v0 =	vld [tilespmem:s1+$0xFFFFFF10]  }
0x65: {  	v26 =	vld [tilespmem:s20+$0x6410];
	v5 =	vadd.f32 v13, v7  }
0x66: {  	v7 =	vadd.f32 v14, v8;
	v8 =	vld [tilespmem:s1+$0x10];
	v3 =	vadd.f32 v3, v6  }
0x67: {  	[tilespmem:s1+$0x80] =	vst v5;
	v5 =	vld [tilespmem:s1+$0x90]  }
0x68: {  	v6 =	vld [tilespmem:s1+$0x1C0];
	[tilespmem:s1+$0x1B0] =	vst v3;
	v3 =	vmul.f32 $1.131370830e+01, v4  }
0x69: {  	[tilespmem:s1+$0x100] =	vst v7;
	v7 =	vld [tilespmem:s1+$0x110];
	v0 =	vmul.f32 $1.131370830e+01, v0  }
0x6a: {  	v4 =	vld [tilespmem:s8+$0x6440];
	v1 =	vadd.f32 v24, v3  }
0x6b: {  	v0 =	vadd.f32 v25, v0;
	v3 =	vld [tilespmem:s21+$0x6410]  }
0x6c: {  	v28 =	vld [tilespmem:s11+$0x6410];
	[tilespmem:s1+$0xFFFFFE90] =	vst v1;
	v1 =	vmul.f32 $1.131370830e+01, v8  }
0x6d: {  	v10 =	vmul.f32 $1.131370830e+01, v23;
	[tilespmem:s1+$0xFFFFFF10] =	vst v0;
	v0 =	vld [tilespmem:s1+$0x1D0];
	v6 =	vmul.f32 $1.131370830e+01, v6  }
0x6e: {  	v7 =	vmul.f32 $1.131370830e+01, v7;
	v32 =	vld [tilespmem:s9+$0x6420];
	v1 =	vadd.f32 v27, v1  }
0x6f: {  	v8 =	vld [tilespmem:s1+$0xFFFFFEA0];
	v4 =	vadd.f32 v4, v6;
	v6 =	vadd.f32 v26, v10  }
0x70: {  	v5 =	vmul.f32 $1.131370830e+01, v5;
	[tilespmem:s1+$0x10] =	vst v1;
	v1 =	vadd.f32 v3, v7;
	v3 =	vld [tilespmem:s1+$0xFFFFFFA0]  }
0x71: {  	[tilespmem:s1+$0xFFFFFF90] =	vst v6;
	v6 =	vld [tilespmem:s1+$0x120]  }
0x72: {  	[tilespmem:s1+$0x1C0] =	vst v4;
	v4 =	vadd.f32 v28, v5;
	v7 =	vld [tilespmem:s18+$0x6420]  }
0x73: {  	v5 =	vld [tilespmem:s8+$0x6450]  }
0x74: {  	[tilespmem:s1+$0x90] =	vst v4;
	v4 =	vld [tilespmem:s1+$0x20]  }
0x75: {  	v10 =	vmul.f32 $1.131370830e+01, v31;
	v33 =	vld [tilespmem:s20+$0x6420]  }
0x76: {  	v0 =	vmul.f32 $1.131370830e+01, v0;
	v34 =	vld [tilespmem:s24+$0x6420]  }
0x77: {  	v9 =	vadd.f32 v32, v10;
	[tilespmem:s1+$0x110] =	vst v1;
	v1 =	vld [tilespmem:s1+$0xA0]  }
0x78: {  	v35 =	vld [tilespmem:s11+$0x6420];
	v3 =	vmul.f32 $1.131370830e+01, v3;
	v0 =	vadd.f32 v5, v0  }
0x79: {  	[tilespmem:s1+$0xFFFFFF20] =	vst v9;
	v5 =	vld [tilespmem:s1+$0x1E0];
	v4 =	vmul.f32 $1.131370830e+01, v4  }
0x7a: {  	v39 =	vld [tilespmem:s9+$0x6430];
	v3 =	vadd.f32 v33, v3;
	[tilespmem:s1+$0x1D0] =	vst v0;
	v0 =	vmul.f32 $1.131370830e+01, v2  }
0x7b: {  	v2 =	vld [tilespmem:s8+$0x6460];
	v4 =	vadd.f32 v34, v4  }
0x7c: {  	[tilespmem:s1+$0xFFFFFFA0] =	vst v3;
	v3 =	vld [tilespmem:s1+$0xFFFFFF30];
	v0 =	vadd.f32 v29, v0  }
0x7d: {  	v40 =	vld [tilespmem:s20+$0x6430];
	[tilespmem:s1+$0x20] =	vst v4  }
0x7e: {  	v5 =	vmul.f32 $1.131370830e+01, v5;
	[tilespmem:s1+$0xFFFFFE10] =	vst v0;
	v0 =	vmul.f32 $1.131370830e+01, v8;
	v8 =	vld [tilespmem:s21+$0x6420]  }
0x7f: {  	v41 =	vld [tilespmem:s24+$0x6430]  }
0x80: {  	v2 =	vadd.f32 v2, v5;
	v5 =	vld [tilespmem:s23+$0x6420];
	v7 =	vadd.f32 v7, v0  }
0x81: {  	v6 =	vmul.f32 $1.131370830e+01, v6;
	v0 =	vld [tilespmem:s1+$0x1F0]  }
0x82: {  	v3 =	vmul.f32 $1.131370830e+01, v3;
	[tilespmem:s1+$0xFFFFFEA0] =	vst v7;
	v7 =	vld [tilespmem:s1+$0xFFFFFEB0]  }
0x83: {  	v4 =	vadd.f32 v8, v6;
	v6 =	vld [tilespmem:s1+$0xFFFFFFB0]  }
0x84: {  	v3 =	vadd.f32 v39, v3;
	v8 =	vld [tilespmem:s1+$0x130]  }
0x85: {  	[tilespmem:s1+$0x1E0] =	vst v2;
	v2 =	vmul.f32 $1.131370830e+01, v1;
	v37 =	vld [tilespmem:s18+$0x6430]  }
0x86: {  	[tilespmem:s1+$0xFFFFFF30] =	vst v3;
	v3 =	vld [tilespmem:s1+$0xFFFFFF40]  }
0x87: {  	v38 =	vmul.f32 $1.131370830e+01, v30;
	v2 =	vadd.f32 v35, v2;
	[tilespmem:s1+$0x120] =	vst v4;
	v4 =	vld [tilespmem:s1+$0xB0]  }
0x88: {  	v45 =	vld [tilespmem:s9+$0x6440]  }
0x89: {  	v5 =	vadd.f32 v5, v38;
	[tilespmem:s1+$0xA0] =	vst v2;
	v2 =	vld [tilespmem:s1+$0x30]  }
0x8a: {  	v7 =	vmul.f32 $1.131370830e+01, v7;
	v42 =	vld [tilespmem:s11+$0x6430]  }
0x8b: {  	v1 =	vld [tilespmem:s8+$0x6470];
	[tilespmem:s1+$0xFFFFFE20] =	vst v5;
	v5 =	vmul.f32 $1.131370830e+01, v6  }
0x8c: {  	v43 =	vld [tilespmem:s23+$0x6430];
	v6 =	vadd.f32 v37, v7;
	v3 =	vmul.f32 $1.131370830e+01, v3  }
0x8d: {  	v7 =	vld [tilespmem:s21+$0x6430];
	v4 =	vmul.f32 $1.131370830e+01, v4;
	v5 =	vadd.f32 v40, v5  }
0x8e: {  	[tilespmem:s1+$0xFFFFFEB0] =	vst v6;
	v6 =	vmul.f32 $1.131370830e+01, v8;
	v8 =	vld [tilespmem:s1+$0xFFFFFEC0];
	v3 =	vadd.f32 v45, v3  }
0x8f: {  	v2 =	vmul.f32 $1.131370830e+01, v2;
	[tilespmem:s1+$0xFFFFFFB0] =	vst v5;
	v4 =	vadd.f32 v42, v4;
	v5 =	vld [tilespmem:s1+$0xFFFFFFC0]  }
0x90: {  	v46 =	vld [tilespmem:s20+$0x6440];
	[tilespmem:s1+$0xFFFFFF40] =	vst v3  }
0x91: {  	v2 =	vadd.f32 v41, v2;
	[tilespmem:s1+$0xB0] =	vst v4;
	v4 =	vld [tilespmem:s1+$0xC0]  }
0x92: {  	v10 =	vmul.f32 $1.131370830e+01, v36;
	v51 =	vld [tilespmem:s9+$0x6450]  }
0x93: {  	[tilespmem:s1+$0x30] =	vst v2;
	v2 =	vadd.f32 v7, v6;
	v6 =	vld [tilespmem:s1+$0x40]  }
0x94: {  	v9 =	vadd.f32 v43, v10;
	v7 =	vld [tilespmem:s18+$0x6440]  }
0x95: {  	v48 =	vld [tilespmem:s11+$0x6440]  }
0x96: {  	[tilespmem:s1+$0xFFFFFE30] =	vst v9;
	v47 =	vld [tilespmem:s24+$0x6440];
	v5 =	vmul.f32 $1.131370830e+01, v5  }
0x97: {  	v8 =	vmul.f32 $1.131370830e+01, v8;
	v9 =	vld [tilespmem:s23+$0x6440]  }
0x98: {  	[tilespmem:s1+$0x130] =	vst v2;
	v2 =	vld [tilespmem:s1+$0x140];
	v5 =	vadd.f32 v46, v5  }
0x99: {  	v7 =	vadd.f32 v7, v8;
	v8 =	vld [tilespmem:s21+$0x6440]  }
0x9a: {  	v4 =	vmul.f32 $1.131370830e+01, v4;
	v6 =	vmul.f32 $1.131370830e+01, v6;
	[tilespmem:s1+$0xFFFFFFC0] =	vst v5;
	v5 =	vld [tilespmem:s1+$0xFFFFFFD0]  }
0x9b: {  	[tilespmem:s1+$0xFFFFFEC0] =	vst v7;
	v7 =	vld [tilespmem:s1+$0xFFFFFED0]  }
0x9c: {  	v4 =	vadd.f32 v48, v4;
	v3 =	vadd.f32 v47, v6;
	v6 =	vld [tilespmem:s1+$0xFFFFFF50]  }
0x9d: {  	v50 =	vmul.f32 $1.131370830e+01, v44;
	v52 =	vld [tilespmem:s20+$0x6450]  }
0x9e: {  	v2 =	vmul.f32 $1.131370830e+01, v2;
	[tilespmem:s1+$0xC0] =	vst v4;
	v4 =	vld [tilespmem:s1+$0xD0]  }
0x9f: {  	v9 =	vadd.f32 v9, v50;
	[tilespmem:s1+$0x40] =	vst v3;
	v3 =	vld [tilespmem:s1+$0x50]  }
0xa0: {  	v2 =	vadd.f32 v8, v2;
	v8 =	vld [tilespmem:s18+$0x6450]  }
0xa1: {  	[tilespmem:s1+$0xFFFFFE40] =	vst v9;
	v54 =	vld [tilespmem:s11+$0x6450]  }
0xa2: {  	v9 =	vld [tilespmem:s23+$0x6450];
	v5 =	vmul.f32 $1.131370830e+01, v5  }
0xa3: {  	v53 =	vld [tilespmem:s24+$0x6450];
	v7 =	vmul.f32 $1.131370830e+01, v7;
	v6 =	vmul.f32 $1.131370830e+01, v6  }
0xa4: {  	[tilespmem:s1+$0x140] =	vst v2;
	v2 =	vld [tilespmem:s1+$0x150];
	v5 =	vadd.f32 v52, v5  }
0xa5: {  	v6 =	vadd.f32 v51, v6;
	v7 =	vadd.f32 v8, v7;
	v8 =	vld [tilespmem:s21+$0x6450]  }
0xa6: {  	v4 =	vmul.f32 $1.131370830e+01, v4;
	[tilespmem:s1+$0xFFFFFFD0] =	vst v5;
	v5 =	vld [tilespmem:s1+$0xFFFFFFE0]  }
0xa7: {  	[tilespmem:s1+$0xFFFFFF50] =	vst v6;
	v6 =	vld [tilespmem:s1+$0xFFFFFF60]  }
0xa8: {  	v3 =	vmul.f32 $1.131370830e+01, v3;
	v4 =	vadd.f32 v54, v4;
	v58 =	vld [tilespmem:s20+$0x6460]  }
0xa9: {  	[tilespmem:s1+$0xFFFFFED0] =	vst v7;
	v7 =	vld [tilespmem:s1+$0xFFFFFEE0]  }
0xaa: {  	v3 =	vadd.f32 v53, v3;
	[tilespmem:s1+$0xD0] =	vst v4;
	v4 =	vld [tilespmem:s1+$0xE0]  }
0xab: {  	v56 =	vmul.f32 $1.131370830e+01, v49;
	v2 =	vmul.f32 $1.131370830e+01, v2;
	v57 =	vld [tilespmem:s9+$0x6460]  }
0xac: {  	[tilespmem:s1+$0x50] =	vst v3;
	v3 =	vld [tilespmem:s1+$0x60]  }
0xad: {  	v9 =	vadd.f32 v9, v56;
	v2 =	vadd.f32 v8, v2;
	v8 =	vld [tilespmem:s18+$0x6460]  }
0xae: {  	v0 =	vmul.f32 $1.131370830e+01, v0;
	v60 =	vld [tilespmem:s11+$0x6460]  }
0xaf: {  	[tilespmem:s1+$0xFFFFFE50] =	vst v9;
	v59 =	vld [tilespmem:s24+$0x6460];
	v5 =	vmul.f32 $1.131370830e+01, v5  }
0xb0: {  	v0 =	vadd.f32 v1, v0;
	[tilespmem:s1+$0x150] =	vst v2;
	v2 =	vld [tilespmem:s1+$0x160];
	v7 =	vmul.f32 $1.131370830e+01, v7  }
0xb1: {  	v9 =	vld [tilespmem:s23+$0x6460];
	v6 =	vmul.f32 $1.131370830e+01, v6;
	v5 =	vadd.f32 v58, v5  }
0xb2: {  	[tilespmem:s1+$0x1F0] =	vst v0;
	v4 =	vmul.f32 $1.131370830e+01, v4;
	v7 =	vadd.f32 v8, v7;
	v8 =	vld [tilespmem:s21+$0x6460]  }
0xb3: {  	v63 =	vld [tilespmem:s1+$0xFFFFFF70];
	v3 =	vmul.f32 $1.131370830e+01, v3;
	v6 =	vadd.f32 v57, v6;
	[tilespmem:s1+$0xFFFFFFE0] =	vst v5  }
0xb4: {  	v4 =	vadd.f32 v60, v4;
	v5 =	vmul.f32 $1.131370830e+01, v55;
	[tilespmem:s1+$0xFFFFFEE0] =	vst v7;
	v7 =	vld [tilespmem:s1+$0xFFFFFE70]  }
0xb5: {  	v1 =	vld [tilespmem:s1+$0x70];
	[tilespmem:s1+$0xFFFFFF60] =	vst v6;
	v3 =	vadd.f32 v59, v3;
	v61 =	vmul.f32 $1.131370830e+01, v2  }
0xb6: {  	[tilespmem:s1+$0xE0] =	vst v4;
	v5 =	vadd.f32 v9, v5;
	v4 =	vld [tilespmem:s1+$0x170]  }
0xb7: {  	v2 =	vld [tilespmem:s1+$0xFFFFFFF0];
	[tilespmem:s1+$0x60] =	vst v3;
	v6 =	vadd.f32 v8, v61  }
0xb8: {  	v3 =	vld [tilespmem:s1+$0xF0];
	[tilespmem:s1+$0xFFFFFE60] =	vst v5;
	v5 =	vmul.f32 $1.131370830e+01, v63  }
0xb9: {  	s12 =	simm.s32 $0xCA00;
	s13 =	simm.s32 $0x0;
	s8 =	sshll.u32 s10, $0x9;
	[tilespmem:s1+$0x160] =	vst v6;
	v0 =	vmul.f32 $1.131370830e+01, v7;
	v6 =	vmul.f32 $1.131370830e+01, v62;
	v7 =	vld [tilespmem:s18+$0x6470]  }
.LBB2_3:
0xba: {  	v8 =	vld [tilespmem:s9+$0x6470]  }
0xbb: {  	v9 =	vld [tilespmem:s20+$0x6470]  }
0xbc: {  	s15 =	rddreg [dreg:$0x4];
	s16 =	smov.u32 s13;
	v12 =	vld [tilespmem:s23+$0x6470]  }
0xbd: {  	v10 =	vld [tilespmem:s24+$0x6470];
	s15 =	sadd.s32 s16, s15  }
0xbe: {  	v11 =	vld [tilespmem:s11+$0x6470];
	s16 =	sadd.s32 $0xF, s15  }
0xbf: {  	s1 =	sadd.s32 $0x400, s1;
	p1 =	sgt.u32 s16, $0xC7;
	s16 =	simm.s32 $0xFFFF9F80;
	v6 =	vadd.f32 v7, v6;
	v7 =	vld [tilespmem:s21+$0x6470]  }
0xc0: {  	s7 =	sadd.s32 $0x400, s7;
	s20 =	sadd.s32 $0x9, s15;
	s16 =	simm.s32 @!p1 $0x380;
	v5 =	vadd.f32 v8, v5;
	v8 =	vld [tilespmem:s1+$0x180]  }
0xc1: {  	s9 =	rddreg [dreg:$0x5];
	p6 =	sgt.u32 s20, $0xC7;
	v2 =	vmul.f32 $1.131370830e+01, v2;
	s16 =	sadd.s32 s16, s7;
	v0 =	vadd.f32 v12, v0;
	[tilespmem:s12+$0xFFFFFEF0] =	vst v6;
	v6 =	vld [tilespmem:s1+$0xFFFFFE00]  }
0xc2: {  	s18 =	sadd.s32 $0xA, s15;
	s9 =	simm.s32 @!p6 $0x80;
	[tilespmem:s12+$0xFFFFFF70] =	vst v5;
	v5 =	vld [tilespmem:s16+$0x6400]  }
0xc3: {  	s17 =	rddreg [dreg:$0x6];
	v1 =	vmul.f32 $1.131370830e+01, v1;
	v3 =	vmul.f32 $1.131370830e+01, v3;
	p1 =	sgt.u32 s18, $0xC7;
	s4 =	sadd.s32 s9, s7;
	v2 =	vadd.f32 v9, v2;
	[tilespmem:s12+$0xFFFFFE70] =	vst v0;
	v0 =	vld [tilespmem:s1+$0x80]  }
0xc4: {  	s11 =	simm.s32 $0xFFFF9D80;
	s23 =	sadd.s32 $0xC, s15;
	s17 =	simm.s32 @!p1 $0x100;
	v29 =	vld [tilespmem:s4+$0x6400]  }
0xc5: {  	p5 =	sgt.u32 s23, $0xC7;
	v4 =	vmul.f32 $1.131370830e+01, v4;
	s18 =	simm.s32 $0xFFFF9E00;
	v1 =	vadd.f32 v10, v1;
	s9 =	sadd.s32 s17, s7;
	[tilespmem:s12+$0xFFFFFFF0] =	vst v2;
	v2 =	vadd.f32 v11, v3;
	v3 =	vld [tilespmem:s1+$0xFFFFFE80]  }
0xc6: {  	s24 =	sadd.s32 $0xD, s15;
	s26 =	sadd.s32 $0xE, s15;
	s18 =	simm.s32 @!p5 $0x200;
	v30 =	vld [tilespmem:s9+$0x6400]  }
0xc7: {  	p3 =	sgt.u32 s24, $0xC7;
	s21 =	sadd.s32 $0xB, s15;
	s24 =	sadd.s32 s18, s7;
	[tilespmem:s12+$0x70] =	vst v1;
	v1 =	vadd.f32 v7, v4;
	v4 =	vld [tilespmem:s1+$0xFFFFFF00]  }
0xc8: {  	p2 =	sgt.u32 s26, $0xC7;
	p4 =	sgt.u32 s21, $0xC7;
	s21 =	simm.s32 $0xFFFF9E80;
	v32 =	vld [tilespmem:s24+$0x6400]  }
0xc9: {  	s11 =	simm.s32 @!p4 $0x180;
	s21 =	simm.s32 @!p3 $0x280;
	[tilespmem:s12+$0xF0] =	vst v2;
	v7 =	vmul.f32 $1.131370830e+01, v8;
	v8 =	vld [tilespmem:s1+$0x100]  }
0xca: {  	s23 =	simm.s32 $0xFFFF9F00;
	s20 =	sadd.s32 s11, s7;
	s11 =	sadd.s32 s21, s7;
	[tilespmem:s12+$0x170] =	vst v1;
	v1 =	vmul.f32 $1.131370830e+01, v6;
	v6 =	vld [tilespmem:s1+$0x0]  }
0xcb: {  	s23 =	simm.s32 @!p2 $0x300;
	v13 =	vld [tilespmem:s11+$0x6400];
	v5 =	vadd.f32 v5, v7  }
0xcc: {  	s21 =	sadd.s32 s23, s7;
	v7 =	vld [tilespmem:s1+$0x190]  }
0xcd: {  	v33 =	vld [tilespmem:s21+$0x6400];
	[tilespmem:s1+$0x180] =	vst v5  }
0xce: {  	v4 =	vmul.f32 $1.131370830e+01, v4;
	v5 =	vld [tilespmem:s16+$0x6410]  }
0xcf: {  	v2 =	vld [tilespmem:s1+$0xFFFFFF80];
	v0 =	vmul.f32 $1.131370830e+01, v0  }
0xd0: {  	v3 =	vmul.f32 $1.131370830e+01, v3;
	v6 =	vmul.f32 $1.131370830e+01, v6;
	v4 =	vadd.f32 v30, v4  }
0xd1: {  	v31 =	vld [tilespmem:s20+$0x6400];
	v8 =	vmul.f32 $1.131370830e+01, v8;
	v0 =	vadd.f32 v13, v0;
	v7 =	vmul.f32 $1.131370830e+01, v7  }
0xd2: {  	v3 =	vadd.f32 v29, v3;
	[tilespmem:s1+$0xFFFFFF00] =	vst v4;
	v4 =	vadd.f32 v32, v6;
	v6 =	vld [tilespmem:s1+$0xFFFFFE10]  }
0xd3: {  	[tilespmem:s1+$0x80] =	vst v0;
	v0 =	vadd.f32 v33, v8;
	v8 =	vld [tilespmem:s1+$0xFFFFFF90];
	v5 =	vadd.f32 v5, v7  }
0xd4: {  	s3 =	sadd.s32 $0x8, s15;
	v2 =	vmul.f32 $1.131370830e+01, v2;
	[tilespmem:s1+$0xFFFFFE80] =	vst v3;
	v7 =	vld [tilespmem:s1+$0x1A0]  }
0xd5: {  	s26 =	sadd.s32 $0xFFFF9C00, s7;
	p1 =	sgt.u32 s3, $0xC7;
	s23 =	smov.u32 s7;
	v34 =	vld [tilespmem:s4+$0x6410];
	[tilespmem:s1+$0x190] =	vst v5  }
0xd6: {  	s23 =	smov.u32 @p1 s26;
	v2 =	vadd.f32 v31, v2;
	v3 =	vld [tilespmem:s16+$0x6420]  }
0xd7: {  	v5 =	vld [tilespmem:s23+$0x6400]  }
0xd8: {  	[tilespmem:s1+$0xFFFFFF80] =	vst v2;
	v2 =	vld [tilespmem:s1+$0xFFFFFE90]  }
0xd9: {  	v35 =	vld [tilespmem:s9+$0x6410];
	[tilespmem:s1+$0x0] =	vst v4;
	v4 =	vmul.f32 $1.131370830e+01, v7  }
0xda: {  	v38 =	vld [tilespmem:s11+$0x6410]  }
0xdb: {  	v7 =	vld [tilespmem:s1+$0xFFFFFF10];
	v3 =	vadd.f32 v3, v4  }
0xdc: {  	[tilespmem:s1+$0x100] =	vst v0;
	v0 =	vld [tilespmem:s1+$0x1B0];
	v1 =	vadd.f32 v5, v1  }
0xdd: {  	v4 =	vmul.f32 $1.131370830e+01, v6;
	v6 =	vld [tilespmem:s1+$0x90];
	[tilespmem:s1+$0x1A0] =	vst v3  }
0xde: {  	[tilespmem:s1+$0xFFFFFE00] =	vst v1;
	v1 =	vmul.f32 $1.131370830e+01, v2;
	v2 =	vld [tilespmem:s16+$0x6430]  }
0xdf: {  	v36 =	vld [tilespmem:s20+$0x6410]  }
0xe0: {  	v37 =	vld [tilespmem:s24+$0x6410];
	v3 =	vmul.f32 $1.131370830e+01, v7  }
0xe1: {  	v0 =	vmul.f32 $1.131370830e+01, v0;
	v5 =	vld [tilespmem:s1+$0x10]  }
0xe2: {  	v7 =	vmul.f32 $1.131370830e+01, v8;
	v8 =	vld [tilespmem:s1+$0x110];
	v3 =	vadd.f32 v35, v3  }
0xe3: {  	v0 =	vadd.f32 v2, v0;
	v2 =	vmul.f32 $1.131370830e+01, v6;
	v6 =	vld [tilespmem:s1+$0x1C0]  }
0xe4: {  	v39 =	vld [tilespmem:s23+$0x6410];
	[tilespmem:s1+$0xFFFFFF10] =	vst v3  }
0xe5: {  	v41 =	vld [tilespmem:s9+$0x6420];
	[tilespmem:s1+$0x1B0] =	vst v0;
	v0 =	vadd.f32 v34, v1  }
0xe6: {  	v1 =	vld [tilespmem:s16+$0x6440]  }
0xe7: {  	[tilespmem:s1+$0xFFFFFE90] =	vst v0;
	v0 =	vadd.f32 v36, v7;
	v7 =	vld [tilespmem:s21+$0x6410]  }
0xe8: {  	v5 =	vmul.f32 $1.131370830e+01, v5;
	v3 =	vmul.f32 $1.131370830e+01, v6;
	v6 =	vld [tilespmem:s1+$0xFFFFFE20]  }
0xe9: {  	v40 =	vld [tilespmem:s4+$0x6420]  }
0xea: {  	[tilespmem:s1+$0xFFFFFF90] =	vst v0;
	v0 =	vadd.f32 v37, v5;
	v5 =	vld [tilespmem:s1+$0xFFFFFEA0]  }
0xeb: {  	v42 =	vld [tilespmem:s20+$0x6420]  }
0xec: {  	v8 =	vmul.f32 $1.131370830e+01, v8;
	[tilespmem:s1+$0x10] =	vst v0;
	v0 =	vadd.f32 v38, v2;
	v2 =	vld [tilespmem:s1+$0x1D0]  }
0xed: {  	v1 =	vadd.f32 v1, v3;
	v3 =	vld [tilespmem:s1+$0xFFFFFF20]  }
0xee: {  	v7 =	vadd.f32 v7, v8;
	v8 =	vld [tilespmem:s1+$0x120]  }
0xef: {  	v43 =	vld [tilespmem:s24+$0x6420];
	[tilespmem:s1+$0x1C0] =	vst v1  }
0xf0: {  	v1 =	vadd.f32 v39, v4;
	[tilespmem:s1+$0x90] =	vst v0;
	v0 =	vld [tilespmem:s16+$0x6450]  }
0xf1: {  	v4 =	vmul.f32 $1.131370830e+01, v6;
	v6 =	vld [tilespmem:s1+$0xFFFFFFA0]  }
0xf2: {  	[tilespmem:s1+$0xFFFFFE10] =	vst v1;
	v1 =	vmul.f32 $1.131370830e+01, v5;
	v5 =	vld [tilespmem:s1+$0x20]  }
0xf3: {  	v2 =	vmul.f32 $1.131370830e+01, v2;
	v45 =	vld [tilespmem:s23+$0x6420]  }
0xf4: {  	[tilespmem:s1+$0x110] =	vst v7;
	v7 =	vld [tilespmem:s1+$0xA0];
	v3 =	vmul.f32 $1.131370830e+01, v3;
	v1 =	vadd.f32 v40, v1  }
0xf5: {  	v44 =	vld [tilespmem:s11+$0x6420];
	v0 =	vadd.f32 v0, v2  }
0xf6: {  	v2 =	vmul.f32 $1.131370830e+01, v6;
	v6 =	vld [tilespmem:s1+$0x1E0];
	[tilespmem:s1+$0xFFFFFEA0] =	vst v1;
	v1 =	vadd.f32 v41, v3  }
0xf7: {  	v3 =	vld [tilespmem:s21+$0x6420];
	v5 =	vmul.f32 $1.131370830e+01, v5;
	[tilespmem:s1+$0x1D0] =	vst v0  }
0xf8: {  	[tilespmem:s1+$0xFFFFFF20] =	vst v1;
	v1 =	vadd.f32 v42, v2;
	v2 =	vld [tilespmem:s1+$0x1F0];
	v4 =	vadd.f32 v45, v4  }
0xf9: {  	v0 =	vmul.f32 $1.131370830e+01, v7;
	v7 =	vld [tilespmem:s16+$0x6460];
	v5 =	vadd.f32 v43, v5  }
0xfa: {  	v8 =	vmul.f32 $1.131370830e+01, v8;
	[tilespmem:s1+$0xFFFFFE20] =	vst v4;
	v4 =	vld [tilespmem:s1+$0x30]  }
0xfb: {  	v0 =	vadd.f32 v44, v0;
	[tilespmem:s1+$0x20] =	vst v5;
	v5 =	vld [tilespmem:s1+$0xFFFFFF30]  }
0xfc: {  	[tilespmem:s1+$0xFFFFFFA0] =	vst v1;
	v6 =	vmul.f32 $1.131370830e+01, v6;
	v3 =	vadd.f32 v3, v8;
	v8 =	vld [tilespmem:s4+$0x6430]  }
0xfd: {  	[tilespmem:s1+$0xA0] =	vst v0;
	v0 =	vld [tilespmem:s1+$0xFFFFFFB0]  }
0xfe: {  	v46 =	vld [tilespmem:s20+$0x6430];
	v6 =	vadd.f32 v7, v6  }
0xff: {  	v7 =	vld [tilespmem:s1+$0xFFFFFE30]  }
0x100: {  	[tilespmem:s1+$0x1E0] =	vst v6;
	v6 =	vld [tilespmem:s1+$0xFFFFFEB0]  }
0x101: {  	v1 =	vld [tilespmem:s16+$0x6470]  }
0x102: {  	v49 =	vld [tilespmem:s23+$0x6430];
	v0 =	vmul.f32 $1.131370830e+01, v0  }
0x103: {  	v47 =	vld [tilespmem:s24+$0x6430]  }
0x104: {  	v2 =	vmul.f32 $1.131370830e+01, v2;
	v48 =	vld [tilespmem:s11+$0x6430];
	v0 =	vadd.f32 v46, v0  }
0x105: {  	[tilespmem:s1+$0x120] =	vst v3;
	v3 =	vmul.f32 $1.131370830e+01, v7;
	v7 =	vld [tilespmem:s1+$0xB0]  }
0x106: {  	[tilespmem:s1+$0xFFFFFFB0] =	vst v0;
	v1 =	vadd.f32 v1, v2;
	v2 =	vmul.f32 $1.131370830e+01, v6;
	v6 =	vld [tilespmem:s1+$0x130]  }
0x107: {  	v3 =	vadd.f32 v49, v3;
	v50 =	vld [tilespmem:s20+$0x6440]  }
0x108: {  	[tilespmem:s1+$0x1F0] =	vst v1;
	v1 =	vld [tilespmem:s9+$0x6430]  }
0x109: {  	[tilespmem:s1+$0xFFFFFE30] =	vst v3;
	v2 =	vadd.f32 v8, v2;
	v8 =	vld [tilespmem:s21+$0x6430]  }
0x10a: {  	v7 =	vmul.f32 $1.131370830e+01, v7;
	v53 =	vld [tilespmem:s23+$0x6440]  }
0x10b: {  	v5 =	vmul.f32 $1.131370830e+01, v5;
	[tilespmem:s1+$0xFFFFFEB0] =	vst v2;
	v2 =	vld [tilespmem:s1+$0xFFFFFEC0]  }
0x10c: {  	v0 =	vadd.f32 v48, v7;
	v7 =	vld [tilespmem:s1+$0xFFFFFFC0]  }
0x10d: {  	v4 =	vmul.f32 $1.131370830e+01, v4;
	v3 =	vld [tilespmem:s4+$0x6440];
	v1 =	vadd.f32 v1, v5  }
0x10e: {  	[tilespmem:s1+$0xB0] =	vst v0;
	v5 =	vld [tilespmem:s1+$0xFFFFFE40]  }
0x10f: {  	v6 =	vmul.f32 $1.131370830e+01, v6;
	v52 =	vld [tilespmem:s11+$0x6440];
	[tilespmem:s1+$0xFFFFFF30] =	vst v1;
	v1 =	vadd.f32 v47, v4  }
0x110: {  	v4 =	vld [tilespmem:s1+$0xFFFFFF40]  }
0x111: {  	[tilespmem:s1+$0x30] =	vst v1;
	v1 =	vadd.f32 v8, v6;
	v6 =	vld [tilespmem:s1+$0x40]  }
0x112: {  	v8 =	vld [tilespmem:s9+$0x6440]  }
0x113: {  	v0 =	vmul.f32 $1.131370830e+01, v5;
	v5 =	vld [tilespmem:s1+$0xC0]  }
0x114: {  	v51 =	vld [tilespmem:s24+$0x6440];
	[tilespmem:s1+$0x130] =	vst v1;
	v1 =	vmul.f32 $1.131370830e+01, v2  }
0x115: {  	v2 =	vld [tilespmem:s1+$0x140];
	v4 =	vmul.f32 $1.131370830e+01, v4;
	v0 =	vadd.f32 v53, v0  }
0x116: {  	v7 =	vmul.f32 $1.131370830e+01, v7;
	v1 =	vadd.f32 v3, v1;
	v3 =	vld [tilespmem:s21+$0x6440]  }
0x117: {  	v4 =	vadd.f32 v8, v4;
	v8 =	vld [tilespmem:s1+$0xFFFFFE50];
	[tilespmem:s1+$0xFFFFFE40] =	vst v0  }
0x118: {  	v6 =	vmul.f32 $1.131370830e+01, v6;
	[tilespmem:s1+$0xFFFFFEC0] =	vst v1;
	v1 =	vadd.f32 v50, v7;
	v7 =	vld [tilespmem:s1+$0xFFFFFED0]  }
0x119: {  	v5 =	vmul.f32 $1.131370830e+01, v5;
	v57 =	vld [tilespmem:s23+$0x6450]  }
0x11a: {  	v2 =	vmul.f32 $1.131370830e+01, v2;
	[tilespmem:s1+$0xFFFFFF40] =	vst v4;
	v4 =	vadd.f32 v51, v6;
	v6 =	vld [tilespmem:s1+$0xFFFFFF50]  }
0x11b: {  	[tilespmem:s1+$0xFFFFFFC0] =	vst v1;
	v1 =	vadd.f32 v52, v5;
	v5 =	vld [tilespmem:s1+$0xFFFFFFD0]  }
0x11c: {  	v2 =	vadd.f32 v3, v2;
	v3 =	vld [tilespmem:s1+$0x50]  }
0x11d: {  	[tilespmem:s1+$0x40] =	vst v4;
	v4 =	vld [tilespmem:s1+$0xD0]  }
0x11e: {  	v54 =	vld [tilespmem:s20+$0x6450]  }
0x11f: {  	[tilespmem:s1+$0xC0] =	vst v1;
	v1 =	vmul.f32 $1.131370830e+01, v8;
	v8 =	vld [tilespmem:s9+$0x6450]  }
0x120: {  	v55 =	vld [tilespmem:s24+$0x6450]  }
0x121: {  	v0 =	vmul.f32 $1.131370830e+01, v7;
	v7 =	vld [tilespmem:s4+$0x6450]  }
0x122: {  	[tilespmem:s1+$0x140] =	vst v2;
	v2 =	vld [tilespmem:s1+$0x150];
	v6 =	vmul.f32 $1.131370830e+01, v6;
	v1 =	vadd.f32 v57, v1  }
0x123: {  	v56 =	vld [tilespmem:s11+$0x6450]  }
0x124: {  	[tilespmem:s1+$0xFFFFFE50] =	vst v1;
	v6 =	vadd.f32 v8, v6;
	v8 =	vld [tilespmem:s1+$0xFFFFFE60]  }
0x125: {  	v3 =	vmul.f32 $1.131370830e+01, v3;
	v62 =	vld [tilespmem:s23+$0x6460]  }
0x126: {  	v5 =	vmul.f32 $1.131370830e+01, v5;
	v0 =	vadd.f32 v7, v0;
	v7 =	vld [tilespmem:s21+$0x6450]  }
0x127: {  	v3 =	vadd.f32 v55, v3;
	[tilespmem:s1+$0xFFFFFF50] =	vst v6;
	v6 =	vld [tilespmem:s1+$0xFFFFFF60]  }
0x128: {  	v4 =	vmul.f32 $1.131370830e+01, v4;
	[tilespmem:s1+$0xFFFFFED0] =	vst v0;
	v0 =	vadd.f32 v54, v5;
	v5 =	vld [tilespmem:s1+$0xFFFFFEE0]  }
0x129: {  	[tilespmem:s1+$0x50] =	vst v3;
	v3 =	vld [tilespmem:s1+$0x60]  }
0x12a: {  	v2 =	vmul.f32 $1.131370830e+01, v2;
	v59 =	vld [tilespmem:s24+$0x6460];
	[tilespmem:s1+$0xFFFFFFD0] =	vst v0;
	v0 =	vadd.f32 v56, v4  }
0x12b: {  	v4 =	vld [tilespmem:s1+$0xFFFFFFE0]  }
0x12c: {  	v2 =	vadd.f32 v7, v2;
	[tilespmem:s1+$0xD0] =	vst v0;
	v0 =	vmul.f32 $1.131370830e+01, v8;
	v8 =	vld [tilespmem:s9+$0x6460]  }
0x12d: {  	v1 =	vmul.f32 $1.131370830e+01, v5;
	v5 =	vld [tilespmem:s4+$0x6460]  }
0x12e: {  	[tilespmem:s1+$0x150] =	vst v2;
	v2 =	vld [tilespmem:s1+$0x160]  }
0x12f: {  	v7 =	vld [tilespmem:s1+$0xE0]  }
0x130: {  	v58 =	vld [tilespmem:s20+$0x6460]  }
0x131: {  	v6 =	vmul.f32 $1.131370830e+01, v6;
	v60 =	vld [tilespmem:s11+$0x6460]  }
0x132: {  	v3 =	vmul.f32 $1.131370830e+01, v3;
	v63 =	vadd.f32 v62, v0;
	v1 =	vadd.f32 v5, v1;
	v5 =	vld [tilespmem:s21+$0x6460]  }
0x133: {  	v4 =	vmul.f32 $1.131370830e+01, v4;
	v61 =	vmul.f32 $1.131370830e+01, v2;
	v2 =	vadd.f32 v8, v6;
	v6 =	vld [tilespmem:s1+$0xFFFFFE70]  }
0x134: {  	s13 =	sadd.s32 $0x8, s13;
	v3 =	vadd.f32 v59, v3;
	v7 =	vmul.f32 $1.131370830e+01, v7;
	[tilespmem:s1+$0xFFFFFE60] =	vst v63;
	v8 =	vld [tilespmem:s1+$0xFFFFFF70]  }
0x135: {  	p0 =	slt.u32 s13, $0x78;
	[tilespmem:s1+$0xFFFFFEE0] =	vst v1;
	v1 =	vadd.f32 v58, v4;
	v4 =	vld [tilespmem:s1+$0xFFFFFEF0]  }
.Ltmp2:
0x136: {  	[tilespmem:s1+$0x60] =	vst v3;
	v3 =	vld [tilespmem:s1+$0xF0];
	v7 =	vadd.f32 v60, v7;
	(pc) =	sbr.rel @p0 .LBB2_3-.Ltmp2, $4  }
0x137: {  	[tilespmem:s1+$0xFFFFFF60] =	vst v2;
	v2 =	vld [tilespmem:s1+$0xFFFFFFF0]  }
0x138: {  	[tilespmem:s1+$0xE0] =	vst v7;
	v7 =	vld [tilespmem:s4+$0x6470];
	v5 =	vadd.f32 v5, v61  }
0x139: {  	[tilespmem:s1+$0xFFFFFFE0] =	vst v1;
	v1 =	vld [tilespmem:s1+$0x70];
	v0 =	vmul.f32 $1.131370830e+01, v6  }
0x13a: {  	s12 =	smov.u32 s1;
	[tilespmem:s1+$0x160] =	vst v5;
	v6 =	vmul.f32 $1.131370830e+01, v4;
	v4 =	vld [tilespmem:s1+$0x170];
	v5 =	vmul.f32 $1.131370830e+01, v8  }
0x13b: {  	v8 =	vld [tilespmem:s9+$0x6470]  }
0x13c: {  	v9 =	vld [tilespmem:s20+$0x6470]  }
0x13d: {  	v10 =	vld [tilespmem:s24+$0x6470]  }
0x13e: {  	v12 =	vld [tilespmem:s23+$0x6470]  }
0x13f: {  	v11 =	vld [tilespmem:s11+$0x6470];
	v2 =	vmul.f32 $1.131370830e+01, v2;
	v6 =	vadd.f32 v7, v6  }
0x140: {  	v7 =	vld [tilespmem:s21+$0x6470];
	v1 =	vmul.f32 $1.131370830e+01, v1;
	v5 =	vadd.f32 v8, v5  }
0x141: {  	[tilespmem:s12+$0xFFFFFEF0] =	vst v6;
	v2 =	vadd.f32 v9, v2  }
0x142: {  	v3 =	vmul.f32 $1.131370830e+01, v3;
	v1 =	vadd.f32 v10, v1;
	[tilespmem:s12+$0xFFFFFF70] =	vst v5  }
0x143: {  	v4 =	vmul.f32 $1.131370830e+01, v4;
	v0 =	vadd.f32 v12, v0;
	[tilespmem:s12+$0xFFFFFFF0] =	vst v2  }
0x144: {  	v2 =	vadd.f32 v11, v3;
	[tilespmem:s12+$0x70] =	vst v1  }
0x145: {  	s1 =	sadd.s32 s5, s8;
	v1 =	vadd.f32 v7, v4;
	[tilespmem:s12+$0xFFFFFE70] =	vst v0  }
0x146: {  	s4 =	simm.s32 $0x0;
	s1 =	sshll.u32 s1, $0x4;
	[tilespmem:s12+$0xF0] =	vst v2  }
0x147: {  	s7 =	simm.s32 $0xC800;
	p0 =	seq.s32 s10, $0x0;
	s1 =	sadd.s32 s22, s1;
	[tilespmem:s12+$0x170] =	vst v1  }
0x148: {  	[hbm4b:s1+s4] =	stream.linear.scatter [tilespmem:s7], [sflag:$0x5], $0x4000, $0x38;
	[tilespmem:$0x1C800] =	vst v63  }
0x149: {  	s1 =	simm.s32 @!p0 $0x8  }
0x14a: {  	_ =	swait.ge @!p0 [sflag:s1], $0x4000  }
0x14b: {  	s3 =	smov.u32 s22;
	s23 =	simm.s32 $0x2;
	[sflag:s1] =	ssyncset.done @!p0 $0x0  }
0x14c: {  	s22 =	simm.s32 $0x18800;
	[sflag:s1] =	ssyncadd.s32 @!p0 $0xFFFFC000;
	s1 =	sor.u32 $0x180, s8  }
0x14d: {  	[tilespmem:s22], [sflag:$0x4] =	stream.indirect.gather [hbm4b:s6+s19], $0x80, s1, s19, $0xb8;
	[tilespmem:$0x1C800] =	vst v63  }
0x14e: {  	_ =	swait.ge [sflag:s23], $0x4000  }
0x14f: {  	[sflag:s23] =	ssyncset.done $0x0  }
0x150: {  	s21 =	simm.s32 $0x10A00;
	[sflag:s23] =	ssyncadd.s32 $0xFFFFC000  }
0x151: {  	v0 =	vld [tilespmem:s21+$0x100]  }
0x152: {  	v1 =	vld [tilespmem:s21+$0xFFFFFE00]  }
0x153: {  	v3 =	vld [tilespmem:s21+$0xFFFFFE80]  }
0x154: {  	s24 =	rddreg [dreg:$0x7];
	v4 =	vld [tilespmem:s21+$0xFFFFFF00]  }
0x155: {  	s9 =	simm.s32 $0xFFFF9B80;
	s16 =	rddreg [dreg:$0x8];
	s26 =	sadd.s32 $0xFFFFFFF8, s24;
	v5 =	vld [tilespmem:s21+$0xFFFFFF80]  }
0x156: {  	s11 =	simm.s32 $0xFFFF9900;
	s20 =	sadd.s32 s14, s16;
	s17 =	sadd.s32 $0x8E, s26;
	v6 =	vld [tilespmem:s21+$0x0]  }
0x157: {  	s18 =	sadd.s32 $0x88, s26;
	s19 =	sadd.s32 $0x89, s26;
	s13 =	sadd.s32 $0x8A, s26;
	v7 =	vld [tilespmem:s21+$0x80]  }
0x158: {  	s15 =	sadd.s32 $0x8B, s26;
	s16 =	sadd.s32 $0x8C, s26;
	s24 =	sadd.s32 $0x8D, s26;
	v25 =	vld [tilespmem:s21+$0xFFFFFF90]  }
0x159: {  	v30 =	vld [tilespmem:s21+$0xFFFFFEA0];
	p0 =	sgt.u32 s17, $0xC7;
	p2 =	sgt.u32 s18, $0xC7;
	p3 =	sgt.u32 s19, $0xC7  }
0x15a: {  	v43 =	vld [tilespmem:s21+$0xFFFFFE40];
	p4 =	sgt.u32 s13, $0xC7;
	p1 =	sgt.u32 s15, $0xC7;
	s13 =	simm.s32 $0xFFFF9980  }
0x15b: {  	v55 =	vld [tilespmem:s21+$0xFFFFFE60];
	s15 =	simm.s32 $0xFFFF9A00;
	s17 =	simm.s32 $0xFFFF9A80;
	s9 =	simm.s32 @!p0 $0xFFFFFF80  }
0x15c: {  	v62 =	vld [tilespmem:s21+$0xFFFFFEF0];
	p0 =	sgt.u32 s16, $0xC7;
	s11 =	simm.s32 @!p3 $0xFFFFFD00;
	s7 =	sadd.s32 s9, s20  }
0x15d: {  	s13 =	simm.s32 @!p4 $0xFFFFFD80;
	s15 =	simm.s32 @!p1 $0xFFFFFE00;
	s23 =	sadd.s32 s11, s20;
	v2 =	vld [tilespmem:s7+$0x6400]  }
0x15e: {  	s9 =	simm.s32 $0xFFFF9880;
	s17 =	simm.s32 @!p0 $0xFFFFFE80;
	s11 =	sadd.s32 s15, s20;
	v21 =	vld [tilespmem:s23+$0x6400]  }
0x15f: {  	p0 =	sgt.u32 s24, $0xC7;
	s9 =	simm.s32 @!p2 $0xFFFFFC80;
	s24 =	sadd.s32 s17, s20;
	v23 =	vld [tilespmem:s11+$0x6400]  }
0x160: {  	s22 =	sadd.s32 s9, s20;
	s9 =	sadd.s32 s13, s20;
	s13 =	simm.s32 $0xFFFF9B00;
	v13 =	vld [tilespmem:s24+$0x6400]  }
0x161: {  	v0 =	vmul.f32 $1.131370830e+01, v0;
	v20 =	vld [tilespmem:s22+$0x6400];
	s13 =	simm.s32 @!p0 $0xFFFFFF00  }
0x162: {  	v3 =	vmul.f32 $1.131370830e+01, v3;
	v22 =	vld [tilespmem:s9+$0x6400];
	s12 =	sadd.s32 s13, s20  }
0x163: {  	v24 =	vld [tilespmem:s12+$0x6400];
	v0 =	vadd.f32 v2, v0  }
0x164: {  	v2 =	vld [tilespmem:s21+$0x110];
	v3 =	vadd.f32 v21, v3  }
0x165: {  	v1 =	vmul.f32 $1.131370830e+01, v1;
	[tilespmem:s21+$0x100] =	vst v0;
	v0 =	vld [tilespmem:s21+$0x180]  }
0x166: {  	s26 =	sadd.s32 $0x8F, s26;
	v6 =	vmul.f32 $1.131370830e+01, v6;
	[tilespmem:s21+$0xFFFFFE80] =	vst v3;
	v3 =	vld [tilespmem:s21+$0xFFFFFE10]  }
0x167: {  	v4 =	vmul.f32 $1.131370830e+01, v4;
	p0 =	sgt.u32 s26, $0xC7;
	s13 =	sadd.s32 $0xFFFF9C00, s20;
	v1 =	vadd.f32 v20, v1;
	v8 =	vld [tilespmem:s7+$0x6410]  }
0x168: {  	v7 =	vmul.f32 $1.131370830e+01, v7;
	s20 =	smov.u32 @p0 s13;
	v6 =	vadd.f32 v13, v6;
	v26 =	vld [tilespmem:s23+$0x6410]  }
0x169: {  	[tilespmem:s21+$0xFFFFFE00] =	vst v1;
	v1 =	vadd.f32 v22, v4;
	v4 =	vld [tilespmem:s20+$0x6400]  }
0x16a: {  	[tilespmem:s21+$0x0] =	vst v6;
	v6 =	vadd.f32 v24, v7;
	v7 =	vld [tilespmem:s21+$0x130];
	v2 =	vmul.f32 $1.131370830e+01, v2  }
0x16b: {  	[tilespmem:s21+$0xFFFFFF00] =	vst v1;
	v1 =	vld [tilespmem:s21+$0xFFFFFE90]  }
0x16c: {  	[tilespmem:s21+$0x80] =	vst v6;
	v6 =	vld [tilespmem:s21+$0x190];
	v0 =	vmul.f32 $1.131370830e+01, v0;
	v2 =	vadd.f32 v8, v2  }
0x16d: {  	v27 =	vld [tilespmem:s9+$0x6410]  }
0x16e: {  	v8 =	vld [tilespmem:s21+$0x120];
	v0 =	vadd.f32 v4, v0;
	[tilespmem:s21+$0x110] =	vst v2  }
0x16f: {  	v2 =	vmul.f32 $1.131370830e+01, v5;
	v5 =	vld [tilespmem:s7+$0x6420]  }
0x170: {  	[tilespmem:s21+$0x180] =	vst v0;
	v0 =	vld [tilespmem:s21+$0x90]  }
0x171: {  	v29 =	vld [tilespmem:s12+$0x6410];
	v2 =	vadd.f32 v23, v2  }
0x172: {  	v4 =	vld [tilespmem:s21+$0x10];
	v1 =	vmul.f32 $1.131370830e+01, v1  }
0x173: {  	v8 =	vmul.f32 $1.131370830e+01, v8;
	[tilespmem:s21+$0xFFFFFF80] =	vst v2;
	v2 =	vld [tilespmem:s21+$0xFFFFFF10]  }
0x174: {  	v1 =	vadd.f32 v26, v1;
	v28 =	vld [tilespmem:s11+$0x6410]  }
0x175: {  	v5 =	vadd.f32 v5, v8;
	v8 =	vld [tilespmem:s22+$0x6410];
	v0 =	vmul.f32 $1.131370830e+01, v0  }
0x176: {  	[tilespmem:s21+$0xFFFFFE90] =	vst v1;
	v1 =	vld [tilespmem:s21+$0xFFFFFE20]  }
0x177: {  	v10 =	vmul.f32 $1.131370830e+01, v25;
	v32 =	vld [tilespmem:s23+$0x6420];
	[tilespmem:s21+$0x120] =	vst v5;
	v0 =	vadd.f32 v29, v0  }
0x178: {  	v3 =	vmul.f32 $1.131370830e+01, v3;
	v5 =	vld [tilespmem:s7+$0x6430]  }
0x179: {  	v10 =	vadd.f32 v28, v10;
	[tilespmem:s21+$0x90] =	vst v0;
	v0 =	vld [tilespmem:s21+$0x20]  }
0x17a: {  	v3 =	vadd.f32 v8, v3;
	v8 =	vld [tilespmem:s24+$0x6410]  }
0x17b: {  	v2 =	vmul.f32 $1.131370830e+01, v2;
	v36 =	vld [tilespmem:s12+$0x6420];
	[tilespmem:s21+$0xFFFFFF90] =	vst v10  }
0x17c: {  	v7 =	vmul.f32 $1.131370830e+01, v7;
	[tilespmem:s21+$0xFFFFFE10] =	vst v3;
	v3 =	vld [tilespmem:s20+$0x6410]  }
0x17d: {  	v2 =	vadd.f32 v27, v2;
	v34 =	vld [tilespmem:s11+$0x6420]  }
0x17e: {  	v5 =	vadd.f32 v5, v7;
	v7 =	vld [tilespmem:s21+$0x140]  }
0x17f: {  	v4 =	vmul.f32 $1.131370830e+01, v4;
	[tilespmem:s21+$0xFFFFFF10] =	vst v2;
	v31 =	vld [tilespmem:s22+$0x6420]  }
0x180: {  	v33 =	vld [tilespmem:s9+$0x6420]  }
0x181: {  	[tilespmem:s21+$0x130] =	vst v5;
	v2 =	vadd.f32 v8, v4;
	v8 =	vld [tilespmem:s21+$0xFFFFFF20]  }
0x182: {  	v6 =	vmul.f32 $1.131370830e+01, v6;
	v5 =	vld [tilespmem:s7+$0x6440]  }
0x183: {  	v1 =	vmul.f32 $1.131370830e+01, v1;
	v4 =	vld [tilespmem:s21+$0x150]  }
0x184: {  	[tilespmem:s21+$0x10] =	vst v2;
	v2 =	vadd.f32 v3, v6;
	v3 =	vld [tilespmem:s21+$0xFFFFFFA0]  }
0x185: {  	v6 =	vld [tilespmem:s21+$0x1A0];
	v7 =	vmul.f32 $1.131370830e+01, v7;
	v1 =	vadd.f32 v31, v1  }
0x186: {  	v35 =	vld [tilespmem:s24+$0x6420];
	[tilespmem:s21+$0x190] =	vst v2;
	v8 =	vmul.f32 $1.131370830e+01, v8  }
0x187: {  	v2 =	vld [tilespmem:s21+$0xA0];
	[tilespmem:s21+$0xFFFFFE20] =	vst v1;
	v5 =	vadd.f32 v5, v7;
	v7 =	vmul.f32 $1.131370830e+01, v30  }
0x188: {  	v1 =	vadd.f32 v33, v8;
	v8 =	vld [tilespmem:s22+$0x6430]  }
0x189: {  	[tilespmem:s21+$0x140] =	vst v5;
	v5 =	vadd.f32 v32, v7;
	v7 =	vld [tilespmem:s20+$0x6420]  }
0x18a: {  	v3 =	vmul.f32 $1.131370830e+01, v3;
	v37 =	vld [tilespmem:s7+$0x6450]  }
0x18b: {  	v0 =	vmul.f32 $1.131370830e+01, v0;
	[tilespmem:s21+$0xFFFFFF20] =	vst v1;
	v1 =	vld [tilespmem:s21+$0xFFFFFEB0]  }
0x18c: {  	v3 =	vadd.f32 v34, v3;
	[tilespmem:s21+$0xFFFFFEA0] =	vst v5;
	v5 =	vld [tilespmem:s21+$0xFFFFFE30]  }
0x18d: {  	v0 =	vadd.f32 v35, v0;
	v39 =	vld [tilespmem:s9+$0x6430]  }
0x18e: {  	[tilespmem:s21+$0xFFFFFFA0] =	vst v3;
	v3 =	vld [tilespmem:s21+$0xFFFFFF30]  }
0x18f: {  	v2 =	vmul.f32 $1.131370830e+01, v2;
	[tilespmem:s21+$0x20] =	vst v0;
	v38 =	vld [tilespmem:s23+$0x6430]  }
0x190: {  	v6 =	vmul.f32 $1.131370830e+01, v6;
	v41 =	vld [tilespmem:s24+$0x6430]  }
0x191: {  	v2 =	vadd.f32 v36, v2;
	v40 =	vld [tilespmem:s11+$0x6430]  }
0x192: {  	v0 =	vadd.f32 v7, v6;
	v6 =	vld [tilespmem:s21+$0xFFFFFFB0]  }
0x193: {  	v4 =	vmul.f32 $1.131370830e+01, v4;
	[tilespmem:s21+$0xA0] =	vst v2;
	v2 =	vld [tilespmem:s21+$0x30]  }
0x194: {  	v7 =	vld [tilespmem:s21+$0x1B0];
	v1 =	vmul.f32 $1.131370830e+01, v1  }
0x195: {  	v4 =	vadd.f32 v37, v4;
	[tilespmem:s21+$0x1A0] =	vst v0;
	v0 =	vld [tilespmem:s21+$0xB0];
	v5 =	vmul.f32 $1.131370830e+01, v5  }
0x196: {  	v1 =	vadd.f32 v38, v1;
	v42 =	vld [tilespmem:s20+$0x6430]  }
0x197: {  	[tilespmem:s21+$0x150] =	vst v4;
	v5 =	vadd.f32 v8, v5;
	v8 =	vld [tilespmem:s12+$0x6430]  }
0x198: {  	v3 =	vmul.f32 $1.131370830e+01, v3;
	v49 =	vld [tilespmem:s7+$0x6460];
	[tilespmem:s21+$0xFFFFFEB0] =	vst v1  }
0x199: {  	v6 =	vmul.f32 $1.131370830e+01, v6;
	[tilespmem:s21+$0xFFFFFE30] =	vst v5;
	v5 =	vld [tilespmem:s21+$0x160]  }
0x19a: {  	v3 =	vadd.f32 v39, v3;
	v44 =	vld [tilespmem:s23+$0x6440]  }
0x19b: {  	v2 =	vmul.f32 $1.131370830e+01, v2;
	v1 =	vadd.f32 v40, v6;
	v6 =	vmul.f32 $1.131370830e+01, v7;
	v7 =	vld [tilespmem:s21+$0xFFFFFEC0]  }
0x19c: {  	[tilespmem:s21+$0xFFFFFF30] =	vst v3;
	v3 =	vld [tilespmem:s21+$0xFFFFFF40]  }
0x19d: {  	v2 =	vadd.f32 v41, v2;
	v45 =	vld [tilespmem:s9+$0x6440]  }
0x19e: {  	v0 =	vmul.f32 $1.131370830e+01, v0;
	[tilespmem:s21+$0xFFFFFFB0] =	vst v1;
	v1 =	vld [tilespmem:s21+$0xFFFFFFC0]  }
0x19f: {  	[tilespmem:s21+$0x30] =	vst v2;
	v2 =	vadd.f32 v42, v6;
	v6 =	vld [tilespmem:s21+$0x40]  }
0x1a0: {  	v0 =	vadd.f32 v8, v0;
	v8 =	vld [tilespmem:s22+$0x6440]  }
0x1a1: {  	v46 =	vld [tilespmem:s11+$0x6440]  }
0x1a2: {  	v47 =	vld [tilespmem:s24+$0x6440]  }
0x1a3: {  	v11 =	vmul.f32 $1.131370830e+01, v43;
	[tilespmem:s21+$0xB0] =	vst v0;
	v0 =	vld [tilespmem:s21+$0xC0]  }
0x1a4: {  	[tilespmem:s21+$0x1B0] =	vst v2;
	v2 =	vld [tilespmem:s21+$0x1C0];
	v7 =	vmul.f32 $1.131370830e+01, v7  }
0x1a5: {  	v3 =	vmul.f32 $1.131370830e+01, v3;
	v48 =	vld [tilespmem:s12+$0x6440];
	v8 =	vadd.f32 v8, v11  }
0x1a6: {  	v4 =	vadd.f32 v44, v7;
	v7 =	vld [tilespmem:s20+$0x6440]  }
0x1a7: {  	v6 =	vmul.f32 $1.131370830e+01, v6;
	v3 =	vadd.f32 v45, v3;
	[tilespmem:s21+$0xFFFFFE40] =	vst v8;
	v8 =	vld [tilespmem:s21+$0xFFFFFE50]  }
0x1a8: {  	v1 =	vmul.f32 $1.131370830e+01, v1;
	[tilespmem:s21+$0xFFFFFEC0] =	vst v4;
	v4 =	vld [tilespmem:s21+$0xFFFFFED0]  }
0x1a9: {  	[tilespmem:s21+$0xFFFFFF40] =	vst v3;
	v3 =	vadd.f32 v47, v6;
	v6 =	vld [tilespmem:s21+$0xFFFFFF50]  }
0x1aa: {  	v1 =	vadd.f32 v46, v1;
	v50 =	vld [tilespmem:s23+$0x6450]  }
0x1ab: {  	v51 =	vld [tilespmem:s9+$0x6450]  }
0x1ac: {  	v2 =	vmul.f32 $1.131370830e+01, v2;
	[tilespmem:s21+$0xFFFFFFC0] =	vst v1;
	v1 =	vld [tilespmem:s21+$0xFFFFFFD0]  }
0x1ad: {  	v0 =	vmul.f32 $1.131370830e+01, v0;
	[tilespmem:s21+$0x40] =	vst v3;
	v3 =	vld [tilespmem:s21+$0x50]  }
0x1ae: {  	v2 =	vadd.f32 v7, v2;
	v7 =	vld [tilespmem:s22+$0x6450]  }
0x1af: {  	v0 =	vadd.f32 v48, v0;
	v52 =	vld [tilespmem:s11+$0x6450]  }
0x1b0: {  	v53 =	vld [tilespmem:s24+$0x6450]  }
0x1b1: {  	[tilespmem:s21+$0xC0] =	vst v0;
	v0 =	vld [tilespmem:s21+$0xD0];
	v4 =	vmul.f32 $1.131370830e+01, v4  }
0x1b2: {  	[tilespmem:s21+$0x1C0] =	vst v2;
	v2 =	vld [tilespmem:s21+$0x1D0];
	v8 =	vmul.f32 $1.131370830e+01, v8;
	v6 =	vmul.f32 $1.131370830e+01, v6  }
0x1b3: {  	v54 =	vld [tilespmem:s20+$0x6450];
	v4 =	vadd.f32 v50, v4  }
0x1b4: {  	v6 =	vadd.f32 v51, v6;
	v7 =	vadd.f32 v7, v8;
	v8 =	vld [tilespmem:s12+$0x6450]  }
0x1b5: {  	[tilespmem:s21+$0xFFFFFED0] =	vst v4;
	v4 =	vld [tilespmem:s21+$0xFFFFFEE0]  }
0x1b6: {  	v1 =	vmul.f32 $1.131370830e+01, v1;
	[tilespmem:s21+$0xFFFFFF50] =	vst v6;
	v6 =	vld [tilespmem:s21+$0xFFFFFF60]  }
0x1b7: {  	v3 =	vmul.f32 $1.131370830e+01, v3;
	[tilespmem:s21+$0xFFFFFE50] =	vst v7;
	v7 =	vld [tilespmem:s21+$0x170]  }
0x1b8: {  	v1 =	vadd.f32 v52, v1;
	v56 =	vld [tilespmem:s23+$0x6460]  }
0x1b9: {  	v3 =	vadd.f32 v53, v3;
	v57 =	vld [tilespmem:s9+$0x6460]  }
0x1ba: {  	[tilespmem:s21+$0xFFFFFFD0] =	vst v1;
	v1 =	vld [tilespmem:s21+$0xFFFFFFE0]  }
0x1bb: {  	v0 =	vmul.f32 $1.131370830e+01, v0;
	[tilespmem:s21+$0x50] =	vst v3;
	v3 =	vld [tilespmem:s21+$0x60]  }
0x1bc: {  	v2 =	vmul.f32 $1.131370830e+01, v2;
	v58 =	vld [tilespmem:s11+$0x6460]  }
0x1bd: {  	v59 =	vld [tilespmem:s24+$0x6460];
	v0 =	vadd.f32 v8, v0  }
0x1be: {  	v5 =	vmul.f32 $1.131370830e+01, v5;
	v2 =	vadd.f32 v54, v2;
	v8 =	vld [tilespmem:s22+$0x6460]  }
0x1bf: {  	v4 =	vmul.f32 $1.131370830e+01, v4;
	[tilespmem:s21+$0xD0] =	vst v0;
	v0 =	vld [tilespmem:s21+$0xE0]  }
0x1c0: {  	v5 =	vadd.f32 v49, v5;
	[tilespmem:s21+$0x1D0] =	vst v2;
	v2 =	vld [tilespmem:s21+$0x1E0];
	v6 =	vmul.f32 $1.131370830e+01, v6  }
0x1c1: {  	v11 =	vmul.f32 $1.131370830e+01, v55;
	v60 =	vld [tilespmem:s12+$0x6460];
	v4 =	vadd.f32 v56, v4  }
0x1c2: {  	[tilespmem:s21+$0x160] =	vst v5;
	v5 =	vld [tilespmem:s20+$0x6460];
	v1 =	vmul.f32 $1.131370830e+01, v1;
	v6 =	vadd.f32 v57, v6  }
0x1c3: {  	v61 =	vld [tilespmem:s7+$0x6470];
	v3 =	vmul.f32 $1.131370830e+01, v3;
	v8 =	vadd.f32 v8, v11;
	[tilespmem:s21+$0xFFFFFEE0] =	vst v4  }
0x1c4: {  	v63 =	vld [tilespmem:s21+$0xFFFFFF70];
	v1 =	vadd.f32 v58, v1;
	[tilespmem:s21+$0xFFFFFF60] =	vst v6;
	v0 =	vmul.f32 $1.131370830e+01, v0  }
0x1c5: {  	v4 =	vadd.f32 v59, v3;
	v2 =	vmul.f32 $1.131370830e+01, v2;
	[tilespmem:s21+$0xFFFFFE60] =	vst v8;
	v8 =	vld [tilespmem:s21+$0xFFFFFE70]  }
0x1c6: {  	v6 =	vmul.f32 $1.131370830e+01, v7;
	v3 =	vld [tilespmem:s21+$0xFFFFFFF0];
	[tilespmem:s21+$0xFFFFFFE0] =	vst v1;
	v0 =	vadd.f32 v60, v0  }
0x1c7: {  	[tilespmem:s21+$0x60] =	vst v4;
	v1 =	vld [tilespmem:s21+$0x70];
	v2 =	vadd.f32 v5, v2  }
0x1c8: {  	v4 =	vld [tilespmem:s21+$0xF0];
	[tilespmem:s21+$0xE0] =	vst v0;
	v0 =	vadd.f32 v61, v6  }
0x1c9: {  	s16 =	simm.s32 $0x10A00;
	s15 =	simm.s32 $0x0;
	v5 =	vld [tilespmem:s21+$0x1F0];
	[tilespmem:s21+$0x1E0] =	vst v2;
	v6 =	vmul.f32 $1.131370830e+01, v62  }
0x1ca: {  	s26 =	smov.u32 s14;
	s13 =	sor.u32 $0x80, s8;
	s7 =	sshll.u32 s10, $0xB;
	v7 =	vld [tilespmem:s22+$0x6470];
	v2 =	vmul.f32 $1.131370830e+01, v8;
	[tilespmem:s21+$0x170] =	vst v0;
	v0 =	vmul.f32 $1.131370830e+01, v63  }
.LBB2_5:
0x1cb: {  	v8 =	vld [tilespmem:s23+$0x6470]  }
0x1cc: {  	v9 =	vld [tilespmem:s9+$0x6470]  }
0x1cd: {  	s17 =	rddreg [dreg:$0x7];
	s18 =	smov.u32 s15;
	v10 =	vld [tilespmem:s11+$0x6470]  }
0x1ce: {  	s23 =	rddreg [dreg:$0x8];
	v11 =	vld [tilespmem:s24+$0x6470];
	s21 =	sadd.s32 $0x400, s21;
	s9 =	sadd.s32 s18, s17  }
0x1cf: {  	s26 =	sadd.s32 $0x400, s26;
	s11 =	simm.s32 $0xFFFF9880;
	v12 =	vld [tilespmem:s21+$0x100];
	s17 =	sadd.s32 $0x88, s9  }
0x1d0: {  	v44 =	vld [tilespmem:s21+$0xFFFFFE20];
	s24 =	sadd.s32 $0x89, s9;
	s18 =	sadd.s32 $0x8E, s9;
	s4 =	sadd.s32 $0x8A, s9  }
0x1d1: {  	v50 =	vld [tilespmem:s21+$0xFFFFFE30];
	s22 =	sadd.s32 $0x8B, s9;
	s19 =	sadd.s32 $0x8C, s9;
	p1 =	sgt.u32 s18, $0xC7  }
0x1d2: {  	p2 =	sgt.u32 s17, $0xC7;
	p5 =	sgt.u32 s4, $0xC7;
	v2 =	vadd.f32 v7, v2;
	v7 =	vld [tilespmem:s12+$0x6470];
	s12 =	simm.s32 $0xFFFF9B80  }
0x1d3: {  	p3 =	sgt.u32 s19, $0xC7;
	v6 =	vadd.f32 v8, v6;
	v8 =	vld [tilespmem:s20+$0x6470];
	s20 =	sadd.s32 s26, s23;
	s12 =	simm.s32 @!p1 $0xFFFFFF80  }
0x1d4: {  	s19 =	simm.s32 $0xFFFF9980;
	v3 =	vmul.f32 $1.131370830e+01, v3;
	v1 =	vmul.f32 $1.131370830e+01, v1;
	s11 =	simm.s32 @!p2 $0xFFFFFC80;
	v0 =	vadd.f32 v9, v0;
	[tilespmem:s16+$0xFFFFFE70] =	vst v2;
	v2 =	vld [tilespmem:s21+$0xFFFFFE00];
	s18 =	sadd.s32 s12, s20  }
0x1d5: {  	s19 =	simm.s32 @!p5 $0xFFFFFD80;
	p1 =	sgt.u32 s24, $0xC7;
	s23 =	sadd.s32 $0x8D, s9;
	[tilespmem:s16+$0xFFFFFEF0] =	vst v6;
	v6 =	vld [tilespmem:s18+$0x6400]  }
0x1d6: {  	s9 =	sadd.s32 $0x8F, s9;
	s12 =	simm.s32 $0xFFFF9900;
	s17 =	sadd.s32 s11, s20;
	[tilespmem:s16+$0xFFFFFF70] =	vst v0;
	v0 =	vadd.f32 v11, v1;
	v1 =	vld [tilespmem:s21+$0xFFFFFE80]  }
0x1d7: {  	v4 =	vmul.f32 $1.131370830e+01, v4;
	v3 =	vadd.f32 v10, v3;
	s12 =	simm.s32 @!p1 $0xFFFFFD00;
	p1 =	sgt.u32 s9, $0xC7;
	s9 =	sadd.s32 s19, s20;
	v34 =	vld [tilespmem:s17+$0x6400]  }
0x1d8: {  	p4 =	sgt.u32 s22, $0xC7;
	s24 =	simm.s32 $0xFFFF9A00;
	v36 =	vld [tilespmem:s9+$0x6400]  }
0x1d9: {  	p2 =	sgt.u32 s23, $0xC7;
	s24 =	simm.s32 @!p4 $0xFFFFFE00;
	[tilespmem:s16+$0xFFFFFFF0] =	vst v3;
	s23 =	sadd.s32 s12, s20;
	v3 =	vadd.f32 v7, v4;
	v4 =	vld [tilespmem:s21+$0xFFFFFF00]  }
0x1da: {  	s22 =	simm.s32 $0xFFFF9A80;
	v5 =	vmul.f32 $1.131370830e+01, v5;
	s11 =	sadd.s32 s24, s20;
	v35 =	vld [tilespmem:s23+$0x6400]  }
0x1db: {  	s22 =	simm.s32 @!p3 $0xFFFFFE80;
	v37 =	vld [tilespmem:s11+$0x6400]  }
0x1dc: {  	s24 =	sadd.s32 s22, s20;
	[tilespmem:s16+$0x70] =	vst v0;
	v0 =	vadd.f32 v8, v5;
	v5 =	vld [tilespmem:s21+$0xFFFFFF80]  }
0x1dd: {  	v7 =	vmul.f32 $1.131370830e+01, v12;
	v13 =	vld [tilespmem:s24+$0x6400]  }
0x1de: {  	s12 =	simm.s32 $0xFFFF9B00;
	[tilespmem:s16+$0xF0] =	vst v3;
	v3 =	vld [tilespmem:s21+$0x0]  }
0x1df: {  	s12 =	simm.s32 @!p2 $0xFFFFFF00;
	v2 =	vmul.f32 $1.131370830e+01, v2;
	[tilespmem:s16+$0x1F0] =	vst v0;
	v0 =	vld [tilespmem:s21+$0x80];
	v6 =	vadd.f32 v6, v7  }
0x1e0: {  	s12 =	sadd.s32 s12, s20;
	v7 =	vld [tilespmem:s21+$0x110]  }
0x1e1: {  	v1 =	vmul.f32 $1.131370830e+01, v1;
	v38 =	vld [tilespmem:s12+$0x6400];
	v2 =	vadd.f32 v34, v2;
	[tilespmem:s21+$0x100] =	vst v6  }
0x1e2: {  	v4 =	vmul.f32 $1.131370830e+01, v4;
	v8 =	vld [tilespmem:s18+$0x6410]  }
0x1e3: {  	s4 =	sadd.s32 $0xFFFF9C00, s20;
	v6 =	vld [tilespmem:s21+$0x180];
	v1 =	vadd.f32 v35, v1;
	v5 =	vmul.f32 $1.131370830e+01, v5;
	[tilespmem:s21+$0xFFFFFE00] =	vst v2  }
0x1e4: {  	s20 =	smov.u32 @p1 s4;
	v3 =	vmul.f32 $1.131370830e+01, v3;
	v2 =	vadd.f32 v36, v4;
	v39 =	vld [tilespmem:s17+$0x6410]  }
0x1e5: {  	[tilespmem:s21+$0xFFFFFE80] =	vst v1;
	v7 =	vmul.f32 $1.131370830e+01, v7;
	v1 =	vadd.f32 v37, v5;
	v5 =	vld [tilespmem:s20+$0x6400]  }
0x1e6: {  	v40 =	vld [tilespmem:s23+$0x6410];
	[tilespmem:s21+$0xFFFFFF00] =	vst v2;
	v2 =	vadd.f32 v13, v3  }
0x1e7: {  	v3 =	vld [tilespmem:s21+$0xFFFFFE90];
	v7 =	vadd.f32 v8, v7  }
0x1e8: {  	v8 =	vld [tilespmem:s21+$0x120];
	[tilespmem:s21+$0x0] =	vst v2  }
0x1e9: {  	v2 =	vld [tilespmem:s21+$0xFFFFFF90];
	[tilespmem:s21+$0x110] =	vst v7  }
0x1ea: {  	v0 =	vmul.f32 $1.131370830e+01, v0;
	v4 =	vld [tilespmem:s18+$0x6420]  }
0x1eb: {  	[tilespmem:s21+$0xFFFFFF80] =	vst v1;
	v41 =	vld [tilespmem:s9+$0x6410]  }
0x1ec: {  	v0 =	vadd.f32 v38, v0;
	v42 =	vld [tilespmem:s11+$0x6410]  }
0x1ed: {  	v7 =	vld [tilespmem:s21+$0xFFFFFE10];
	v1 =	vmul.f32 $1.131370830e+01, v8  }
0x1ee: {  	[tilespmem:s21+$0x80] =	vst v0;
	v0 =	vld [tilespmem:s21+$0x130]  }
0x1ef: {  	v6 =	vmul.f32 $1.131370830e+01, v6;
	v8 =	vld [tilespmem:s21+$0xFFFFFF10];
	v2 =	vmul.f32 $1.131370830e+01, v2;
	v1 =	vadd.f32 v4, v1  }
0x1f0: {  	v43 =	vld [tilespmem:s24+$0x6410]  }
0x1f1: {  	v2 =	vadd.f32 v42, v2;
	v4 =	vadd.f32 v5, v6;
	v6 =	vld [tilespmem:s21+$0x10];
	[tilespmem:s21+$0x120] =	vst v1  }
0x1f2: {  	v5 =	vmul.f32 $1.131370830e+01, v7;
	v1 =	vmul.f32 $1.131370830e+01, v3;
	v3 =	vld [tilespmem:s18+$0x6430]  }
0x1f3: {  	v7 =	vld [tilespmem:s21+$0x90];
	[tilespmem:s21+$0xFFFFFF90] =	vst v2  }
0x1f4: {  	[tilespmem:s21+$0x180] =	vst v4;
	v4 =	vmul.f32 $1.131370830e+01, v8;
	v8 =	vld [tilespmem:s21+$0x190];
	v5 =	vadd.f32 v39, v5  }
0x1f5: {  	v0 =	vmul.f32 $1.131370830e+01, v0;
	v48 =	vld [tilespmem:s11+$0x6420]  }
0x1f6: {  	[tilespmem:s21+$0xFFFFFE10] =	vst v5;
	v4 =	vadd.f32 v41, v4;
	v5 =	vld [tilespmem:s12+$0x6410]  }
0x1f7: {  	v45 =	vld [tilespmem:s17+$0x6420];
	v0 =	vadd.f32 v3, v0  }
0x1f8: {  	[tilespmem:s21+$0xFFFFFF10] =	vst v4;
	v3 =	vmul.f32 $1.131370830e+01, v7;
	v7 =	vld [tilespmem:s21+$0x140]  }
0x1f9: {  	v6 =	vmul.f32 $1.131370830e+01, v6;
	v4 =	vld [tilespmem:s21+$0xFFFFFEA0];
	[tilespmem:s21+$0x130] =	vst v0  }
0x1fa: {  	v0 =	vmul.f32 $1.131370830e+01, v8;
	v8 =	vld [tilespmem:s18+$0x6440]  }
0x1fb: {  	v1 =	vadd.f32 v40, v1;
	v2 =	vadd.f32 v43, v6;
	v6 =	vld [tilespmem:s21+$0x150]  }
0x1fc: {  	v3 =	vadd.f32 v5, v3;
	v5 =	vld [tilespmem:s21+$0xFFFFFFA0]  }
0x1fd: {  	[tilespmem:s21+$0xFFFFFE90] =	vst v1;
	v1 =	vmul.f32 $1.131370830e+01, v7;
	v7 =	vld [tilespmem:s20+$0x6410]  }
0x1fe: {  	v46 =	vld [tilespmem:s23+$0x6420]  }
0x1ff: {  	v47 =	vld [tilespmem:s9+$0x6420];
	[tilespmem:s21+$0x10] =	vst v2;
	v1 =	vadd.f32 v8, v1  }
0x200: {  	v49 =	vld [tilespmem:s24+$0x6420]  }
0x201: {  	v5 =	vmul.f32 $1.131370830e+01, v5;
	v8 =	vld [tilespmem:s21+$0xFFFFFF20];
	[tilespmem:s21+$0x140] =	vst v1  }
0x202: {  	v2 =	vmul.f32 $1.131370830e+01, v44;
	v0 =	vadd.f32 v7, v0;
	v1 =	vld [tilespmem:s18+$0x6450]  }
0x203: {  	[tilespmem:s21+$0x90] =	vst v3;
	v3 =	vmul.f32 $1.131370830e+01, v4;
	v4 =	vld [tilespmem:s21+$0x20];
	v5 =	vadd.f32 v48, v5  }
0x204: {  	v2 =	vadd.f32 v45, v2;
	[tilespmem:s21+$0x190] =	vst v0;
	v0 =	vld [tilespmem:s21+$0xA0]  }
0x205: {  	v6 =	vmul.f32 $1.131370830e+01, v6;
	[tilespmem:s21+$0xFFFFFFA0] =	vst v5;
	v5 =	vld [tilespmem:s21+$0xFFFFFFB0]  }
0x206: {  	[tilespmem:s21+$0xFFFFFE20] =	vst v2;
	v2 =	vadd.f32 v46, v3;
	v3 =	vld [tilespmem:s12+$0x6420];
	v7 =	vmul.f32 $1.131370830e+01, v8  }
0x207: {  	v52 =	vld [tilespmem:s11+$0x6430];
	v1 =	vadd.f32 v1, v6  }
0x208: {  	[tilespmem:s21+$0xFFFFFEA0] =	vst v2;
	v2 =	vadd.f32 v47, v7;
	v7 =	vld [tilespmem:s21+$0x170]  }
0x209: {  	v6 =	vld [tilespmem:s21+$0x160];
	v0 =	vmul.f32 $1.131370830e+01, v0;
	[tilespmem:s21+$0x150] =	vst v1  }
0x20a: {  	v5 =	vmul.f32 $1.131370830e+01, v5;
	v1 =	vld [tilespmem:s18+$0x6460]  }
0x20b: {  	v0 =	vadd.f32 v3, v0;
	v3 =	vld [tilespmem:s21+$0xFFFFFF30]  }
0x20c: {  	v8 =	vld [tilespmem:s21+$0x1A0];
	[tilespmem:s21+$0xFFFFFF20] =	vst v2;
	v5 =	vadd.f32 v52, v5  }
0x20d: {  	v51 =	vld [tilespmem:s9+$0x6430]  }
0x20e: {  	[tilespmem:s21+$0xFFFFFFB0] =	vst v5;
	v5 =	vld [tilespmem:s21+$0xFFFFFFC0];
	v6 =	vmul.f32 $1.131370830e+01, v6  }
0x20f: {  	[tilespmem:s21+$0xA0] =	vst v0;
	v0 =	vmul.f32 $1.131370830e+01, v7;
	v7 =	vld [tilespmem:s21+$0x30]  }
0x210: {  	v4 =	vmul.f32 $1.131370830e+01, v4;
	v1 =	vadd.f32 v1, v6;
	v6 =	vld [tilespmem:s20+$0x6420];
	v3 =	vmul.f32 $1.131370830e+01, v3  }
0x211: {  	v55 =	vld [tilespmem:s11+$0x6440]  }
0x212: {  	[tilespmem:s21+$0x160] =	vst v1;
	v1 =	vadd.f32 v49, v4;
	v4 =	vld [tilespmem:s21+$0xFFFFFEB0];
	v3 =	vadd.f32 v51, v3  }
0x213: {  	v8 =	vmul.f32 $1.131370830e+01, v8;
	v2 =	vld [tilespmem:s18+$0x6470]  }
0x214: {  	v5 =	vmul.f32 $1.131370830e+01, v5;
	[tilespmem:s21+$0xFFFFFF30] =	vst v3;
	v3 =	vld [tilespmem:s21+$0xFFFFFF40]  }
0x215: {  	[tilespmem:s21+$0x20] =	vst v1;
	v1 =	vadd.f32 v6, v8;
	v8 =	vld [tilespmem:s17+$0x6430]  }
0x216: {  	v5 =	vadd.f32 v55, v5;
	v53 =	vld [tilespmem:s24+$0x6430]  }
0x217: {  	v54 =	vld [tilespmem:s9+$0x6440]  }
0x218: {  	[tilespmem:s21+$0xFFFFFFC0] =	vst v5;
	v5 =	vld [tilespmem:s21+$0xFFFFFFD0]  }
0x219: {  	v58 =	vld [tilespmem:s11+$0x6450]  }
0x21a: {  	v6 =	vmul.f32 $1.131370830e+01, v50;
	[tilespmem:s21+$0x1A0] =	vst v1;
	v1 =	vld [tilespmem:s21+$0xB0];
	v0 =	vadd.f32 v2, v0  }
0x21b: {  	v7 =	vmul.f32 $1.131370830e+01, v7;
	v2 =	vmul.f32 $1.131370830e+01, v4;
	v4 =	vld [tilespmem:s21+$0x1B0]  }
0x21c: {  	[tilespmem:s21+$0x170] =	vst v0;
	v0 =	vld [tilespmem:s23+$0x6430];
	v6 =	vadd.f32 v8, v6  }
0x21d: {  	v3 =	vmul.f32 $1.131370830e+01, v3;
	v8 =	vld [tilespmem:s12+$0x6430];
	v7 =	vadd.f32 v53, v7  }
0x21e: {  	[tilespmem:s21+$0xFFFFFE30] =	vst v6;
	v6 =	vld [tilespmem:s21+$0xFFFFFE40]  }
0x21f: {  	v3 =	vadd.f32 v54, v3;
	[tilespmem:s21+$0x30] =	vst v7;
	v7 =	vld [tilespmem:s21+$0x40]  }
0x220: {  	v5 =	vmul.f32 $1.131370830e+01, v5;
	v56 =	vld [tilespmem:s24+$0x6440]  }
0x221: {  	[tilespmem:s21+$0xFFFFFF40] =	vst v3;
	v3 =	vld [tilespmem:s21+$0xFFFFFF50]  }
0x222: {  	v5 =	vadd.f32 v58, v5;
	v57 =	vld [tilespmem:s9+$0x6450]  }
0x223: {  	v0 =	vadd.f32 v0, v2;
	v2 =	vld [tilespmem:s20+$0x6430]  }
0x224: {  	v1 =	vmul.f32 $1.131370830e+01, v1;
	[tilespmem:s21+$0xFFFFFFD0] =	vst v5;
	v5 =	vld [tilespmem:s21+$0xFFFFFFE0]  }
0x225: {  	v61 =	vld [tilespmem:s11+$0x6460];
	v7 =	vmul.f32 $1.131370830e+01, v7  }
0x226: {  	v4 =	vmul.f32 $1.131370830e+01, v4;
	v1 =	vadd.f32 v8, v1;
	[tilespmem:s21+$0xFFFFFEB0] =	vst v0;
	v0 =	vld [tilespmem:s21+$0xFFFFFEC0]  }
0x227: {  	v8 =	vld [tilespmem:s23+$0x6440];
	v7 =	vadd.f32 v56, v7  }
0x228: {  	[tilespmem:s21+$0xB0] =	vst v1;
	v3 =	vmul.f32 $1.131370830e+01, v3;
	v2 =	vadd.f32 v2, v4;
	v4 =	vmul.f32 $1.131370830e+01, v6;
	v6 =	vld [tilespmem:s17+$0x6440]  }
0x229: {  	v1 =	vld [tilespmem:s21+$0xC0];
	[tilespmem:s21+$0x40] =	vst v7  }
0x22a: {  	v3 =	vadd.f32 v57, v3;
	[tilespmem:s21+$0x1B0] =	vst v2;
	v2 =	vld [tilespmem:s21+$0x1C0]  }
0x22b: {  	v0 =	vmul.f32 $1.131370830e+01, v0;
	v59 =	vld [tilespmem:s24+$0x6450]  }
0x22c: {  	[tilespmem:s21+$0xFFFFFF50] =	vst v3;
	v3 =	vld [tilespmem:s21+$0xFFFFFF60]  }
0x22d: {  	v0 =	vadd.f32 v8, v0;
	v4 =	vadd.f32 v6, v4;
	v6 =	vld [tilespmem:s12+$0x6440]  }
0x22e: {  	v8 =	vld [tilespmem:s20+$0x6440]  }
0x22f: {  	[tilespmem:s21+$0xFFFFFEC0] =	vst v0;
	v0 =	vld [tilespmem:s21+$0xFFFFFED0]  }
0x230: {  	v1 =	vmul.f32 $1.131370830e+01, v1;
	[tilespmem:s21+$0xFFFFFE40] =	vst v4;
	v4 =	vld [tilespmem:s21+$0xFFFFFE50]  }
0x231: {  	v2 =	vmul.f32 $1.131370830e+01, v2;
	v7 =	vld [tilespmem:s17+$0x6450]  }
0x232: {  	v1 =	vadd.f32 v6, v1;
	v6 =	vld [tilespmem:s21+$0x50]  }
0x233: {  	v2 =	vadd.f32 v8, v2;
	v8 =	vld [tilespmem:s23+$0x6450]  }
0x234: {  	v60 =	vld [tilespmem:s9+$0x6460]  }
0x235: {  	v4 =	vmul.f32 $1.131370830e+01, v4;
	[tilespmem:s21+$0xC0] =	vst v1;
	v1 =	vld [tilespmem:s21+$0xD0]  }
0x236: {  	v0 =	vmul.f32 $1.131370830e+01, v0;
	[tilespmem:s21+$0x1C0] =	vst v2;
	v2 =	vld [tilespmem:s21+$0x1D0]  }
0x237: {  	v4 =	vadd.f32 v7, v4;
	v7 =	vld [tilespmem:s12+$0x6450];
	v6 =	vmul.f32 $1.131370830e+01, v6  }
0x238: {  	v0 =	vadd.f32 v8, v0;
	v8 =	vld [tilespmem:s20+$0x6450]  }
0x239: {  	[tilespmem:s21+$0xFFFFFE50] =	vst v4;
	v4 =	vld [tilespmem:s21+$0xFFFFFE60];
	v6 =	vadd.f32 v59, v6  }
0x23a: {  	[tilespmem:s21+$0xFFFFFED0] =	vst v0;
	v0 =	vld [tilespmem:s21+$0xFFFFFEE0];
	v1 =	vmul.f32 $1.131370830e+01, v1  }
0x23b: {  	v2 =	vmul.f32 $1.131370830e+01, v2;
	[tilespmem:s21+$0x50] =	vst v6;
	v6 =	vld [tilespmem:s21+$0x60]  }
0x23c: {  	v1 =	vadd.f32 v7, v1;
	v7 =	vld [tilespmem:s17+$0x6460]  }
0x23d: {  	v2 =	vadd.f32 v8, v2;
	v8 =	vld [tilespmem:s23+$0x6460]  }
0x23e: {  	v62 =	vld [tilespmem:s24+$0x6460]  }
0x23f: {  	v4 =	vmul.f32 $1.131370830e+01, v4;
	[tilespmem:s21+$0xD0] =	vst v1;
	v1 =	vld [tilespmem:s21+$0xE0]  }
0x240: {  	v0 =	vmul.f32 $1.131370830e+01, v0;
	[tilespmem:s21+$0x1D0] =	vst v2;
	v2 =	vld [tilespmem:s21+$0x1E0]  }
0x241: {  	v4 =	vadd.f32 v7, v4;
	v7 =	vld [tilespmem:s12+$0x6460]  }
0x242: {  	v3 =	vmul.f32 $1.131370830e+01, v3;
	v0 =	vadd.f32 v8, v0;
	v8 =	vld [tilespmem:s20+$0x6460]  }
0x243: {  	v5 =	vmul.f32 $1.131370830e+01, v5;
	[tilespmem:s21+$0xFFFFFE60] =	vst v4;
	v4 =	vld [tilespmem:s21+$0xFFFFFE70]  }
0x244: {  	s15 =	sadd.s32 $0x8, s15;
	v63 =	vld [tilespmem:s21+$0xFFFFFF70];
	v3 =	vadd.f32 v60, v3;
	v6 =	vmul.f32 $1.131370830e+01, v6  }
0x245: {  	p0 =	slt.u32 s15, $0x78;
	v5 =	vadd.f32 v61, v5;
	v1 =	vmul.f32 $1.131370830e+01, v1;
	[tilespmem:s21+$0xFFFFFEE0] =	vst v0;
	v0 =	vld [tilespmem:s21+$0xFFFFFEF0]  }
.Ltmp3:
0x246: {  	[tilespmem:s21+$0xFFFFFF60] =	vst v3;
	v3 =	vld [tilespmem:s21+$0xFFFFFFF0];
	v2 =	vmul.f32 $1.131370830e+01, v2;
	v6 =	vadd.f32 v62, v6;
	(pc) =	sbr.rel @p0 .LBB2_5-.Ltmp3, $4  }
0x247: {  	[tilespmem:s21+$0xFFFFFFE0] =	vst v5;
	v5 =	vadd.f32 v7, v1;
	v1 =	vld [tilespmem:s21+$0x70]  }
0x248: {  	[tilespmem:s21+$0x60] =	vst v6;
	v7 =	vadd.f32 v8, v2;
	v2 =	vmul.f32 $1.131370830e+01, v4;
	v4 =	vld [tilespmem:s21+$0xF0]  }
0x249: {  	[tilespmem:s21+$0xE0] =	vst v5;
	v5 =	vld [tilespmem:s21+$0x1F0]  }
0x24a: {  	s16 =	smov.u32 s21;
	v6 =	vmul.f32 $1.131370830e+01, v0;
	[tilespmem:s21+$0x1E0] =	vst v7;
	v7 =	vld [tilespmem:s17+$0x6470];
	v0 =	vmul.f32 $1.131370830e+01, v63  }
0x24b: {  	v8 =	vld [tilespmem:s23+$0x6470]  }
0x24c: {  	v9 =	vld [tilespmem:s9+$0x6470]  }
0x24d: {  	v10 =	vld [tilespmem:s11+$0x6470]  }
0x24e: {  	v11 =	vld [tilespmem:s24+$0x6470]  }
0x24f: {  	v2 =	vadd.f32 v7, v2;
	v7 =	vld [tilespmem:s12+$0x6470]  }
0x250: {  	v3 =	vmul.f32 $1.131370830e+01, v3;
	v6 =	vadd.f32 v8, v6;
	v8 =	vld [tilespmem:s20+$0x6470]  }
0x251: {  	v1 =	vmul.f32 $1.131370830e+01, v1;
	v0 =	vadd.f32 v9, v0;
	[tilespmem:s16+$0xFFFFFE70] =	vst v2  }
0x252: {  	v3 =	vadd.f32 v10, v3;
	v2 =	vmul.f32 $1.131370830e+01, v4;
	[tilespmem:s16+$0xFFFFFEF0] =	vst v6  }
0x253: {  	v4 =	vmul.f32 $1.131370830e+01, v5;
	[tilespmem:s16+$0xFFFFFF70] =	vst v0;
	v0 =	vadd.f32 v11, v1  }
0x254: {  	[tilespmem:s16+$0xFFFFFFF0] =	vst v3;
	v1 =	vadd.f32 v7, v2  }
0x255: {  	s4 =	sadd.s32 s5, s13;
	[tilespmem:s16+$0x70] =	vst v0;
	v0 =	vadd.f32 v8, v4  }
0x256: {  	s21 =	simm.s32 $0x10800;
	s4 =	sshll.u32 s4, $0x4;
	[tilespmem:s16+$0xF0] =	vst v1  }
0x257: {  	p0 =	seq.s32 s10, $0x31;
	s4 =	sadd.s32 s3, s4;
	s20 =	simm.s32 $0x0;
	[tilespmem:s16+$0x1F0] =	vst v0  }
0x258: {  	[hbm4b:s4+s20] =	stream.linear.scatter [tilespmem:s21], [sflag:$0x6], $0x4000, $0x38;
	[tilespmem:$0x1C800] =	vst v63  }
0x259: {  	s4 =	simm.s32 @!p0 $0x5  }
0x25a: {  	s23 =	simm.s32 $0x3;
	_ =	swait.ge @!p0 [sflag:s4], $0x4000  }
0x25b: {  	s9 =	simm.s32 @!p0 $0x80;
	s20 =	sshrl.u32 @!p0 s7, $0x2;
	[sflag:s4] =	ssyncset.done @!p0 $0x0  }
0x25c: {  	s11 =	simm.s32 @!p0 $0xC800;
	[sflag:s4] =	ssyncadd.s32 @!p0 $0xFFFFC000;
	s4 =	sadd.s32 @!p0 $0x200, s20  }
0x25d: {  	[tilespmem:s11], [sflag:$0x1] =	stream.indirect.gather @!p0 [hbm4b:s6+s9], $0x80, s4, s9, $0xb8;
	[tilespmem:$0x1C800] =	vst v63  }
0x25e: {  	_ =	swait.ge [sflag:s23], $0x4000  }
0x25f: {  	[sflag:s23] =	ssyncset.done $0x0  }
0x260: {  	[sflag:s23] =	ssyncadd.s32 $0xFFFFC000;
	s23 =	simm.s32 $0x14A00  }
0x261: {  	v0 =	vld [tilespmem:s23+$0x100]  }
0x262: {  	v1 =	vld [tilespmem:s23+$0xFFFFFE00]  }
0x263: {  	v3 =	vld [tilespmem:s23+$0xFFFFFE80]  }
0x264: {  	s22 =	smov.u32 s3;
	s24 =	rddreg [dreg:$0x9];
	v4 =	vld [tilespmem:s23+$0xFFFFFF00]  }
0x265: {  	s3 =	smov.u32 s6;
	s11 =	simm.s32 $0xFFFF9B80;
	s26 =	rddreg [dreg:$0xa];
	v5 =	vld [tilespmem:s23+$0xFFFFFF80]  }
0x266: {  	s9 =	simm.s32 $0xFFFF9880;
	s4 =	sadd.s32 $0xFFFFFFF8, s24;
	s21 =	sadd.s32 s28, s26;
	v6 =	vld [tilespmem:s23+$0x0]  }
0x267: {  	s6 =	sadd.s32 $0x10E, s4;
	s12 =	sadd.s32 $0x108, s4;
	s13 =	sadd.s32 $0x109, s4;
	v7 =	vld [tilespmem:s23+$0x80]  }
0x268: {  	s16 =	sadd.s32 $0x10A, s4;
	s17 =	sadd.s32 $0x10B, s4;
	s18 =	sadd.s32 $0x10C, s4;
	v25 =	vld [tilespmem:s23+$0xFFFFFF90]  }
0x269: {  	s26 =	sadd.s32 $0x10D, s4;
	v30 =	vld [tilespmem:s23+$0xFFFFFEA0];
	p1 =	sgt.u32 s6, $0xC7;
	p3 =	sgt.u32 s12, $0xC7  }
0x26a: {  	v43 =	vld [tilespmem:s23+$0xFFFFFE40];
	p4 =	sgt.u32 s13, $0xC7;
	p5 =	sgt.u32 s16, $0xC7;
	p2 =	sgt.u32 s17, $0xC7  }
0x26b: {  	v55 =	vld [tilespmem:s23+$0xFFFFFE60];
	s12 =	simm.s32 $0xFFFF9980;
	s13 =	simm.s32 $0xFFFF9A00;
	s11 =	simm.s32 @!p1 $0xFFFFFF80  }
0x26c: {  	v62 =	vld [tilespmem:s23+$0xFFFFFEF0];
	s17 =	simm.s32 $0xFFFF9A80;
	s9 =	simm.s32 @!p3 $0xFFFFFC80;
	s15 =	sadd.s32 s11, s21  }
0x26d: {  	s13 =	simm.s32 @!p2 $0xFFFFFE00;
	s11 =	simm.s32 $0xFFFF9900;
	s19 =	sadd.s32 s9, s21;
	v2 =	vld [tilespmem:s15+$0x6400]  }
0x26e: {  	p1 =	sgt.u32 s18, $0xC7;
	s24 =	sadd.s32 s13, s21;
	s11 =	simm.s32 @!p4 $0xFFFFFD00;
	v21 =	vld [tilespmem:s19+$0x6400]  }
0x26f: {  	s12 =	simm.s32 @!p5 $0xFFFFFD80;
	s17 =	simm.s32 @!p1 $0xFFFFFE80;
	v12 =	vld [tilespmem:s24+$0x6400];
	s9 =	sadd.s32 s11, s21  }
0x270: {  	p1 =	sgt.u32 s26, $0xC7;
	s13 =	simm.s32 $0xFFFF9B00;
	s11 =	sadd.s32 s12, s21;
	v22 =	vld [tilespmem:s9+$0x6400]  }
0x271: {  	s13 =	simm.s32 @!p1 $0xFFFFFF00;
	v0 =	vmul.f32 $1.131370830e+01, v0;
	s12 =	sadd.s32 s17, s21;
	v23 =	vld [tilespmem:s11+$0x6400]  }
0x272: {  	v1 =	vmul.f32 $1.131370830e+01, v1;
	s13 =	sadd.s32 s13, s21;
	v13 =	vld [tilespmem:s12+$0x6400]  }
0x273: {  	s4 =	sadd.s32 $0x10F, s4;
	v24 =	vld [tilespmem:s13+$0x6400];
	v0 =	vadd.f32 v2, v0  }
0x274: {  	p1 =	sgt.u32 s4, $0xC7;
	s4 =	sadd.s32 $0xFFFF9C00, s21;
	v3 =	vmul.f32 $1.131370830e+01, v3;
	v4 =	vmul.f32 $1.131370830e+01, v4;
	v2 =	vld [tilespmem:s23+$0x110];
	v1 =	vadd.f32 v21, v1  }
0x275: {  	s21 =	smov.u32 @p1 s4;
	[tilespmem:s23+$0x100] =	vst v0;
	v0 =	vld [tilespmem:s23+$0x180]  }
0x276: {  	v6 =	vmul.f32 $1.131370830e+01, v6;
	v3 =	vadd.f32 v22, v3;
	[tilespmem:s23+$0xFFFFFE00] =	vst v1;
	v1 =	vadd.f32 v23, v4;
	v4 =	vld [tilespmem:s21+$0x6400]  }
0x277: {  	v8 =	vld [tilespmem:s15+$0x6410]  }
0x278: {  	v7 =	vmul.f32 $1.131370830e+01, v7;
	v6 =	vadd.f32 v13, v6;
	[tilespmem:s23+$0xFFFFFE80] =	vst v3;
	v3 =	vld [tilespmem:s23+$0xFFFFFE10]  }
0x279: {  	[tilespmem:s23+$0xFFFFFF00] =	vst v1;
	v1 =	vld [tilespmem:s23+$0xFFFFFE90]  }
0x27a: {  	[tilespmem:s23+$0x0] =	vst v6;
	v6 =	vadd.f32 v24, v7;
	v7 =	vld [tilespmem:s23+$0x130];
	v2 =	vmul.f32 $1.131370830e+01, v2  }
0x27b: {  	v26 =	vld [tilespmem:s9+$0x6410]  }
0x27c: {  	v27 =	vld [tilespmem:s11+$0x6410];
	v0 =	vmul.f32 $1.131370830e+01, v0;
	v2 =	vadd.f32 v8, v2  }
0x27d: {  	[tilespmem:s23+$0x80] =	vst v6;
	v6 =	vld [tilespmem:s23+$0x190]  }
0x27e: {  	v8 =	vld [tilespmem:s23+$0x120];
	v0 =	vadd.f32 v4, v0;
	v1 =	vmul.f32 $1.131370830e+01, v1;
	[tilespmem:s23+$0x110] =	vst v2  }
0x27f: {  	v2 =	vmul.f32 $1.131370830e+01, v5;
	v5 =	vld [tilespmem:s15+$0x6420]  }
0x280: {  	[tilespmem:s23+$0x180] =	vst v0;
	v0 =	vld [tilespmem:s23+$0x90];
	v1 =	vadd.f32 v26, v1  }
0x281: {  	v29 =	vld [tilespmem:s13+$0x6410];
	v2 =	vadd.f32 v12, v2  }
0x282: {  	v4 =	vld [tilespmem:s23+$0x10];
	[tilespmem:s23+$0xFFFFFE90] =	vst v1  }
0x283: {  	v8 =	vmul.f32 $1.131370830e+01, v8;
	v1 =	vld [tilespmem:s23+$0xFFFFFE20];
	[tilespmem:s23+$0xFFFFFF80] =	vst v2  }
0x284: {  	v28 =	vld [tilespmem:s24+$0x6410]  }
0x285: {  	v5 =	vadd.f32 v5, v8;
	v8 =	vld [tilespmem:s19+$0x6410];
	v0 =	vmul.f32 $1.131370830e+01, v0  }
0x286: {  	v2 =	vld [tilespmem:s23+$0xFFFFFF10]  }
0x287: {  	v10 =	vmul.f32 $1.131370830e+01, v25;
	v32 =	vld [tilespmem:s9+$0x6420];
	[tilespmem:s23+$0x120] =	vst v5;
	v0 =	vadd.f32 v29, v0  }
0x288: {  	v3 =	vmul.f32 $1.131370830e+01, v3;
	v5 =	vld [tilespmem:s15+$0x6430]  }
0x289: {  	v10 =	vadd.f32 v28, v10;
	[tilespmem:s23+$0x90] =	vst v0;
	v0 =	vld [tilespmem:s23+$0x20]  }
0x28a: {  	v3 =	vadd.f32 v8, v3;
	v8 =	vld [tilespmem:s12+$0x6410]  }
0x28b: {  	v2 =	vmul.f32 $1.131370830e+01, v2;
	v36 =	vld [tilespmem:s13+$0x6420];
	[tilespmem:s23+$0xFFFFFF90] =	vst v10  }
0x28c: {  	v7 =	vmul.f32 $1.131370830e+01, v7;
	[tilespmem:s23+$0xFFFFFE10] =	vst v3;
	v3 =	vld [tilespmem:s21+$0x6410]  }
0x28d: {  	v2 =	vadd.f32 v27, v2;
	v34 =	vld [tilespmem:s24+$0x6420]  }
0x28e: {  	v5 =	vadd.f32 v5, v7;
	v7 =	vld [tilespmem:s23+$0x140]  }
0x28f: {  	v4 =	vmul.f32 $1.131370830e+01, v4;
	[tilespmem:s23+$0xFFFFFF10] =	vst v2;
	v31 =	vld [tilespmem:s19+$0x6420]  }
0x290: {  	v33 =	vld [tilespmem:s11+$0x6420]  }
0x291: {  	[tilespmem:s23+$0x130] =	vst v5;
	v2 =	vadd.f32 v8, v4;
	v8 =	vld [tilespmem:s23+$0xFFFFFF20]  }
0x292: {  	v6 =	vmul.f32 $1.131370830e+01, v6;
	v5 =	vld [tilespmem:s15+$0x6440]  }
0x293: {  	v1 =	vmul.f32 $1.131370830e+01, v1;
	v4 =	vld [tilespmem:s23+$0x150]  }
0x294: {  	[tilespmem:s23+$0x10] =	vst v2;
	v2 =	vadd.f32 v3, v6;
	v3 =	vld [tilespmem:s23+$0xFFFFFFA0]  }
0x295: {  	v6 =	vld [tilespmem:s23+$0x1A0];
	v7 =	vmul.f32 $1.131370830e+01, v7;
	v1 =	vadd.f32 v31, v1  }
0x296: {  	v35 =	vld [tilespmem:s12+$0x6420];
	[tilespmem:s23+$0x190] =	vst v2;
	v8 =	vmul.f32 $1.131370830e+01, v8  }
0x297: {  	v2 =	vld [tilespmem:s23+$0xA0];
	[tilespmem:s23+$0xFFFFFE20] =	vst v1;
	v5 =	vadd.f32 v5, v7;
	v7 =	vmul.f32 $1.131370830e+01, v30  }
0x298: {  	v1 =	vadd.f32 v33, v8;
	v8 =	vld [tilespmem:s19+$0x6430]  }
0x299: {  	[tilespmem:s23+$0x140] =	vst v5;
	v5 =	vadd.f32 v32, v7;
	v7 =	vld [tilespmem:s21+$0x6420]  }
0x29a: {  	v3 =	vmul.f32 $1.131370830e+01, v3;
	v37 =	vld [tilespmem:s15+$0x6450]  }
0x29b: {  	v0 =	vmul.f32 $1.131370830e+01, v0;
	[tilespmem:s23+$0xFFFFFF20] =	vst v1;
	v1 =	vld [tilespmem:s23+$0xFFFFFEB0]  }
0x29c: {  	v3 =	vadd.f32 v34, v3;
	[tilespmem:s23+$0xFFFFFEA0] =	vst v5;
	v5 =	vld [tilespmem:s23+$0xFFFFFE30]  }
0x29d: {  	v0 =	vadd.f32 v35, v0;
	v39 =	vld [tilespmem:s11+$0x6430]  }
0x29e: {  	[tilespmem:s23+$0xFFFFFFA0] =	vst v3;
	v3 =	vld [tilespmem:s23+$0xFFFFFF30]  }
0x29f: {  	v2 =	vmul.f32 $1.131370830e+01, v2;
	[tilespmem:s23+$0x20] =	vst v0;
	v38 =	vld [tilespmem:s9+$0x6430]  }
0x2a0: {  	v6 =	vmul.f32 $1.131370830e+01, v6;
	v41 =	vld [tilespmem:s12+$0x6430]  }
0x2a1: {  	v2 =	vadd.f32 v36, v2;
	v40 =	vld [tilespmem:s24+$0x6430]  }
0x2a2: {  	v0 =	vadd.f32 v7, v6;
	v6 =	vld [tilespmem:s23+$0xFFFFFFB0]  }
0x2a3: {  	v4 =	vmul.f32 $1.131370830e+01, v4;
	[tilespmem:s23+$0xA0] =	vst v2;
	v2 =	vld [tilespmem:s23+$0x30]  }
0x2a4: {  	v7 =	vld [tilespmem:s23+$0x1B0];
	v1 =	vmul.f32 $1.131370830e+01, v1  }
0x2a5: {  	v4 =	vadd.f32 v37, v4;
	[tilespmem:s23+$0x1A0] =	vst v0;
	v0 =	vld [tilespmem:s23+$0xB0];
	v5 =	vmul.f32 $1.131370830e+01, v5  }
0x2a6: {  	v1 =	vadd.f32 v38, v1;
	v42 =	vld [tilespmem:s21+$0x6430]  }
0x2a7: {  	[tilespmem:s23+$0x150] =	vst v4;
	v5 =	vadd.f32 v8, v5;
	v8 =	vld [tilespmem:s13+$0x6430]  }
0x2a8: {  	v3 =	vmul.f32 $1.131370830e+01, v3;
	v49 =	vld [tilespmem:s15+$0x6460];
	[tilespmem:s23+$0xFFFFFEB0] =	vst v1  }
0x2a9: {  	v6 =	vmul.f32 $1.131370830e+01, v6;
	[tilespmem:s23+$0xFFFFFE30] =	vst v5;
	v5 =	vld [tilespmem:s23+$0x160]  }
0x2aa: {  	v3 =	vadd.f32 v39, v3;
	v44 =	vld [tilespmem:s9+$0x6440]  }
0x2ab: {  	v2 =	vmul.f32 $1.131370830e+01, v2;
	v1 =	vadd.f32 v40, v6;
	v6 =	vmul.f32 $1.131370830e+01, v7;
	v7 =	vld [tilespmem:s23+$0xFFFFFEC0]  }
0x2ac: {  	[tilespmem:s23+$0xFFFFFF30] =	vst v3;
	v3 =	vld [tilespmem:s23+$0xFFFFFF40]  }
0x2ad: {  	v2 =	vadd.f32 v41, v2;
	v45 =	vld [tilespmem:s11+$0x6440]  }
0x2ae: {  	v0 =	vmul.f32 $1.131370830e+01, v0;
	[tilespmem:s23+$0xFFFFFFB0] =	vst v1;
	v1 =	vld [tilespmem:s23+$0xFFFFFFC0]  }
0x2af: {  	[tilespmem:s23+$0x30] =	vst v2;
	v2 =	vadd.f32 v42, v6;
	v6 =	vld [tilespmem:s23+$0x40]  }
0x2b0: {  	v0 =	vadd.f32 v8, v0;
	v8 =	vld [tilespmem:s19+$0x6440]  }
0x2b1: {  	v46 =	vld [tilespmem:s24+$0x6440]  }
0x2b2: {  	v47 =	vld [tilespmem:s12+$0x6440]  }
0x2b3: {  	v11 =	vmul.f32 $1.131370830e+01, v43;
	[tilespmem:s23+$0xB0] =	vst v0;
	v0 =	vld [tilespmem:s23+$0xC0]  }
0x2b4: {  	[tilespmem:s23+$0x1B0] =	vst v2;
	v2 =	vld [tilespmem:s23+$0x1C0];
	v7 =	vmul.f32 $1.131370830e+01, v7  }
0x2b5: {  	v3 =	vmul.f32 $1.131370830e+01, v3;
	v48 =	vld [tilespmem:s13+$0x6440];
	v8 =	vadd.f32 v8, v11  }
0x2b6: {  	v4 =	vadd.f32 v44, v7;
	v7 =	vld [tilespmem:s21+$0x6440]  }
0x2b7: {  	v6 =	vmul.f32 $1.131370830e+01, v6;
	v3 =	vadd.f32 v45, v3;
	[tilespmem:s23+$0xFFFFFE40] =	vst v8;
	v8 =	vld [tilespmem:s23+$0xFFFFFE50]  }
0x2b8: {  	v1 =	vmul.f32 $1.131370830e+01, v1;
	[tilespmem:s23+$0xFFFFFEC0] =	vst v4;
	v4 =	vld [tilespmem:s23+$0xFFFFFED0]  }
0x2b9: {  	[tilespmem:s23+$0xFFFFFF40] =	vst v3;
	v3 =	vadd.f32 v47, v6;
	v6 =	vld [tilespmem:s23+$0xFFFFFF50]  }
0x2ba: {  	v1 =	vadd.f32 v46, v1;
	v50 =	vld [tilespmem:s9+$0x6450]  }
0x2bb: {  	v51 =	vld [tilespmem:s11+$0x6450]  }
0x2bc: {  	v2 =	vmul.f32 $1.131370830e+01, v2;
	[tilespmem:s23+$0xFFFFFFC0] =	vst v1;
	v1 =	vld [tilespmem:s23+$0xFFFFFFD0]  }
0x2bd: {  	v0 =	vmul.f32 $1.131370830e+01, v0;
	[tilespmem:s23+$0x40] =	vst v3;
	v3 =	vld [tilespmem:s23+$0x50]  }
0x2be: {  	v2 =	vadd.f32 v7, v2;
	v7 =	vld [tilespmem:s19+$0x6450]  }
0x2bf: {  	v0 =	vadd.f32 v48, v0;
	v52 =	vld [tilespmem:s24+$0x6450]  }
0x2c0: {  	v53 =	vld [tilespmem:s12+$0x6450]  }
0x2c1: {  	[tilespmem:s23+$0xC0] =	vst v0;
	v0 =	vld [tilespmem:s23+$0xD0];
	v4 =	vmul.f32 $1.131370830e+01, v4  }
0x2c2: {  	[tilespmem:s23+$0x1C0] =	vst v2;
	v2 =	vld [tilespmem:s23+$0x1D0];
	v8 =	vmul.f32 $1.131370830e+01, v8;
	v6 =	vmul.f32 $1.131370830e+01, v6  }
0x2c3: {  	v54 =	vld [tilespmem:s21+$0x6450];
	v4 =	vadd.f32 v50, v4  }
0x2c4: {  	v6 =	vadd.f32 v51, v6;
	v7 =	vadd.f32 v7, v8;
	v8 =	vld [tilespmem:s13+$0x6450]  }
0x2c5: {  	[tilespmem:s23+$0xFFFFFED0] =	vst v4;
	v4 =	vld [tilespmem:s23+$0xFFFFFEE0]  }
0x2c6: {  	v1 =	vmul.f32 $1.131370830e+01, v1;
	[tilespmem:s23+$0xFFFFFF50] =	vst v6;
	v6 =	vld [tilespmem:s23+$0xFFFFFF60]  }
0x2c7: {  	v3 =	vmul.f32 $1.131370830e+01, v3;
	[tilespmem:s23+$0xFFFFFE50] =	vst v7;
	v7 =	vld [tilespmem:s23+$0x170]  }
0x2c8: {  	v1 =	vadd.f32 v52, v1;
	v56 =	vld [tilespmem:s9+$0x6460]  }
0x2c9: {  	v3 =	vadd.f32 v53, v3;
	v57 =	vld [tilespmem:s11+$0x6460]  }
0x2ca: {  	[tilespmem:s23+$0xFFFFFFD0] =	vst v1;
	v1 =	vld [tilespmem:s23+$0xFFFFFFE0]  }
0x2cb: {  	v0 =	vmul.f32 $1.131370830e+01, v0;
	[tilespmem:s23+$0x50] =	vst v3;
	v3 =	vld [tilespmem:s23+$0x60]  }
0x2cc: {  	v2 =	vmul.f32 $1.131370830e+01, v2;
	v58 =	vld [tilespmem:s24+$0x6460]  }
0x2cd: {  	v59 =	vld [tilespmem:s12+$0x6460];
	v0 =	vadd.f32 v8, v0  }
0x2ce: {  	v5 =	vmul.f32 $1.131370830e+01, v5;
	v2 =	vadd.f32 v54, v2;
	v8 =	vld [tilespmem:s19+$0x6460]  }
0x2cf: {  	v4 =	vmul.f32 $1.131370830e+01, v4;
	[tilespmem:s23+$0xD0] =	vst v0;
	v0 =	vld [tilespmem:s23+$0xE0]  }
0x2d0: {  	v5 =	vadd.f32 v49, v5;
	[tilespmem:s23+$0x1D0] =	vst v2;
	v2 =	vld [tilespmem:s23+$0x1E0];
	v6 =	vmul.f32 $1.131370830e+01, v6  }
0x2d1: {  	v11 =	vmul.f32 $1.131370830e+01, v55;
	v60 =	vld [tilespmem:s13+$0x6460];
	v4 =	vadd.f32 v56, v4  }
0x2d2: {  	[tilespmem:s23+$0x160] =	vst v5;
	v5 =	vld [tilespmem:s21+$0x6460];
	v1 =	vmul.f32 $1.131370830e+01, v1;
	v6 =	vadd.f32 v57, v6  }
0x2d3: {  	v61 =	vld [tilespmem:s15+$0x6470];
	v3 =	vmul.f32 $1.131370830e+01, v3;
	v8 =	vadd.f32 v8, v11;
	[tilespmem:s23+$0xFFFFFEE0] =	vst v4  }
0x2d4: {  	v63 =	vld [tilespmem:s23+$0xFFFFFF70];
	v1 =	vadd.f32 v58, v1;
	[tilespmem:s23+$0xFFFFFF60] =	vst v6;
	v0 =	vmul.f32 $1.131370830e+01, v0  }
0x2d5: {  	v3 =	vadd.f32 v59, v3;
	v2 =	vmul.f32 $1.131370830e+01, v2;
	[tilespmem:s23+$0xFFFFFE60] =	vst v8;
	v8 =	vld [tilespmem:s23+$0xFFFFFE70]  }
0x2d6: {  	v6 =	vmul.f32 $1.131370830e+01, v7;
	v4 =	vld [tilespmem:s23+$0xFFFFFFF0];
	[tilespmem:s23+$0xFFFFFFE0] =	vst v1;
	v0 =	vadd.f32 v60, v0  }
0x2d7: {  	[tilespmem:s23+$0x60] =	vst v3;
	v1 =	vld [tilespmem:s23+$0x70];
	v2 =	vadd.f32 v5, v2  }
0x2d8: {  	v3 =	vld [tilespmem:s23+$0x1F0];
	[tilespmem:s23+$0xE0] =	vst v0;
	v0 =	vadd.f32 v61, v6  }
0x2d9: {  	s8 =	sor.u32 $0x100, s8;
	v5 =	vld [tilespmem:s23+$0xF0];
	[tilespmem:s23+$0x1E0] =	vst v2;
	v6 =	vmul.f32 $1.131370830e+01, v62  }
0x2da: {  	s16 =	simm.s32 $0x14A00;
	s26 =	smov.u32 s28;
	s15 =	simm.s32 $0x0;
	v7 =	vld [tilespmem:s19+$0x6470];
	v2 =	vmul.f32 $1.131370830e+01, v8;
	[tilespmem:s23+$0x170] =	vst v0;
	v0 =	vmul.f32 $1.131370830e+01, v63  }
.LBB2_7:
0x2db: {  	v8 =	vld [tilespmem:s9+$0x6470]  }
0x2dc: {  	v9 =	vld [tilespmem:s11+$0x6470]  }
0x2dd: {  	v10 =	vld [tilespmem:s24+$0x6470]  }
0x2de: {  	s4 =	rddreg [dreg:$0x9];
	v11 =	vld [tilespmem:s12+$0x6470];
	s23 =	sadd.s32 $0x400, s23  }
0x2df: {  	s6 =	smov.u32 s15;
	s11 =	rddreg [dreg:$0xa];
	v12 =	vld [tilespmem:s23+$0x100]  }
0x2e0: {  	s26 =	sadd.s32 $0x400, s26;
	s9 =	simm.s32 $0xFFFF9880;
	s4 =	sadd.s32 s6, s4;
	v43 =	vld [tilespmem:s23+$0xFFFFFE20]  }
0x2e1: {  	v49 =	vld [tilespmem:s23+$0xFFFFFE30];
	s12 =	sadd.s32 $0x108, s4;
	s24 =	sadd.s32 $0x109, s4;
	s17 =	sadd.s32 $0x10E, s4  }
0x2e2: {  	s6 =	sadd.s32 $0x10B, s4;
	p2 =	sgt.u32 s17, $0xC7;
	v2 =	vadd.f32 v7, v2;
	v7 =	vld [tilespmem:s13+$0x6470];
	s13 =	simm.s32 $0xFFFF9B80  }
0x2e3: {  	s19 =	sadd.s32 $0x10C, s4;
	v6 =	vadd.f32 v8, v6;
	v8 =	vld [tilespmem:s21+$0x6470];
	s21 =	sadd.s32 s26, s11;
	s13 =	simm.s32 @!p2 $0xFFFFFF80  }
0x2e4: {  	s17 =	sadd.s32 $0x10A, s4;
	p3 =	sgt.u32 s12, $0xC7;
	v1 =	vmul.f32 $1.131370830e+01, v1;
	v0 =	vadd.f32 v9, v0;
	[tilespmem:s16+$0xFFFFFE70] =	vst v2;
	v2 =	vld [tilespmem:s23+$0xFFFFFE00];
	s18 =	sadd.s32 s13, s21  }
0x2e5: {  	p5 =	sgt.u32 s6, $0xC7;
	s12 =	simm.s32 $0xFFFF9980;
	s9 =	simm.s32 @!p3 $0xFFFFFC80;
	[tilespmem:s16+$0xFFFFFEF0] =	vst v6;
	v6 =	vld [tilespmem:s18+$0x6400]  }
0x2e6: {  	v4 =	vmul.f32 $1.131370830e+01, v4;
	p2 =	sgt.u32 s24, $0xC7;
	s11 =	simm.s32 $0xFFFF9900;
	s6 =	sadd.s32 s9, s21;
	[tilespmem:s16+$0xFFFFFF70] =	vst v0;
	v0 =	vadd.f32 v11, v1;
	v1 =	vld [tilespmem:s23+$0xFFFFFE80]  }
0x2e7: {  	p6 =	sgt.u32 s17, $0xC7;
	s24 =	sadd.s32 $0x10D, s4;
	s11 =	simm.s32 @!p2 $0xFFFFFD00;
	v33 =	vld [tilespmem:s6+$0x6400]  }
0x2e8: {  	s4 =	sadd.s32 $0x10F, s4;
	s12 =	simm.s32 @!p6 $0xFFFFFD80;
	s9 =	sadd.s32 s11, s21;
	v62 =	vld [tilespmem:s23+$0xFFFFFE70]  }
0x2e9: {  	v5 =	vmul.f32 $1.131370830e+01, v5;
	v4 =	vadd.f32 v10, v4;
	p2 =	sgt.u32 s4, $0xC7;
	s4 =	simm.s32 $0xFFFF9A00;
	s11 =	sadd.s32 s12, s21;
	v34 =	vld [tilespmem:s9+$0x6400]  }
0x2ea: {  	p4 =	sgt.u32 s19, $0xC7;
	s4 =	simm.s32 @!p5 $0xFFFFFE00;
	v35 =	vld [tilespmem:s11+$0x6400]  }
0x2eb: {  	v3 =	vmul.f32 $1.131370830e+01, v3;
	p3 =	sgt.u32 s24, $0xC7;
	s13 =	simm.s32 $0xFFFF9A80;
	[tilespmem:s16+$0xFFFFFFF0] =	vst v4;
	s24 =	sadd.s32 s4, s21;
	v4 =	vadd.f32 v7, v5;
	v5 =	vld [tilespmem:s23+$0xFFFFFF00]  }
0x2ec: {  	s13 =	simm.s32 @!p4 $0xFFFFFE80;
	v36 =	vld [tilespmem:s24+$0x6400]  }
0x2ed: {  	s12 =	sadd.s32 s13, s21;
	[tilespmem:s16+$0x70] =	vst v0;
	v0 =	vadd.f32 v8, v3;
	v3 =	vld [tilespmem:s23+$0xFFFFFF80]  }
0x2ee: {  	v7 =	vmul.f32 $1.131370830e+01, v12;
	v13 =	vld [tilespmem:s12+$0x6400]  }
0x2ef: {  	[tilespmem:s16+$0xF0] =	vst v4;
	v4 =	vld [tilespmem:s23+$0x0]  }
0x2f0: {  	v2 =	vmul.f32 $1.131370830e+01, v2;
	[tilespmem:s16+$0x1F0] =	vst v0;
	v0 =	vld [tilespmem:s23+$0x80];
	v6 =	vadd.f32 v6, v7  }
0x2f1: {  	s16 =	simm.s32 $0xFFFF9B00;
	v7 =	vld [tilespmem:s23+$0x110]  }
0x2f2: {  	v1 =	vmul.f32 $1.131370830e+01, v1;
	s16 =	simm.s32 @!p3 $0xFFFFFF00;
	v2 =	vadd.f32 v33, v2;
	[tilespmem:s23+$0x100] =	vst v6;
	v6 =	vld [tilespmem:s23+$0x180]  }
0x2f3: {  	v5 =	vmul.f32 $1.131370830e+01, v5;
	s13 =	sadd.s32 s16, s21;
	v8 =	vld [tilespmem:s18+$0x6410]  }
0x2f4: {  	s19 =	sadd.s32 $0xFFFF9C00, s21;
	v1 =	vadd.f32 v34, v1;
	v3 =	vmul.f32 $1.131370830e+01, v3;
	v37 =	vld [tilespmem:s13+$0x6400];
	[tilespmem:s23+$0xFFFFFE00] =	vst v2  }
0x2f5: {  	s21 =	smov.u32 @p2 s19;
	v4 =	vmul.f32 $1.131370830e+01, v4;
	v2 =	vadd.f32 v35, v5;
	v38 =	vld [tilespmem:s6+$0x6410]  }
0x2f6: {  	[tilespmem:s23+$0xFFFFFE80] =	vst v1;
	v7 =	vmul.f32 $1.131370830e+01, v7;
	v1 =	vadd.f32 v36, v3;
	v3 =	vld [tilespmem:s21+$0x6400]  }
0x2f7: {  	v39 =	vld [tilespmem:s9+$0x6410];
	[tilespmem:s23+$0xFFFFFF00] =	vst v2;
	v2 =	vadd.f32 v13, v4  }
0x2f8: {  	v4 =	vld [tilespmem:s23+$0xFFFFFE90];
	v7 =	vadd.f32 v8, v7  }
0x2f9: {  	v8 =	vld [tilespmem:s23+$0x120];
	[tilespmem:s23+$0x0] =	vst v2  }
0x2fa: {  	v2 =	vld [tilespmem:s23+$0xFFFFFF90];
	[tilespmem:s23+$0x110] =	vst v7  }
0x2fb: {  	[tilespmem:s23+$0xFFFFFF80] =	vst v1;
	v5 =	vld [tilespmem:s18+$0x6420]  }
0x2fc: {  	v0 =	vmul.f32 $1.131370830e+01, v0;
	v6 =	vmul.f32 $1.131370830e+01, v6;
	v41 =	vld [tilespmem:s24+$0x6410]  }
0x2fd: {  	v42 =	vld [tilespmem:s12+$0x6410]  }
0x2fe: {  	v0 =	vadd.f32 v37, v0;
	v3 =	vadd.f32 v3, v6;
	v6 =	vld [tilespmem:s23+$0x10];
	v1 =	vmul.f32 $1.131370830e+01, v8  }
0x2ff: {  	v7 =	vld [tilespmem:s23+$0xFFFFFE10]  }
0x300: {  	[tilespmem:s23+$0x80] =	vst v0;
	v0 =	vld [tilespmem:s23+$0x130];
	v1 =	vadd.f32 v5, v1  }
0x301: {  	v8 =	vld [tilespmem:s23+$0xFFFFFF10];
	v2 =	vmul.f32 $1.131370830e+01, v2  }
0x302: {  	v40 =	vld [tilespmem:s11+$0x6410];
	[tilespmem:s23+$0x120] =	vst v1  }
0x303: {  	v6 =	vmul.f32 $1.131370830e+01, v6;
	v2 =	vadd.f32 v41, v2;
	v1 =	vmul.f32 $1.131370830e+01, v4;
	v4 =	vld [tilespmem:s18+$0x6430]  }
0x304: {  	v5 =	vmul.f32 $1.131370830e+01, v7;
	v7 =	vld [tilespmem:s23+$0x90]  }
0x305: {  	[tilespmem:s23+$0xFFFFFF90] =	vst v2;
	v2 =	vadd.f32 v42, v6;
	v6 =	vld [tilespmem:s23+$0x150]  }
0x306: {  	[tilespmem:s23+$0x180] =	vst v3;
	v0 =	vmul.f32 $1.131370830e+01, v0;
	v3 =	vmul.f32 $1.131370830e+01, v8;
	v8 =	vld [tilespmem:s23+$0x190];
	v5 =	vadd.f32 v38, v5  }
0x307: {  	v47 =	vld [tilespmem:s24+$0x6420]  }
0x308: {  	[tilespmem:s23+$0xFFFFFE10] =	vst v5;
	v5 =	vld [tilespmem:s13+$0x6410];
	v0 =	vadd.f32 v4, v0  }
0x309: {  	[tilespmem:s23+$0x10] =	vst v2;
	v4 =	vmul.f32 $1.131370830e+01, v7;
	v7 =	vld [tilespmem:s23+$0x140]  }
0x30a: {  	v48 =	vld [tilespmem:s12+$0x6420];
	[tilespmem:s23+$0x130] =	vst v0  }
0x30b: {  	v0 =	vmul.f32 $1.131370830e+01, v8;
	v8 =	vld [tilespmem:s18+$0x6440]  }
0x30c: {  	v1 =	vadd.f32 v39, v1;
	v44 =	vld [tilespmem:s6+$0x6420]  }
0x30d: {  	v3 =	vadd.f32 v40, v3;
	v4 =	vadd.f32 v5, v4;
	v5 =	vld [tilespmem:s23+$0xFFFFFFA0]  }
0x30e: {  	[tilespmem:s23+$0xFFFFFE90] =	vst v1;
	v1 =	vmul.f32 $1.131370830e+01, v7;
	v7 =	vld [tilespmem:s21+$0x6410]  }
0x30f: {  	[tilespmem:s23+$0xFFFFFF10] =	vst v3;
	v3 =	vld [tilespmem:s23+$0xFFFFFEA0]  }
0x310: {  	v45 =	vld [tilespmem:s9+$0x6420];
	v1 =	vadd.f32 v8, v1  }
0x311: {  	v46 =	vld [tilespmem:s11+$0x6420]  }
0x312: {  	v5 =	vmul.f32 $1.131370830e+01, v5;
	v8 =	vld [tilespmem:s23+$0xFFFFFF20];
	[tilespmem:s23+$0x140] =	vst v1  }
0x313: {  	v2 =	vmul.f32 $1.131370830e+01, v43;
	v0 =	vadd.f32 v7, v0;
	v1 =	vld [tilespmem:s18+$0x6450]  }
0x314: {  	[tilespmem:s23+$0x90] =	vst v4;
	v4 =	vld [tilespmem:s23+$0x20];
	v5 =	vadd.f32 v47, v5  }
0x315: {  	v2 =	vadd.f32 v44, v2;
	v3 =	vmul.f32 $1.131370830e+01, v3;
	[tilespmem:s23+$0x190] =	vst v0;
	v0 =	vld [tilespmem:s23+$0xA0]  }
0x316: {  	v6 =	vmul.f32 $1.131370830e+01, v6;
	[tilespmem:s23+$0xFFFFFFA0] =	vst v5;
	v5 =	vld [tilespmem:s23+$0xFFFFFFB0]  }
0x317: {  	[tilespmem:s23+$0xFFFFFE20] =	vst v2;
	v2 =	vadd.f32 v45, v3;
	v3 =	vld [tilespmem:s13+$0x6420];
	v7 =	vmul.f32 $1.131370830e+01, v8  }
0x318: {  	v51 =	vld [tilespmem:s24+$0x6430];
	v1 =	vadd.f32 v1, v6  }
0x319: {  	[tilespmem:s23+$0xFFFFFEA0] =	vst v2;
	v2 =	vadd.f32 v46, v7;
	v7 =	vld [tilespmem:s23+$0x170]  }
0x31a: {  	v6 =	vld [tilespmem:s23+$0x160];
	v0 =	vmul.f32 $1.131370830e+01, v0;
	[tilespmem:s23+$0x150] =	vst v1  }
0x31b: {  	v5 =	vmul.f32 $1.131370830e+01, v5;
	v1 =	vld [tilespmem:s18+$0x6460]  }
0x31c: {  	v0 =	vadd.f32 v3, v0;
	v3 =	vld [tilespmem:s23+$0xFFFFFF30]  }
0x31d: {  	v8 =	vld [tilespmem:s23+$0x1A0];
	[tilespmem:s23+$0xFFFFFF20] =	vst v2;
	v5 =	vadd.f32 v51, v5  }
0x31e: {  	v50 =	vld [tilespmem:s11+$0x6430]  }
0x31f: {  	[tilespmem:s23+$0xFFFFFFB0] =	vst v5;
	v5 =	vld [tilespmem:s23+$0xFFFFFFC0];
	v6 =	vmul.f32 $1.131370830e+01, v6  }
0x320: {  	[tilespmem:s23+$0xA0] =	vst v0;
	v0 =	vmul.f32 $1.131370830e+01, v7;
	v7 =	vld [tilespmem:s23+$0x30]  }
0x321: {  	v4 =	vmul.f32 $1.131370830e+01, v4;
	v1 =	vadd.f32 v1, v6;
	v6 =	vld [tilespmem:s21+$0x6420];
	v3 =	vmul.f32 $1.131370830e+01, v3  }
0x322: {  	v54 =	vld [tilespmem:s24+$0x6440]  }
0x323: {  	[tilespmem:s23+$0x160] =	vst v1;
	v1 =	vadd.f32 v48, v4;
	v4 =	vld [tilespmem:s23+$0xFFFFFEB0];
	v3 =	vadd.f32 v50, v3  }
0x324: {  	v8 =	vmul.f32 $1.131370830e+01, v8;
	v2 =	vld [tilespmem:s18+$0x6470]  }
0x325: {  	v5 =	vmul.f32 $1.131370830e+01, v5;
	[tilespmem:s23+$0xFFFFFF30] =	vst v3;
	v3 =	vld [tilespmem:s23+$0xFFFFFF40]  }
0x326: {  	[tilespmem:s23+$0x20] =	vst v1;
	v1 =	vadd.f32 v6, v8;
	v8 =	vld [tilespmem:s6+$0x6430]  }
0x327: {  	v5 =	vadd.f32 v54, v5;
	v52 =	vld [tilespmem:s12+$0x6430]  }
0x328: {  	v53 =	vld [tilespmem:s11+$0x6440]  }
0x329: {  	[tilespmem:s23+$0xFFFFFFC0] =	vst v5;
	v5 =	vld [tilespmem:s23+$0xFFFFFFD0]  }
0x32a: {  	v57 =	vld [tilespmem:s24+$0x6450]  }
0x32b: {  	v6 =	vmul.f32 $1.131370830e+01, v49;
	[tilespmem:s23+$0x1A0] =	vst v1;
	v1 =	vld [tilespmem:s23+$0xB0];
	v0 =	vadd.f32 v2, v0  }
0x32c: {  	v7 =	vmul.f32 $1.131370830e+01, v7;
	v2 =	vmul.f32 $1.131370830e+01, v4;
	v4 =	vld [tilespmem:s23+$0x1B0]  }
0x32d: {  	[tilespmem:s23+$0x170] =	vst v0;
	v0 =	vld [tilespmem:s9+$0x6430];
	v6 =	vadd.f32 v8, v6  }
0x32e: {  	v3 =	vmul.f32 $1.131370830e+01, v3;
	v8 =	vld [tilespmem:s13+$0x6430];
	v7 =	vadd.f32 v52, v7  }
0x32f: {  	[tilespmem:s23+$0xFFFFFE30] =	vst v6;
	v6 =	vld [tilespmem:s23+$0xFFFFFE40]  }
0x330: {  	v3 =	vadd.f32 v53, v3;
	[tilespmem:s23+$0x30] =	vst v7;
	v7 =	vld [tilespmem:s23+$0x40]  }
0x331: {  	v5 =	vmul.f32 $1.131370830e+01, v5;
	v55 =	vld [tilespmem:s12+$0x6440]  }
0x332: {  	[tilespmem:s23+$0xFFFFFF40] =	vst v3;
	v3 =	vld [tilespmem:s23+$0xFFFFFF50]  }
0x333: {  	v5 =	vadd.f32 v57, v5;
	v56 =	vld [tilespmem:s11+$0x6450]  }
0x334: {  	v0 =	vadd.f32 v0, v2;
	v2 =	vld [tilespmem:s21+$0x6430]  }
0x335: {  	v1 =	vmul.f32 $1.131370830e+01, v1;
	[tilespmem:s23+$0xFFFFFFD0] =	vst v5;
	v5 =	vld [tilespmem:s23+$0xFFFFFFE0]  }
0x336: {  	v60 =	vld [tilespmem:s24+$0x6460];
	v7 =	vmul.f32 $1.131370830e+01, v7  }
0x337: {  	v4 =	vmul.f32 $1.131370830e+01, v4;
	v1 =	vadd.f32 v8, v1;
	[tilespmem:s23+$0xFFFFFEB0] =	vst v0;
	v0 =	vld [tilespmem:s23+$0xFFFFFEC0]  }
0x338: {  	v8 =	vld [tilespmem:s9+$0x6440];
	v7 =	vadd.f32 v55, v7  }
0x339: {  	[tilespmem:s23+$0xB0] =	vst v1;
	v3 =	vmul.f32 $1.131370830e+01, v3;
	v2 =	vadd.f32 v2, v4;
	v4 =	vmul.f32 $1.131370830e+01, v6;
	v6 =	vld [tilespmem:s6+$0x6440]  }
0x33a: {  	v1 =	vld [tilespmem:s23+$0xC0];
	[tilespmem:s23+$0x40] =	vst v7  }
0x33b: {  	v3 =	vadd.f32 v56, v3;
	[tilespmem:s23+$0x1B0] =	vst v2;
	v2 =	vld [tilespmem:s23+$0x1C0]  }
0x33c: {  	v0 =	vmul.f32 $1.131370830e+01, v0;
	v58 =	vld [tilespmem:s12+$0x6450]  }
0x33d: {  	[tilespmem:s23+$0xFFFFFF50] =	vst v3;
	v3 =	vld [tilespmem:s23+$0xFFFFFF60]  }
0x33e: {  	v0 =	vadd.f32 v8, v0;
	v4 =	vadd.f32 v6, v4;
	v6 =	vld [tilespmem:s13+$0x6440]  }
0x33f: {  	v8 =	vld [tilespmem:s21+$0x6440]  }
0x340: {  	[tilespmem:s23+$0xFFFFFEC0] =	vst v0;
	v0 =	vld [tilespmem:s23+$0xFFFFFED0]  }
0x341: {  	v1 =	vmul.f32 $1.131370830e+01, v1;
	[tilespmem:s23+$0xFFFFFE40] =	vst v4;
	v4 =	vld [tilespmem:s23+$0xFFFFFE50]  }
0x342: {  	v2 =	vmul.f32 $1.131370830e+01, v2;
	v7 =	vld [tilespmem:s6+$0x6450]  }
0x343: {  	v1 =	vadd.f32 v6, v1;
	v6 =	vld [tilespmem:s23+$0x50]  }
0x344: {  	v2 =	vadd.f32 v8, v2;
	v8 =	vld [tilespmem:s9+$0x6450]  }
0x345: {  	v59 =	vld [tilespmem:s11+$0x6460]  }
0x346: {  	v4 =	vmul.f32 $1.131370830e+01, v4;
	[tilespmem:s23+$0xC0] =	vst v1;
	v1 =	vld [tilespmem:s23+$0xD0]  }
0x347: {  	v0 =	vmul.f32 $1.131370830e+01, v0;
	[tilespmem:s23+$0x1C0] =	vst v2;
	v2 =	vld [tilespmem:s23+$0x1D0]  }
0x348: {  	v4 =	vadd.f32 v7, v4;
	v7 =	vld [tilespmem:s13+$0x6450];
	v6 =	vmul.f32 $1.131370830e+01, v6  }
0x349: {  	v0 =	vadd.f32 v8, v0;
	v8 =	vld [tilespmem:s21+$0x6450]  }
0x34a: {  	[tilespmem:s23+$0xFFFFFE50] =	vst v4;
	v4 =	vld [tilespmem:s23+$0xFFFFFE60];
	v6 =	vadd.f32 v58, v6  }
0x34b: {  	[tilespmem:s23+$0xFFFFFED0] =	vst v0;
	v0 =	vld [tilespmem:s23+$0xFFFFFEE0];
	v1 =	vmul.f32 $1.131370830e+01, v1  }
0x34c: {  	v2 =	vmul.f32 $1.131370830e+01, v2;
	[tilespmem:s23+$0x50] =	vst v6;
	v6 =	vld [tilespmem:s23+$0x60]  }
0x34d: {  	v1 =	vadd.f32 v7, v1;
	v7 =	vld [tilespmem:s6+$0x6460]  }
0x34e: {  	v2 =	vadd.f32 v8, v2;
	v8 =	vld [tilespmem:s9+$0x6460]  }
0x34f: {  	v3 =	vmul.f32 $1.131370830e+01, v3;
	v61 =	vld [tilespmem:s12+$0x6460]  }
0x350: {  	v4 =	vmul.f32 $1.131370830e+01, v4;
	[tilespmem:s23+$0xD0] =	vst v1;
	v1 =	vld [tilespmem:s23+$0xE0]  }
0x351: {  	v3 =	vadd.f32 v59, v3;
	v0 =	vmul.f32 $1.131370830e+01, v0;
	[tilespmem:s23+$0x1D0] =	vst v2;
	v2 =	vld [tilespmem:s23+$0x1E0]  }
0x352: {  	v5 =	vmul.f32 $1.131370830e+01, v5;
	v4 =	vadd.f32 v7, v4;
	v7 =	vld [tilespmem:s13+$0x6460]  }
0x353: {  	[tilespmem:s23+$0xFFFFFF60] =	vst v3;
	v0 =	vadd.f32 v8, v0;
	v8 =	vld [tilespmem:s21+$0x6460]  }
0x354: {  	s15 =	sadd.s32 $0x8, s15;
	v63 =	vld [tilespmem:s23+$0xFFFFFF70];
	v6 =	vmul.f32 $1.131370830e+01, v6;
	[tilespmem:s23+$0xFFFFFE60] =	vst v4;
	v4 =	vadd.f32 v60, v5  }
0x355: {  	p1 =	slt.u32 s15, $0x78;
	v1 =	vmul.f32 $1.131370830e+01, v1;
	[tilespmem:s23+$0xFFFFFEE0] =	vst v0;
	v0 =	vld [tilespmem:s23+$0xFFFFFEF0]  }
.Ltmp4:
0x356: {  	v2 =	vmul.f32 $1.131370830e+01, v2;
	v3 =	vadd.f32 v61, v6;
	[tilespmem:s23+$0xFFFFFFE0] =	vst v4;
	v4 =	vld [tilespmem:s23+$0xFFFFFFF0];
	(pc) =	sbr.rel @p1 .LBB2_7-.Ltmp4, $4  }
0x357: {  	v5 =	vadd.f32 v7, v1;
	v1 =	vld [tilespmem:s23+$0x70]  }
0x358: {  	[tilespmem:s23+$0x60] =	vst v3;
	v3 =	vadd.f32 v8, v2;
	v7 =	vld [tilespmem:s6+$0x6470]  }
0x359: {  	v2 =	vmul.f32 $1.131370830e+01, v62;
	[tilespmem:s23+$0xE0] =	vst v5;
	v5 =	vld [tilespmem:s23+$0xF0]  }
0x35a: {  	s16 =	smov.u32 s23;
	v6 =	vmul.f32 $1.131370830e+01, v0;
	[tilespmem:s23+$0x1E0] =	vst v3;
	v3 =	vld [tilespmem:s23+$0x1F0];
	v0 =	vmul.f32 $1.131370830e+01, v63  }
0x35b: {  	v8 =	vld [tilespmem:s9+$0x6470]  }
0x35c: {  	v9 =	vld [tilespmem:s11+$0x6470]  }
0x35d: {  	v10 =	vld [tilespmem:s24+$0x6470]  }
0x35e: {  	v11 =	vld [tilespmem:s12+$0x6470]  }
0x35f: {  	v2 =	vadd.f32 v7, v2;
	v7 =	vld [tilespmem:s13+$0x6470]  }
0x360: {  	v4 =	vmul.f32 $1.131370830e+01, v4;
	v6 =	vadd.f32 v8, v6;
	v8 =	vld [tilespmem:s21+$0x6470]  }
0x361: {  	v1 =	vmul.f32 $1.131370830e+01, v1;
	[tilespmem:s16+$0xFFFFFE70] =	vst v2;
	v0 =	vadd.f32 v9, v0  }
0x362: {  	v2 =	vmul.f32 $1.131370830e+01, v5;
	v4 =	vadd.f32 v10, v4;
	[tilespmem:s16+$0xFFFFFEF0] =	vst v6  }
0x363: {  	v3 =	vmul.f32 $1.131370830e+01, v3;
	[tilespmem:s16+$0xFFFFFF70] =	vst v0;
	v0 =	vadd.f32 v11, v1  }
0x364: {  	[tilespmem:s16+$0xFFFFFFF0] =	vst v4;
	v1 =	vadd.f32 v7, v2  }
0x365: {  	s4 =	sadd.s32 s5, s8;
	[tilespmem:s16+$0x70] =	vst v0;
	v0 =	vadd.f32 v8, v3  }
0x366: {  	s4 =	sshll.u32 s4, $0x4;
	[tilespmem:s16+$0xF0] =	vst v1  }
0x367: {  	s6 =	simm.s32 $0x0;
	s12 =	simm.s32 $0x14800;
	s4 =	sadd.s32 s22, s4;
	[tilespmem:s16+$0x1F0] =	vst v0  }
0x368: {  	[hbm4b:s4+s6] =	stream.linear.scatter [tilespmem:s12], [sflag:$0x7], $0x4000, $0x38;
	[tilespmem:$0x1C800] =	vst v63  }
0x369: {  	s4 =	simm.s32 @!p0 $0x6  }
0x36a: {  	_ =	swait.ge @!p0 [sflag:s4], $0x4000  }
0x36b: {  	s8 =	simm.s32 @!p0 $0x80;
	s9 =	simm.s32 @!p0 $0x10800;
	[sflag:s4] =	ssyncset.done @!p0 $0x0  }
0x36c: {  	s13 =	simm.s32 $0x4;
	[sflag:s4] =	ssyncadd.s32 @!p0 $0xFFFFC000;
	s4 =	sadd.s32 @!p0 $0x280, s20  }
0x36d: {  	[tilespmem:s9], [sflag:$0x2] =	stream.indirect.gather @!p0 [hbm4b:s3+s8], $0x80, s4, s8, $0xb8;
	[tilespmem:$0x1C800] =	vst v63  }
0x36e: {  	_ =	swait.ge [sflag:s13], $0x4000  }
0x36f: {  	[sflag:s13] =	ssyncset.done $0x0  }
0x370: {  	s20 =	simm.s32 $0x18A00;
	[sflag:s13] =	ssyncadd.s32 $0xFFFFC000  }
0x371: {  	v0 =	vld [tilespmem:s20+$0x100]  }
0x372: {  	v1 =	vld [tilespmem:s20+$0xFFFFFE00]  }
0x373: {  	v3 =	vld [tilespmem:s20+$0xFFFFFE80]  }
0x374: {  	s15 =	rddreg [dreg:$0xb];
	v4 =	vld [tilespmem:s20+$0xFFFFFF00]  }
0x375: {  	s11 =	simm.s32 $0xFFFF9900;
	s12 =	simm.s32 $0xFFFF9980;
	s16 =	rddreg [dreg:$0xc];
	v5 =	vld [tilespmem:s20+$0xFFFFFF80]  }
0x376: {  	s9 =	simm.s32 $0xFFFF9B80;
	s4 =	sadd.s32 $0xFFFFFFF8, s15;
	s8 =	sadd.s32 s30, s16;
	v6 =	vld [tilespmem:s20+$0x0]  }
0x377: {  	s13 =	simm.s32 $0xFFFF9A00;
	s17 =	sadd.s32 $0x18E, s4;
	s18 =	sadd.s32 $0x188, s4;
	v7 =	vld [tilespmem:s20+$0x80]  }
0x378: {  	s19 =	sadd.s32 $0x189, s4;
	s21 =	sadd.s32 $0x18A, s4;
	s23 =	sadd.s32 $0x18B, s4;
	v26 =	vld [tilespmem:s20+$0xFFFFFF90]  }
0x379: {  	s24 =	sadd.s32 $0x18C, s4;
	v31 =	vld [tilespmem:s20+$0xFFFFFEA0];
	p1 =	sgt.u32 s17, $0xC7;
	p3 =	sgt.u32 s18, $0xC7  }
0x37a: {  	v44 =	vld [tilespmem:s20+$0xFFFFFE40];
	p4 =	sgt.u32 s19, $0xC7;
	p5 =	sgt.u32 s21, $0xC7;
	p2 =	sgt.u32 s23, $0xC7  }
0x37b: {  	v56 =	vld [tilespmem:s20+$0xFFFFFE60];
	s17 =	simm.s32 $0xFFFF9A80;
	s9 =	simm.s32 @!p1 $0xFFFFFF80;
	p1 =	sgt.u32 s24, $0xC7  }
0x37c: {  	v63 =	vld [tilespmem:s20+$0xFFFFFF70];
	s15 =	sadd.s32 s9, s8;
	s9 =	simm.s32 $0xFFFF9880;
	s17 =	simm.s32 @!p1 $0xFFFFFE80  }
0x37d: {  	s18 =	sadd.s32 $0x18D, s4;
	v2 =	vld [tilespmem:s15+$0x6400];
	s9 =	simm.s32 @!p3 $0xFFFFFC80;
	s21 =	sadd.s32 s17, s8  }
0x37e: {  	s11 =	simm.s32 @!p4 $0xFFFFFD00;
	s12 =	simm.s32 @!p5 $0xFFFFFD80;
	s26 =	sadd.s32 s9, s8;
	v13 =	vld [tilespmem:s21+$0x6400]  }
0x37f: {  	s13 =	simm.s32 @!p2 $0xFFFFFE00;
	p1 =	sgt.u32 s18, $0xC7;
	s9 =	sadd.s32 s11, s8;
	v22 =	vld [tilespmem:s26+$0x6400]  }
0x380: {  	s11 =	sadd.s32 s12, s8;
	s12 =	sadd.s32 s13, s8;
	s13 =	simm.s32 $0xFFFF9B00;
	v23 =	vld [tilespmem:s9+$0x6400]  }
0x381: {  	v0 =	vmul.f32 $1.131370830e+01, v0;
	v24 =	vld [tilespmem:s11+$0x6400];
	s13 =	simm.s32 @!p1 $0xFFFFFF00  }
0x382: {  	v12 =	vld [tilespmem:s12+$0x6400];
	s13 =	sadd.s32 s13, s8  }
0x383: {  	v1 =	vmul.f32 $1.131370830e+01, v1;
	v25 =	vld [tilespmem:s13+$0x6400];
	v0 =	vadd.f32 v2, v0  }
0x384: {  	s4 =	sadd.s32 $0x18F, s4;
	v3 =	vmul.f32 $1.131370830e+01, v3;
	v2 =	vld [tilespmem:s20+$0x110]  }
0x385: {  	v4 =	vmul.f32 $1.131370830e+01, v4;
	v6 =	vmul.f32 $1.131370830e+01, v6;
	p1 =	sgt.u32 s4, $0xC7;
	s4 =	sadd.s32 $0xFFFF9C00, s8;
	[tilespmem:s20+$0x100] =	vst v0;
	v0 =	vld [tilespmem:s20+$0x180];
	v1 =	vadd.f32 v22, v1  }
0x386: {  	s8 =	smov.u32 @p1 s4;
	v3 =	vadd.f32 v23, v3;
	v8 =	vld [tilespmem:s15+$0x6410]  }
0x387: {  	v7 =	vmul.f32 $1.131370830e+01, v7;
	v6 =	vadd.f32 v13, v6;
	[tilespmem:s20+$0xFFFFFE00] =	vst v1;
	v1 =	vadd.f32 v24, v4;
	v4 =	vld [tilespmem:s8+$0x6400]  }
0x388: {  	[tilespmem:s20+$0xFFFFFE80] =	vst v3;
	v3 =	vld [tilespmem:s20+$0xFFFFFE10]  }
0x389: {  	[tilespmem:s20+$0x0] =	vst v6;
	v6 =	vadd.f32 v25, v7;
	v7 =	vld [tilespmem:s20+$0x130]  }
0x38a: {  	v2 =	vmul.f32 $1.131370830e+01, v2;
	v27 =	vld [tilespmem:s9+$0x6410]  }
0x38b: {  	[tilespmem:s20+$0xFFFFFF00] =	vst v1;
	v1 =	vld [tilespmem:s20+$0xFFFFFE90]  }
0x38c: {  	[tilespmem:s20+$0x80] =	vst v6;
	v6 =	vld [tilespmem:s20+$0x190];
	v0 =	vmul.f32 $1.131370830e+01, v0;
	v2 =	vadd.f32 v8, v2  }
0x38d: {  	v28 =	vld [tilespmem:s11+$0x6410]  }
0x38e: {  	v8 =	vld [tilespmem:s20+$0x120];
	v0 =	vadd.f32 v4, v0;
	[tilespmem:s20+$0x110] =	vst v2  }
0x38f: {  	v2 =	vmul.f32 $1.131370830e+01, v5;
	v5 =	vld [tilespmem:s15+$0x6420]  }
0x390: {  	[tilespmem:s20+$0x180] =	vst v0;
	v0 =	vld [tilespmem:s20+$0x90]  }
0x391: {  	v30 =	vld [tilespmem:s13+$0x6410];
	v2 =	vadd.f32 v12, v2  }
0x392: {  	v4 =	vld [tilespmem:s20+$0x10];
	v1 =	vmul.f32 $1.131370830e+01, v1  }
0x393: {  	v8 =	vmul.f32 $1.131370830e+01, v8;
	[tilespmem:s20+$0xFFFFFF80] =	vst v2;
	v2 =	vld [tilespmem:s20+$0xFFFFFF10]  }
0x394: {  	v1 =	vadd.f32 v27, v1;
	v29 =	vld [tilespmem:s12+$0x6410]  }
0x395: {  	v5 =	vadd.f32 v5, v8;
	v8 =	vld [tilespmem:s26+$0x6410];
	v0 =	vmul.f32 $1.131370830e+01, v0  }
0x396: {  	[tilespmem:s20+$0xFFFFFE90] =	vst v1;
	v1 =	vld [tilespmem:s20+$0xFFFFFE20]  }
0x397: {  	v10 =	vmul.f32 $1.131370830e+01, v26;
	v33 =	vld [tilespmem:s9+$0x6420];
	[tilespmem:s20+$0x120] =	vst v5;
	v0 =	vadd.f32 v30, v0  }
0x398: {  	v3 =	vmul.f32 $1.131370830e+01, v3;
	v5 =	vld [tilespmem:s15+$0x6430]  }
0x399: {  	v10 =	vadd.f32 v29, v10;
	[tilespmem:s20+$0x90] =	vst v0;
	v0 =	vld [tilespmem:s20+$0x20]  }
0x39a: {  	v3 =	vadd.f32 v8, v3;
	v8 =	vld [tilespmem:s21+$0x6410]  }
0x39b: {  	v2 =	vmul.f32 $1.131370830e+01, v2;
	v37 =	vld [tilespmem:s13+$0x6420];
	[tilespmem:s20+$0xFFFFFF90] =	vst v10  }
0x39c: {  	v7 =	vmul.f32 $1.131370830e+01, v7;
	[tilespmem:s20+$0xFFFFFE10] =	vst v3;
	v3 =	vld [tilespmem:s8+$0x6410]  }
0x39d: {  	v2 =	vadd.f32 v28, v2;
	v35 =	vld [tilespmem:s12+$0x6420]  }
0x39e: {  	v5 =	vadd.f32 v5, v7;
	v7 =	vld [tilespmem:s20+$0x140]  }
0x39f: {  	v4 =	vmul.f32 $1.131370830e+01, v4;
	[tilespmem:s20+$0xFFFFFF10] =	vst v2;
	v32 =	vld [tilespmem:s26+$0x6420]  }
0x3a0: {  	v34 =	vld [tilespmem:s11+$0x6420]  }
0x3a1: {  	[tilespmem:s20+$0x130] =	vst v5;
	v2 =	vadd.f32 v8, v4;
	v8 =	vld [tilespmem:s20+$0xFFFFFF20]  }
0x3a2: {  	v6 =	vmul.f32 $1.131370830e+01, v6;
	v5 =	vld [tilespmem:s15+$0x6440]  }
0x3a3: {  	v1 =	vmul.f32 $1.131370830e+01, v1;
	v4 =	vld [tilespmem:s20+$0x150]  }
0x3a4: {  	[tilespmem:s20+$0x10] =	vst v2;
	v2 =	vadd.f32 v3, v6;
	v3 =	vld [tilespmem:s20+$0xFFFFFFA0]  }
0x3a5: {  	v6 =	vld [tilespmem:s20+$0x1A0];
	v7 =	vmul.f32 $1.131370830e+01, v7;
	v1 =	vadd.f32 v32, v1  }
0x3a6: {  	v36 =	vld [tilespmem:s21+$0x6420];
	[tilespmem:s20+$0x190] =	vst v2;
	v8 =	vmul.f32 $1.131370830e+01, v8  }
0x3a7: {  	v2 =	vld [tilespmem:s20+$0xA0];
	[tilespmem:s20+$0xFFFFFE20] =	vst v1;
	v5 =	vadd.f32 v5, v7;
	v7 =	vmul.f32 $1.131370830e+01, v31  }
0x3a8: {  	v1 =	vadd.f32 v34, v8;
	v8 =	vld [tilespmem:s26+$0x6430]  }
0x3a9: {  	[tilespmem:s20+$0x140] =	vst v5;
	v5 =	vadd.f32 v33, v7;
	v7 =	vld [tilespmem:s8+$0x6420]  }
0x3aa: {  	v3 =	vmul.f32 $1.131370830e+01, v3;
	v38 =	vld [tilespmem:s15+$0x6450]  }
0x3ab: {  	v0 =	vmul.f32 $1.131370830e+01, v0;
	[tilespmem:s20+$0xFFFFFF20] =	vst v1;
	v1 =	vld [tilespmem:s20+$0xFFFFFEB0]  }
0x3ac: {  	v3 =	vadd.f32 v35, v3;
	[tilespmem:s20+$0xFFFFFEA0] =	vst v5;
	v5 =	vld [tilespmem:s20+$0xFFFFFE30]  }
0x3ad: {  	v0 =	vadd.f32 v36, v0;
	v40 =	vld [tilespmem:s11+$0x6430]  }
0x3ae: {  	[tilespmem:s20+$0xFFFFFFA0] =	vst v3;
	v3 =	vld [tilespmem:s20+$0xFFFFFF30]  }
0x3af: {  	v2 =	vmul.f32 $1.131370830e+01, v2;
	[tilespmem:s20+$0x20] =	vst v0;
	v39 =	vld [tilespmem:s9+$0x6430]  }
0x3b0: {  	v6 =	vmul.f32 $1.131370830e+01, v6;
	v42 =	vld [tilespmem:s21+$0x6430]  }
0x3b1: {  	v2 =	vadd.f32 v37, v2;
	v41 =	vld [tilespmem:s12+$0x6430]  }
0x3b2: {  	v0 =	vadd.f32 v7, v6;
	v6 =	vld [tilespmem:s20+$0xFFFFFFB0]  }
0x3b3: {  	v4 =	vmul.f32 $1.131370830e+01, v4;
	[tilespmem:s20+$0xA0] =	vst v2;
	v2 =	vld [tilespmem:s20+$0x30]  }
0x3b4: {  	v7 =	vld [tilespmem:s20+$0x1B0];
	v1 =	vmul.f32 $1.131370830e+01, v1  }
0x3b5: {  	v4 =	vadd.f32 v38, v4;
	[tilespmem:s20+$0x1A0] =	vst v0;
	v0 =	vld [tilespmem:s20+$0xB0];
	v5 =	vmul.f32 $1.131370830e+01, v5  }
0x3b6: {  	v1 =	vadd.f32 v39, v1;
	v43 =	vld [tilespmem:s8+$0x6430]  }
0x3b7: {  	[tilespmem:s20+$0x150] =	vst v4;
	v5 =	vadd.f32 v8, v5;
	v8 =	vld [tilespmem:s13+$0x6430]  }
0x3b8: {  	v3 =	vmul.f32 $1.131370830e+01, v3;
	v50 =	vld [tilespmem:s15+$0x6460];
	[tilespmem:s20+$0xFFFFFEB0] =	vst v1  }
0x3b9: {  	v6 =	vmul.f32 $1.131370830e+01, v6;
	[tilespmem:s20+$0xFFFFFE30] =	vst v5;
	v5 =	vld [tilespmem:s20+$0x160]  }
0x3ba: {  	v3 =	vadd.f32 v40, v3;
	v45 =	vld [tilespmem:s9+$0x6440]  }
0x3bb: {  	v2 =	vmul.f32 $1.131370830e+01, v2;
	v1 =	vadd.f32 v41, v6;
	v6 =	vmul.f32 $1.131370830e+01, v7;
	v7 =	vld [tilespmem:s20+$0xFFFFFEC0]  }
0x3bc: {  	[tilespmem:s20+$0xFFFFFF30] =	vst v3;
	v3 =	vld [tilespmem:s20+$0xFFFFFF40]  }
0x3bd: {  	v2 =	vadd.f32 v42, v2;
	v46 =	vld [tilespmem:s11+$0x6440]  }
0x3be: {  	v0 =	vmul.f32 $1.131370830e+01, v0;
	[tilespmem:s20+$0xFFFFFFB0] =	vst v1;
	v1 =	vld [tilespmem:s20+$0xFFFFFFC0]  }
0x3bf: {  	[tilespmem:s20+$0x30] =	vst v2;
	v2 =	vadd.f32 v43, v6;
	v6 =	vld [tilespmem:s20+$0x40]  }
0x3c0: {  	v0 =	vadd.f32 v8, v0;
	v8 =	vld [tilespmem:s26+$0x6440]  }
0x3c1: {  	v47 =	vld [tilespmem:s12+$0x6440]  }
0x3c2: {  	v48 =	vld [tilespmem:s21+$0x6440]  }
0x3c3: {  	v11 =	vmul.f32 $1.131370830e+01, v44;
	[tilespmem:s20+$0xB0] =	vst v0;
	v0 =	vld [tilespmem:s20+$0xC0]  }
0x3c4: {  	[tilespmem:s20+$0x1B0] =	vst v2;
	v2 =	vld [tilespmem:s20+$0x1C0];
	v7 =	vmul.f32 $1.131370830e+01, v7  }
0x3c5: {  	v3 =	vmul.f32 $1.131370830e+01, v3;
	v49 =	vld [tilespmem:s13+$0x6440];
	v8 =	vadd.f32 v8, v11  }
0x3c6: {  	v4 =	vadd.f32 v45, v7;
	v7 =	vld [tilespmem:s8+$0x6440]  }
0x3c7: {  	v6 =	vmul.f32 $1.131370830e+01, v6;
	v3 =	vadd.f32 v46, v3;
	[tilespmem:s20+$0xFFFFFE40] =	vst v8;
	v8 =	vld [tilespmem:s20+$0xFFFFFE50]  }
0x3c8: {  	v1 =	vmul.f32 $1.131370830e+01, v1;
	[tilespmem:s20+$0xFFFFFEC0] =	vst v4;
	v4 =	vld [tilespmem:s20+$0xFFFFFED0]  }
0x3c9: {  	[tilespmem:s20+$0xFFFFFF40] =	vst v3;
	v3 =	vadd.f32 v48, v6;
	v6 =	vld [tilespmem:s20+$0xFFFFFF50]  }
0x3ca: {  	v1 =	vadd.f32 v47, v1;
	v51 =	vld [tilespmem:s9+$0x6450]  }
0x3cb: {  	v52 =	vld [tilespmem:s11+$0x6450]  }
0x3cc: {  	v2 =	vmul.f32 $1.131370830e+01, v2;
	[tilespmem:s20+$0xFFFFFFC0] =	vst v1;
	v1 =	vld [tilespmem:s20+$0xFFFFFFD0]  }
0x3cd: {  	v0 =	vmul.f32 $1.131370830e+01, v0;
	[tilespmem:s20+$0x40] =	vst v3;
	v3 =	vld [tilespmem:s20+$0x50]  }
0x3ce: {  	v2 =	vadd.f32 v7, v2;
	v7 =	vld [tilespmem:s26+$0x6450]  }
0x3cf: {  	v0 =	vadd.f32 v49, v0;
	v53 =	vld [tilespmem:s12+$0x6450]  }
0x3d0: {  	v54 =	vld [tilespmem:s21+$0x6450]  }
0x3d1: {  	[tilespmem:s20+$0xC0] =	vst v0;
	v0 =	vld [tilespmem:s20+$0xD0];
	v4 =	vmul.f32 $1.131370830e+01, v4  }
0x3d2: {  	[tilespmem:s20+$0x1C0] =	vst v2;
	v2 =	vld [tilespmem:s20+$0x1D0];
	v8 =	vmul.f32 $1.131370830e+01, v8;
	v6 =	vmul.f32 $1.131370830e+01, v6  }
0x3d3: {  	v55 =	vld [tilespmem:s8+$0x6450];
	v4 =	vadd.f32 v51, v4  }
0x3d4: {  	v6 =	vadd.f32 v52, v6;
	v7 =	vadd.f32 v7, v8;
	v8 =	vld [tilespmem:s13+$0x6450]  }
0x3d5: {  	[tilespmem:s20+$0xFFFFFED0] =	vst v4;
	v4 =	vld [tilespmem:s20+$0xFFFFFEE0]  }
0x3d6: {  	v1 =	vmul.f32 $1.131370830e+01, v1;
	[tilespmem:s20+$0xFFFFFF50] =	vst v6;
	v6 =	vld [tilespmem:s20+$0xFFFFFF60]  }
0x3d7: {  	v3 =	vmul.f32 $1.131370830e+01, v3;
	[tilespmem:s20+$0xFFFFFE50] =	vst v7;
	v7 =	vld [tilespmem:s20+$0x170]  }
0x3d8: {  	v1 =	vadd.f32 v53, v1;
	v57 =	vld [tilespmem:s9+$0x6460]  }
0x3d9: {  	v3 =	vadd.f32 v54, v3;
	v58 =	vld [tilespmem:s11+$0x6460]  }
0x3da: {  	[tilespmem:s20+$0xFFFFFFD0] =	vst v1;
	v1 =	vld [tilespmem:s20+$0xFFFFFFE0]  }
0x3db: {  	v0 =	vmul.f32 $1.131370830e+01, v0;
	[tilespmem:s20+$0x50] =	vst v3;
	v3 =	vld [tilespmem:s20+$0x60]  }
0x3dc: {  	v2 =	vmul.f32 $1.131370830e+01, v2;
	v59 =	vld [tilespmem:s12+$0x6460]  }
0x3dd: {  	v60 =	vld [tilespmem:s21+$0x6460];
	v0 =	vadd.f32 v8, v0  }
0x3de: {  	v5 =	vmul.f32 $1.131370830e+01, v5;
	v2 =	vadd.f32 v55, v2;
	v8 =	vld [tilespmem:s26+$0x6460]  }
0x3df: {  	v4 =	vmul.f32 $1.131370830e+01, v4;
	[tilespmem:s20+$0xD0] =	vst v0;
	v0 =	vld [tilespmem:s20+$0xE0]  }
0x3e0: {  	v5 =	vadd.f32 v50, v5;
	[tilespmem:s20+$0x1D0] =	vst v2;
	v2 =	vld [tilespmem:s20+$0x1E0];
	v6 =	vmul.f32 $1.131370830e+01, v6  }
0x3e1: {  	v11 =	vmul.f32 $1.131370830e+01, v56;
	v61 =	vld [tilespmem:s13+$0x6460];
	v4 =	vadd.f32 v57, v4  }
0x3e2: {  	[tilespmem:s20+$0x160] =	vst v5;
	v62 =	vld [tilespmem:s8+$0x6460];
	v1 =	vmul.f32 $1.131370830e+01, v1;
	v5 =	vadd.f32 v58, v6  }
0x3e3: {  	v14 =	vld [tilespmem:s15+$0x6470];
	v3 =	vmul.f32 $1.131370830e+01, v3;
	v8 =	vadd.f32 v8, v11;
	[tilespmem:s20+$0xFFFFFEE0] =	vst v4  }
0x3e4: {  	v1 =	vadd.f32 v59, v1;
	v4 =	vld [tilespmem:s20+$0xFFFFFEF0];
	[tilespmem:s20+$0xFFFFFF60] =	vst v5;
	v0 =	vmul.f32 $1.131370830e+01, v0  }
0x3e5: {  	v3 =	vadd.f32 v60, v3;
	v2 =	vmul.f32 $1.131370830e+01, v2;
	[tilespmem:s20+$0xFFFFFE60] =	vst v8;
	v8 =	vld [tilespmem:s20+$0xFFFFFE70]  }
0x3e6: {  	v6 =	vmul.f32 $1.131370830e+01, v7;
	v5 =	vld [tilespmem:s20+$0xFFFFFFF0];
	[tilespmem:s20+$0xFFFFFFE0] =	vst v1;
	v0 =	vadd.f32 v61, v0  }
0x3e7: {  	[tilespmem:s20+$0x60] =	vst v3;
	v1 =	vld [tilespmem:s20+$0x70];
	v2 =	vadd.f32 v62, v2  }
0x3e8: {  	v3 =	vld [tilespmem:s20+$0x1F0];
	[tilespmem:s20+$0xE0] =	vst v0;
	v0 =	vadd.f32 v14, v6  }
0x3e9: {  	s6 =	simm.s32 $0x14800;
	v7 =	vld [tilespmem:s26+$0x6470];
	[tilespmem:s20+$0x1E0] =	vst v2;
	v4 =	vmul.f32 $1.131370830e+01, v4  }
0x3ea: {  	s16 =	simm.s32 $0x18A00;
	s23 =	smov.u32 s30;
	s15 =	simm.s32 $0x0;
	v6 =	vld [tilespmem:s20+$0xF0];
	v2 =	vmul.f32 $1.131370830e+01, v8;
	[tilespmem:s20+$0x170] =	vst v0;
	v0 =	vmul.f32 $1.131370830e+01, v63  }
.LBB2_9:
0x3eb: {  	v8 =	vld [tilespmem:s9+$0x6470]  }
0x3ec: {  	v9 =	vld [tilespmem:s11+$0x6470]  }
0x3ed: {  	v10 =	vld [tilespmem:s12+$0x6470]  }
0x3ee: {  	v11 =	vld [tilespmem:s21+$0x6470];
	s20 =	sadd.s32 $0x400, s20  }
0x3ef: {  	s4 =	rddreg [dreg:$0xb];
	s18 =	smov.u32 s15;
	v12 =	vld [tilespmem:s20+$0x100]  }
0x3f0: {  	s19 =	rddreg [dreg:$0xc];
	s23 =	sadd.s32 $0x400, s23;
	s4 =	sadd.s32 s18, s4;
	v44 =	vld [tilespmem:s20+$0xFFFFFE20]  }
0x3f1: {  	s9 =	simm.s32 $0xFFFF9880;
	s11 =	simm.s32 $0xFFFF9900;
	v50 =	vld [tilespmem:s20+$0xFFFFFE30];
	s17 =	sadd.s32 $0x18E, s4  }
0x3f2: {  	s12 =	simm.s32 $0xFFFF9980;
	p2 =	sgt.u32 s17, $0xC7;
	v2 =	vadd.f32 v7, v2;
	v7 =	vld [tilespmem:s13+$0x6470];
	s13 =	simm.s32 $0xFFFF9B80  }
0x3f3: {  	s24 =	sadd.s32 $0x188, s4;
	v5 =	vmul.f32 $1.131370830e+01, v5;
	v4 =	vadd.f32 v8, v4;
	v8 =	vld [tilespmem:s8+$0x6470];
	s8 =	sadd.s32 s23, s19;
	s13 =	simm.s32 @!p2 $0xFFFFFF80  }
0x3f4: {  	s26 =	sadd.s32 $0x189, s4;
	p3 =	sgt.u32 s24, $0xC7;
	v1 =	vmul.f32 $1.131370830e+01, v1;
	v0 =	vadd.f32 v9, v0;
	[tilespmem:s16+$0xFFFFFE70] =	vst v2;
	v2 =	vld [tilespmem:s20+$0xFFFFFE00];
	s18 =	sadd.s32 s13, s8  }
0x3f5: {  	s17 =	sadd.s32 $0x18A, s4;
	s9 =	simm.s32 @!p3 $0xFFFFFC80;
	p2 =	sgt.u32 s26, $0xC7;
	[tilespmem:s16+$0xFFFFFEF0] =	vst v4;
	v4 =	vadd.f32 v10, v5;
	v5 =	vld [tilespmem:s18+$0x6400]  }
0x3f6: {  	p6 =	sgt.u32 s17, $0xC7;
	s11 =	simm.s32 @!p2 $0xFFFFFD00;
	s26 =	sadd.s32 s9, s8;
	[tilespmem:s16+$0xFFFFFF70] =	vst v0;
	v0 =	vadd.f32 v11, v1;
	v1 =	vld [tilespmem:s20+$0xFFFFFE80]  }
0x3f7: {  	s12 =	simm.s32 @!p6 $0xFFFFFD80;
	s9 =	sadd.s32 s11, s8;
	v34 =	vld [tilespmem:s26+$0x6400]  }
0x3f8: {  	s21 =	sadd.s32 $0x18B, s4;
	s24 =	sadd.s32 $0x18D, s4;
	s11 =	sadd.s32 s12, s8;
	v35 =	vld [tilespmem:s9+$0x6400]  }
0x3f9: {  	v6 =	vmul.f32 $1.131370830e+01, v6;
	s19 =	sadd.s32 $0x18C, s4;
	s4 =	sadd.s32 $0x18F, s4;
	v36 =	vld [tilespmem:s11+$0x6400]  }
0x3fa: {  	p5 =	sgt.u32 s21, $0xC7;
	v3 =	vmul.f32 $1.131370830e+01, v3;
	p2 =	sgt.u32 s4, $0xC7;
	s4 =	simm.s32 $0xFFFF9A00;
	v63 =	vld [tilespmem:s20+$0xFFFFFF70]  }
0x3fb: {  	p4 =	sgt.u32 s19, $0xC7;
	s13 =	simm.s32 $0xFFFF9A80;
	s4 =	simm.s32 @!p5 $0xFFFFFE00;
	[tilespmem:s16+$0xFFFFFFF0] =	vst v4;
	v4 =	vadd.f32 v7, v6;
	v6 =	vld [tilespmem:s20+$0xFFFFFF00]  }
0x3fc: {  	s13 =	simm.s32 @!p4 $0xFFFFFE80;
	s12 =	sadd.s32 s4, s8;
	[tilespmem:s16+$0x70] =	vst v0;
	v0 =	vadd.f32 v8, v3;
	v3 =	vld [tilespmem:s20+$0xFFFFFF80]  }
0x3fd: {  	s21 =	sadd.s32 s13, s8;
	v37 =	vld [tilespmem:s12+$0x6400]  }
0x3fe: {  	v7 =	vmul.f32 $1.131370830e+01, v12;
	v13 =	vld [tilespmem:s21+$0x6400]  }
0x3ff: {  	[tilespmem:s16+$0xF0] =	vst v4;
	v4 =	vld [tilespmem:s20+$0x0]  }
0x400: {  	v2 =	vmul.f32 $1.131370830e+01, v2;
	[tilespmem:s16+$0x1F0] =	vst v0;
	v0 =	vld [tilespmem:s20+$0x80];
	v5 =	vadd.f32 v5, v7  }
0x401: {  	p3 =	sgt.u32 s24, $0xC7;
	s16 =	simm.s32 $0xFFFF9B00;
	v7 =	vld [tilespmem:s20+$0x110]  }
0x402: {  	v1 =	vmul.f32 $1.131370830e+01, v1;
	s16 =	simm.s32 @!p3 $0xFFFFFF00;
	v2 =	vadd.f32 v34, v2;
	[tilespmem:s20+$0x100] =	vst v5;
	v5 =	vld [tilespmem:s20+$0x180]  }
0x403: {  	s13 =	sadd.s32 s16, s8;
	v8 =	vld [tilespmem:s18+$0x6410]  }
0x404: {  	s19 =	sadd.s32 $0xFFFF9C00, s8;
	v6 =	vmul.f32 $1.131370830e+01, v6;
	v1 =	vadd.f32 v35, v1;
	v3 =	vmul.f32 $1.131370830e+01, v3;
	v38 =	vld [tilespmem:s13+$0x6400];
	[tilespmem:s20+$0xFFFFFE00] =	vst v2  }
0x405: {  	s8 =	smov.u32 @p2 s19;
	v4 =	vmul.f32 $1.131370830e+01, v4;
	v39 =	vld [tilespmem:s26+$0x6410]  }
0x406: {  	v2 =	vadd.f32 v36, v6;
	[tilespmem:s20+$0xFFFFFE80] =	vst v1;
	v7 =	vmul.f32 $1.131370830e+01, v7;
	v1 =	vadd.f32 v37, v3;
	v3 =	vld [tilespmem:s8+$0x6400]  }
0x407: {  	v40 =	vld [tilespmem:s9+$0x6410]  }
0x408: {  	[tilespmem:s20+$0xFFFFFF00] =	vst v2;
	v2 =	vadd.f32 v13, v4;
	v4 =	vld [tilespmem:s20+$0xFFFFFE90];
	v7 =	vadd.f32 v8, v7  }
0x409: {  	v8 =	vld [tilespmem:s20+$0x120]  }
0x40a: {  	v41 =	vld [tilespmem:s11+$0x6410];
	[tilespmem:s20+$0x110] =	vst v7  }
0x40b: {  	v6 =	vld [tilespmem:s18+$0x6420]  }
0x40c: {  	[tilespmem:s20+$0x0] =	vst v2;
	v2 =	vld [tilespmem:s20+$0xFFFFFF90]  }
0x40d: {  	v0 =	vmul.f32 $1.131370830e+01, v0;
	[tilespmem:s20+$0xFFFFFF80] =	vst v1;
	v7 =	vld [tilespmem:s20+$0xFFFFFE10]  }
0x40e: {  	v42 =	vld [tilespmem:s12+$0x6410];
	v1 =	vmul.f32 $1.131370830e+01, v8  }
0x40f: {  	v0 =	vadd.f32 v38, v0;
	v43 =	vld [tilespmem:s21+$0x6410]  }
0x410: {  	v5 =	vmul.f32 $1.131370830e+01, v5;
	v8 =	vld [tilespmem:s20+$0xFFFFFF10];
	v1 =	vadd.f32 v6, v1  }
0x411: {  	[tilespmem:s20+$0x80] =	vst v0;
	v0 =	vld [tilespmem:s20+$0x130];
	v2 =	vmul.f32 $1.131370830e+01, v2  }
0x412: {  	v3 =	vadd.f32 v3, v5;
	v5 =	vmul.f32 $1.131370830e+01, v7;
	v7 =	vld [tilespmem:s20+$0x90];
	[tilespmem:s20+$0x120] =	vst v1  }
0x413: {  	v2 =	vadd.f32 v42, v2;
	v1 =	vmul.f32 $1.131370830e+01, v4;
	v4 =	vld [tilespmem:s18+$0x6430]  }
0x414: {  	[tilespmem:s20+$0x180] =	vst v3;
	v6 =	vld [tilespmem:s20+$0x10]  }
0x415: {  	v5 =	vadd.f32 v39, v5;
	[tilespmem:s20+$0xFFFFFF90] =	vst v2;
	v3 =	vmul.f32 $1.131370830e+01, v8;
	v8 =	vld [tilespmem:s20+$0x190]  }
0x416: {  	v0 =	vmul.f32 $1.131370830e+01, v0;
	v48 =	vld [tilespmem:s12+$0x6420]  }
0x417: {  	[tilespmem:s20+$0xFFFFFE10] =	vst v5;
	v5 =	vld [tilespmem:s13+$0x6410];
	v3 =	vadd.f32 v41, v3  }
0x418: {  	v45 =	vld [tilespmem:s26+$0x6420];
	v0 =	vadd.f32 v4, v0  }
0x419: {  	[tilespmem:s20+$0xFFFFFF10] =	vst v3;
	v4 =	vmul.f32 $1.131370830e+01, v7;
	v7 =	vld [tilespmem:s20+$0x140]  }
0x41a: {  	v6 =	vmul.f32 $1.131370830e+01, v6;
	v3 =	vld [tilespmem:s20+$0xFFFFFEA0];
	[tilespmem:s20+$0x130] =	vst v0  }
0x41b: {  	v0 =	vmul.f32 $1.131370830e+01, v8;
	v8 =	vld [tilespmem:s18+$0x6440]  }
0x41c: {  	v1 =	vadd.f32 v40, v1;
	v2 =	vadd.f32 v43, v6;
	v6 =	vld [tilespmem:s20+$0x150]  }
0x41d: {  	v4 =	vadd.f32 v5, v4;
	v5 =	vld [tilespmem:s20+$0xFFFFFFA0]  }
0x41e: {  	[tilespmem:s20+$0xFFFFFE90] =	vst v1;
	v1 =	vmul.f32 $1.131370830e+01, v7;
	v7 =	vld [tilespmem:s8+$0x6410]  }
0x41f: {  	v46 =	vld [tilespmem:s9+$0x6420]  }
0x420: {  	v47 =	vld [tilespmem:s11+$0x6420];
	[tilespmem:s20+$0x10] =	vst v2;
	v1 =	vadd.f32 v8, v1  }
0x421: {  	v49 =	vld [tilespmem:s21+$0x6420]  }
0x422: {  	v5 =	vmul.f32 $1.131370830e+01, v5;
	v8 =	vld [tilespmem:s20+$0xFFFFFF20];
	[tilespmem:s20+$0x140] =	vst v1  }
0x423: {  	v2 =	vmul.f32 $1.131370830e+01, v44;
	v0 =	vadd.f32 v7, v0;
	v1 =	vld [tilespmem:s18+$0x6450]  }
0x424: {  	[tilespmem:s20+$0x90] =	vst v4;
	v4 =	vld [tilespmem:s20+$0x20];
	v5 =	vadd.f32 v48, v5  }
0x425: {  	v3 =	vmul.f32 $1.131370830e+01, v3;
	v2 =	vadd.f32 v45, v2;
	[tilespmem:s20+$0x190] =	vst v0;
	v0 =	vld [tilespmem:s20+$0xA0]  }
0x426: {  	v6 =	vmul.f32 $1.131370830e+01, v6;
	[tilespmem:s20+$0xFFFFFFA0] =	vst v5;
	v5 =	vld [tilespmem:s20+$0xFFFFFFB0]  }
0x427: {  	[tilespmem:s20+$0xFFFFFE20] =	vst v2;
	v2 =	vadd.f32 v46, v3;
	v3 =	vld [tilespmem:s13+$0x6420];
	v7 =	vmul.f32 $1.131370830e+01, v8  }
0x428: {  	v52 =	vld [tilespmem:s12+$0x6430];
	v1 =	vadd.f32 v1, v6  }
0x429: {  	[tilespmem:s20+$0xFFFFFEA0] =	vst v2;
	v2 =	vadd.f32 v47, v7;
	v7 =	vld [tilespmem:s20+$0x170]  }
0x42a: {  	v6 =	vld [tilespmem:s20+$0x160];
	v0 =	vmul.f32 $1.131370830e+01, v0;
	[tilespmem:s20+$0x150] =	vst v1  }
0x42b: {  	v5 =	vmul.f32 $1.131370830e+01, v5;
	v1 =	vld [tilespmem:s18+$0x6460]  }
0x42c: {  	v0 =	vadd.f32 v3, v0;
	v3 =	vld [tilespmem:s20+$0xFFFFFF30]  }
0x42d: {  	v8 =	vld [tilespmem:s20+$0x1A0];
	[tilespmem:s20+$0xFFFFFF20] =	vst v2;
	v5 =	vadd.f32 v52, v5  }
0x42e: {  	v51 =	vld [tilespmem:s11+$0x6430]  }
0x42f: {  	[tilespmem:s20+$0xFFFFFFB0] =	vst v5;
	v5 =	vld [tilespmem:s20+$0xFFFFFFC0];
	v6 =	vmul.f32 $1.131370830e+01, v6  }
0x430: {  	[tilespmem:s20+$0xA0] =	vst v0;
	v0 =	vmul.f32 $1.131370830e+01, v7;
	v7 =	vld [tilespmem:s20+$0x30]  }
0x431: {  	v4 =	vmul.f32 $1.131370830e+01, v4;
	v1 =	vadd.f32 v1, v6;
	v6 =	vld [tilespmem:s8+$0x6420];
	v3 =	vmul.f32 $1.131370830e+01, v3  }
0x432: {  	v55 =	vld [tilespmem:s12+$0x6440]  }
0x433: {  	[tilespmem:s20+$0x160] =	vst v1;
	v1 =	vadd.f32 v49, v4;
	v4 =	vld [tilespmem:s20+$0xFFFFFEB0];
	v3 =	vadd.f32 v51, v3  }
0x434: {  	v8 =	vmul.f32 $1.131370830e+01, v8;
	v2 =	vld [tilespmem:s18+$0x6470]  }
0x435: {  	v5 =	vmul.f32 $1.131370830e+01, v5;
	[tilespmem:s20+$0xFFFFFF30] =	vst v3;
	v3 =	vld [tilespmem:s20+$0xFFFFFF40]  }
0x436: {  	[tilespmem:s20+$0x20] =	vst v1;
	v1 =	vadd.f32 v6, v8;
	v8 =	vld [tilespmem:s26+$0x6430]  }
0x437: {  	v5 =	vadd.f32 v55, v5;
	v53 =	vld [tilespmem:s21+$0x6430]  }
0x438: {  	v54 =	vld [tilespmem:s11+$0x6440]  }
0x439: {  	[tilespmem:s20+$0xFFFFFFC0] =	vst v5;
	v5 =	vld [tilespmem:s20+$0xFFFFFFD0]  }
0x43a: {  	v58 =	vld [tilespmem:s12+$0x6450]  }
0x43b: {  	v6 =	vmul.f32 $1.131370830e+01, v50;
	[tilespmem:s20+$0x1A0] =	vst v1;
	v1 =	vld [tilespmem:s20+$0xB0];
	v0 =	vadd.f32 v2, v0  }
0x43c: {  	v7 =	vmul.f32 $1.131370830e+01, v7;
	v2 =	vmul.f32 $1.131370830e+01, v4;
	v4 =	vld [tilespmem:s20+$0x1B0]  }
0x43d: {  	[tilespmem:s20+$0x170] =	vst v0;
	v0 =	vld [tilespmem:s9+$0x6430];
	v6 =	vadd.f32 v8, v6  }
0x43e: {  	v3 =	vmul.f32 $1.131370830e+01, v3;
	v8 =	vld [tilespmem:s13+$0x6430];
	v7 =	vadd.f32 v53, v7  }
0x43f: {  	[tilespmem:s20+$0xFFFFFE30] =	vst v6;
	v6 =	vld [tilespmem:s20+$0xFFFFFE40]  }
0x440: {  	v3 =	vadd.f32 v54, v3;
	[tilespmem:s20+$0x30] =	vst v7;
	v7 =	vld [tilespmem:s20+$0x40]  }
0x441: {  	v5 =	vmul.f32 $1.131370830e+01, v5;
	v56 =	vld [tilespmem:s21+$0x6440]  }
0x442: {  	[tilespmem:s20+$0xFFFFFF40] =	vst v3;
	v3 =	vld [tilespmem:s20+$0xFFFFFF50]  }
0x443: {  	v5 =	vadd.f32 v58, v5;
	v57 =	vld [tilespmem:s11+$0x6450]  }
0x444: {  	v0 =	vadd.f32 v0, v2;
	v2 =	vld [tilespmem:s8+$0x6430]  }
0x445: {  	v1 =	vmul.f32 $1.131370830e+01, v1;
	[tilespmem:s20+$0xFFFFFFD0] =	vst v5;
	v5 =	vld [tilespmem:s20+$0xFFFFFFE0]  }
0x446: {  	v61 =	vld [tilespmem:s12+$0x6460];
	v7 =	vmul.f32 $1.131370830e+01, v7  }
0x447: {  	v4 =	vmul.f32 $1.131370830e+01, v4;
	v1 =	vadd.f32 v8, v1;
	[tilespmem:s20+$0xFFFFFEB0] =	vst v0;
	v0 =	vld [tilespmem:s20+$0xFFFFFEC0]  }
0x448: {  	v8 =	vld [tilespmem:s9+$0x6440];
	v7 =	vadd.f32 v56, v7  }
0x449: {  	[tilespmem:s20+$0xB0] =	vst v1;
	v3 =	vmul.f32 $1.131370830e+01, v3;
	v2 =	vadd.f32 v2, v4;
	v4 =	vmul.f32 $1.131370830e+01, v6;
	v6 =	vld [tilespmem:s26+$0x6440]  }
0x44a: {  	v1 =	vld [tilespmem:s20+$0xC0];
	[tilespmem:s20+$0x40] =	vst v7  }
0x44b: {  	v3 =	vadd.f32 v57, v3;
	[tilespmem:s20+$0x1B0] =	vst v2;
	v2 =	vld [tilespmem:s20+$0x1C0]  }
0x44c: {  	v0 =	vmul.f32 $1.131370830e+01, v0;
	v59 =	vld [tilespmem:s21+$0x6450]  }
0x44d: {  	[tilespmem:s20+$0xFFFFFF50] =	vst v3;
	v3 =	vld [tilespmem:s20+$0xFFFFFF60]  }
0x44e: {  	v0 =	vadd.f32 v8, v0;
	v4 =	vadd.f32 v6, v4;
	v6 =	vld [tilespmem:s13+$0x6440]  }
0x44f: {  	v8 =	vld [tilespmem:s8+$0x6440]  }
0x450: {  	[tilespmem:s20+$0xFFFFFEC0] =	vst v0;
	v0 =	vld [tilespmem:s20+$0xFFFFFED0]  }
0x451: {  	v1 =	vmul.f32 $1.131370830e+01, v1;
	[tilespmem:s20+$0xFFFFFE40] =	vst v4;
	v4 =	vld [tilespmem:s20+$0xFFFFFE50]  }
0x452: {  	v2 =	vmul.f32 $1.131370830e+01, v2;
	v7 =	vld [tilespmem:s26+$0x6450]  }
0x453: {  	v1 =	vadd.f32 v6, v1;
	v6 =	vld [tilespmem:s20+$0x50]  }
0x454: {  	v2 =	vadd.f32 v8, v2;
	v8 =	vld [tilespmem:s9+$0x6450]  }
0x455: {  	v60 =	vld [tilespmem:s11+$0x6460]  }
0x456: {  	v4 =	vmul.f32 $1.131370830e+01, v4;
	[tilespmem:s20+$0xC0] =	vst v1;
	v1 =	vld [tilespmem:s20+$0xD0]  }
0x457: {  	v0 =	vmul.f32 $1.131370830e+01, v0;
	[tilespmem:s20+$0x1C0] =	vst v2;
	v2 =	vld [tilespmem:s20+$0x1D0]  }
0x458: {  	v4 =	vadd.f32 v7, v4;
	v7 =	vld [tilespmem:s13+$0x6450];
	v6 =	vmul.f32 $1.131370830e+01, v6  }
0x459: {  	v0 =	vadd.f32 v8, v0;
	v8 =	vld [tilespmem:s8+$0x6450]  }
0x45a: {  	[tilespmem:s20+$0xFFFFFE50] =	vst v4;
	v4 =	vld [tilespmem:s20+$0xFFFFFE60];
	v6 =	vadd.f32 v59, v6  }
0x45b: {  	[tilespmem:s20+$0xFFFFFED0] =	vst v0;
	v0 =	vld [tilespmem:s20+$0xFFFFFEE0];
	v1 =	vmul.f32 $1.131370830e+01, v1  }
0x45c: {  	v2 =	vmul.f32 $1.131370830e+01, v2;
	[tilespmem:s20+$0x50] =	vst v6;
	v6 =	vld [tilespmem:s20+$0x60]  }
0x45d: {  	v1 =	vadd.f32 v7, v1;
	v7 =	vld [tilespmem:s26+$0x6460]  }
0x45e: {  	v2 =	vadd.f32 v8, v2;
	v8 =	vld [tilespmem:s9+$0x6460]  }
0x45f: {  	v5 =	vmul.f32 $1.131370830e+01, v5;
	v62 =	vld [tilespmem:s21+$0x6460]  }
0x460: {  	v4 =	vmul.f32 $1.131370830e+01, v4;
	[tilespmem:s20+$0xD0] =	vst v1;
	v1 =	vld [tilespmem:s20+$0xE0]  }
0x461: {  	v5 =	vadd.f32 v61, v5;
	v0 =	vmul.f32 $1.131370830e+01, v0;
	[tilespmem:s20+$0x1D0] =	vst v2;
	v2 =	vld [tilespmem:s20+$0x1E0]  }
0x462: {  	v3 =	vmul.f32 $1.131370830e+01, v3;
	v4 =	vadd.f32 v7, v4;
	v7 =	vld [tilespmem:s13+$0x6460]  }
0x463: {  	[tilespmem:s20+$0xFFFFFFE0] =	vst v5;
	v0 =	vadd.f32 v8, v0;
	v8 =	vld [tilespmem:s8+$0x6460]  }
0x464: {  	s15 =	sadd.s32 $0x8, s15;
	v3 =	vadd.f32 v60, v3;
	v6 =	vmul.f32 $1.131370830e+01, v6;
	[tilespmem:s20+$0xFFFFFE60] =	vst v4;
	v4 =	vld [tilespmem:s20+$0xFFFFFE70]  }
0x465: {  	p1 =	slt.u32 s15, $0x78;
	v1 =	vmul.f32 $1.131370830e+01, v1;
	[tilespmem:s20+$0xFFFFFEE0] =	vst v0;
	v0 =	vld [tilespmem:s20+$0xFFFFFEF0]  }
.Ltmp5:
0x466: {  	v5 =	vld [tilespmem:s20+$0xFFFFFFF0];
	[tilespmem:s20+$0xFFFFFF60] =	vst v3;
	v2 =	vmul.f32 $1.131370830e+01, v2;
	v3 =	vadd.f32 v62, v6;
	(pc) =	sbr.rel @p1 .LBB2_9-.Ltmp5, $4  }
0x467: {  	v6 =	vadd.f32 v7, v1;
	v1 =	vld [tilespmem:s20+$0x70]  }
0x468: {  	[tilespmem:s20+$0x60] =	vst v3;
	v3 =	vadd.f32 v8, v2;
	v7 =	vld [tilespmem:s26+$0x6470]  }
0x469: {  	v2 =	vmul.f32 $1.131370830e+01, v4;
	[tilespmem:s20+$0xE0] =	vst v6;
	v6 =	vld [tilespmem:s20+$0xF0]  }
0x46a: {  	s16 =	smov.u32 s20;
	v4 =	vmul.f32 $1.131370830e+01, v0;
	[tilespmem:s20+$0x1E0] =	vst v3;
	v3 =	vld [tilespmem:s20+$0x1F0];
	v0 =	vmul.f32 $1.131370830e+01, v63  }
0x46b: {  	v8 =	vld [tilespmem:s9+$0x6470]  }
0x46c: {  	v9 =	vld [tilespmem:s11+$0x6470]  }
0x46d: {  	v10 =	vld [tilespmem:s12+$0x6470]  }
0x46e: {  	v11 =	vld [tilespmem:s21+$0x6470]  }
0x46f: {  	v57 =	vld [tilespmem:s13+$0x6470];
	v2 =	vadd.f32 v7, v2  }
0x470: {  	v5 =	vmul.f32 $1.131370830e+01, v5;
	v58 =	vld [tilespmem:s8+$0x6470];
	v4 =	vadd.f32 v8, v4  }
0x471: {  	v1 =	vmul.f32 $1.131370830e+01, v1;
	[tilespmem:s16+$0xFFFFFE70] =	vst v2;
	v0 =	vadd.f32 v9, v0  }
0x472: {  	v59 =	vmul.f32 $1.131370830e+01, v6;
	v60 =	vadd.f32 v10, v5;
	[tilespmem:s16+$0xFFFFFEF0] =	vst v4  }
0x473: {  	v3 =	vmul.f32 $1.131370830e+01, v3;
	v61 =	vadd.f32 v11, v1;
	[tilespmem:s16+$0xFFFFFF70] =	vst v0  }
.Ltmp6:
0x474: {  	v62 =	vadd.f32 v57, v59;
	[tilespmem:s16+$0xFFFFFFF0] =	vst v60;
	(pc) =	sbr.rel @p0 .LBB2_12-.Ltmp6, $4  }
0x475: {  	s1 =	sadd.s32 s5, s1;
	v63 =	vadd.f32 v58, v3;
	[tilespmem:s16+$0x70] =	vst v61  }
0x476: {  	s1 =	sshll.u32 s1, $0x4;
	[tilespmem:s16+$0xF0] =	vst v62  }
0x477: {  	s4 =	simm.s32 $0x0;
	s26 =	simm.s32 $0x18800;
	s1 =	sadd.s32 s22, s1;
	[tilespmem:s16+$0x1F0] =	vst v63  }
0x478: {  	[hbm4b:s1+s4] =	stream.linear.scatter [tilespmem:s26], [sflag:$0x8], $0x4000, $0x38;
	[tilespmem:$0x1C800] =	vst v63  }
0x479: {  	s4 =	simm.s32 $0x7;
	s1 =	sshrl.u32 s7, $0x2  }
0x47a: {  	s19 =	simm.s32 $0x80;
	s10 =	sadd.s32 $0x1, s10;
	s0 =	sadd.s32 $0x200, s0  }
.Ltmp7:
0x47b: {  	s2 =	sadd.s32 $0x10000, s2;
	s31 =	sadd.s32 $0x200, s31;
	(pc) =	sbr.rel .LBB2_2-.Ltmp7, $4  }
0x47c: {  	s14 =	sadd.s32 $0x10000, s14;
	s25 =	sadd.s32 $0x200, s25;
	_ =	swait.ge [sflag:s4], $0x4000  }
0x47d: {  	s28 =	sadd.s32 $0x10000, s28;
	s29 =	sadd.s32 $0x200, s29;
	[sflag:s4] =	ssyncset.done $0x0  }
0x47e: {  	s30 =	sadd.s32 $0x10000, s30;
	s1 =	sadd.s32 $0x300, s1;
	[sflag:s4] =	ssyncadd.s32 $0xFFFFC000  }
0x47f: {  	[tilespmem:s6], [sflag:$0x3] =	stream.indirect.gather [hbm4b:s3+s19], $0x80, s1, s19, $0xb8;
	[tilespmem:$0x1C800] =	vst v63  }
.LBB2_13:
0x480: {  	_ =	sfence.sel $0x180000  }
0x481: {  	[bflag:$0x0] =	sbarrier.arrive $0xFFFF  }
0x482: {  	_ =	strace $0x90000047  }
0x483: {  	s0 =	stileid.u32;
	[bflag:$0x2] =	sbarrier.arrive $0xFFFF  }
0x484: {  	p0 =	sne.s32 s0, $0x0;
	s0 =	rddreg [dreg:$0x3]  }
0x485: {  	s0 =	sadd.s32 @!p0 $0x100000, s0  }
0x486: {  	[sflag:s0] =	ssyncadd.tile.s32 @!p0 $0x1;
	_ =	shalt  }
.Lfunc_end2:
_tile_overlayer_lowered:
.L_overlay_start_2:
0x487: {  	(tag) =	ssettag $0x2  }
0x488: {  	s0 =	rddreg [dreg:$0x0];
	s2 =	stileid.u32  }
0x489: {  	s1 =	rddreg [dreg:$0x1];
	p0 =	sne.s32 s2, $0x0  }
0x48a: {  	s3 =	rddreg [dreg:$0x2];
	[bflag:$0x3] =	sbarrier.arrive $0xFFFF;
	s2 =	simm.s32 @!p0 $0x1C09  }
0x48b: {  	[timem:s3], [sflag:s2] =	dma.local @!p0 [hbm:s0], s1  }
0x48c: {  	s0 =	simm.s32 @!p0 $0x9  }
0x48d: {  	_ =	swait.ge @!p0 [sflag:s0], s1  }
0x48e: {  	s1 =	ssub.s32 @!p0 $0x0, s1;
	[sflag:s0] =	ssyncset.done @!p0 $0x0  }
0x48f: {  	[sflag:s0] =	ssyncadd.s32 @!p0 s1  }
0x490: {  	[bflag:$0x3] =	sbarrier.arrive $0xFFFF  }
0x491: {  	_ =	shalt  }

</sc_bundles>
